<compile_context>
chip_gen: v7x
topology: tpu7x:2x2x1
jax: 0.10.2.dev20260603
libtpu: 0.0.44.dev20260713+nightly
codegen_flags: <defaults>
</compile_context>

<pallas_src>
import functools

import jax
import jax.numpy as jnp
from jax import lax
from jax.experimental import pallas as pl
from jax.experimental.pallas import tpu as pltpu
from jax.experimental.pallas import tpu_sc as plsc

N = 6000
E = 384000
H = 256
SCW = 32

NC = 2
NS = 16
NW = NC * NS
L = 16
EPW = E // NW
CG = 48
NCHUNK = EPW // CG
DG = 384


def _gather_body(p_hbm, q_hbm, eif_hbm, g_hbm,
                 rowv, colv, pg0, qg0, pg1, qg1, sp0, sq0, sp1, sq1):
    wid = lax.axis_index("s") * NC + lax.axis_index("c")
    base0 = wid * EPW
    pltpu.sync_copy(eif_hbm.at[pl.ds(base0, EPW)], rowv)
    pltpu.sync_copy(eif_hbm.at[pl.ds(E + base0, EPW)], colv)

    def fire(k, pg, qg, sp, sq):
        off = k * CG
        pltpu.async_copy(p_hbm.at[rowv.at[pl.ds(off, CG)]], pg, sp)
        pltpu.async_copy(q_hbm.at[colv.at[pl.ds(off, CG)]], qg, sq)

    def drain(k, pg, qg, sp, sq):
        off = k * CG
        pltpu.make_async_copy(p_hbm.at[rowv.at[pl.ds(off, CG)]], pg, sp).wait()
        pltpu.make_async_copy(q_hbm.at[colv.at[pl.ds(off, CG)]], qg, sq).wait()

    def addwrite(k, pg, qg):
        @plsc.parallel_loop(0, CG, step=1, unroll=4)
        def abody(j):
            for l in range(H // L):
                sl = pl.ds(l * L, L)
                pg[j, sl] = pg[j, sl] + qg[j, sl]
            sl = pl.ds(H, L)
            pg[j, sl] = pg[j, sl] - qg[j, sl]

        pltpu.sync_copy(pg, g_hbm.at[pl.ds(base0 + k * CG, CG)])

    fire(0, pg0, qg0, sp0, sq0)

    def pair_body(g, _):
        k0 = 2 * g
        k1 = 2 * g + 1
        fire(k1, pg1, qg1, sp1, sq1)
        drain(k0, pg0, qg0, sp0, sq0)
        addwrite(k0, pg0, qg0)

        @pl.when(k0 + 2 < NCHUNK)
        def _():
            fire(k0 + 2, pg0, qg0, sp0, sq0)

        drain(k1, pg1, qg1, sp1, sq1)
        addwrite(k1, pg1, qg1)
        return 0

    lax.fori_loop(0, NCHUNK // 2, pair_body, 0)


def _gather_stage(P, Q, eif):
    mesh = plsc.VectorSubcoreMesh(core_axis_name="c", subcore_axis_name="s")
    f = functools.partial(
        pl.kernel,
        out_type=jax.ShapeDtypeStruct((E, DG), jnp.float32),
        mesh=mesh,
        scratch_types=[
            pltpu.VMEM((EPW,), jnp.int32),
            pltpu.VMEM((EPW,), jnp.int32),
            pltpu.VMEM((CG, DG), jnp.float32),
            pltpu.VMEM((CG, DG), jnp.float32),
            pltpu.VMEM((CG, DG), jnp.float32),
            pltpu.VMEM((CG, DG), jnp.float32),
            pltpu.SemaphoreType.DMA,
            pltpu.SemaphoreType.DMA,
            pltpu.SemaphoreType.DMA,
            pltpu.SemaphoreType.DMA,
        ],
        compiler_params=pltpu.CompilerParams(needs_layout_passes=False),
    )(_gather_body)
    return f(P, Q, eif)


def _pq_body(nf_ref, wa_ref, wb_ref, eb1_ref, coords_ref, p_ref, q_ref):
    nf = nf_ref[...]
    cpad = jnp.concatenate(
        [coords_ref[...], jnp.zeros((N, DG - H - 3), jnp.float32)], axis=1)
    p = jnp.dot(nf, wa_ref[...], preferred_element_type=jnp.float32) + eb1_ref[...]
    q = jnp.dot(nf, wb_ref[...], preferred_element_type=jnp.float32)
    p_ref[...] = jnp.concatenate([p, cpad], axis=1)
    q_ref[...] = jnp.concatenate([q, cpad], axis=1)


def _compute_pq(nf, eW1a, eW1b, eb1, coords):
    return pl.pallas_call(
        _pq_body,
        out_shape=[
            jax.ShapeDtypeStruct((N, DG), jnp.float32),
            jax.ShapeDtypeStruct((N, DG), jnp.float32),
        ],
    )(nf, eW1a, eW1b, eb1, coords)


CS = 120
NCHUNK3 = EPW // CS
NPAD = 6016
RPT = NPAD // NS


def _scatter_body(scat_hbm, row_hbm, part_hbm, rowv, sv, zbuf, acc):
    cid = lax.axis_index("c")
    sid = lax.axis_index("s")
    wid = sid * NC + cid
    base0 = wid * EPW

    def zbody(j, _):
        for l in range(SCW // L):
            zbuf[j, pl.ds(l * L, L)] = jnp.zeros((L,), jnp.float32)
        return 0

    lax.fori_loop(0, RPT, zbody, 0)
    pltpu.sync_copy(zbuf, acc.at[pl.ds(sid * RPT, RPT)])
    plsc.subcore_barrier()

    def chunk_body(i, _):
        base = base0 + i * CS
        pltpu.sync_copy(row_hbm.at[pl.ds(base, CS)], rowv)
        pltpu.sync_copy(scat_hbm.at[pl.ds(base, CS)], sv)
        pltpu.sync_copy(sv, acc.at[rowv], add=True)
        return 0

    lax.fori_loop(0, NCHUNK3, chunk_body, 0)
    plsc.subcore_barrier()
    pltpu.sync_copy(acc.at[pl.ds(sid * RPT, RPT)], zbuf)
    pltpu.sync_copy(zbuf, part_hbm.at[cid, pl.ds(sid * RPT, RPT)])


def _scatter_stage(scat, row):
    mesh = plsc.VectorSubcoreMesh(core_axis_name="c", subcore_axis_name="s")
    f = functools.partial(
        pl.kernel,
        out_type=jax.ShapeDtypeStruct((NC, NPAD, SCW), jnp.float32),
        mesh=mesh,
        scratch_types=[
            pltpu.VMEM((CS,), jnp.int32),
            pltpu.VMEM((CS, SCW), jnp.float32),
            pltpu.VMEM((RPT, SCW), jnp.float32),
            pltpu.VMEM_SHARED((NPAD, SCW), jnp.float32),
        ],
        compiler_params=pltpu.CompilerParams(
            needs_layout_passes=False, use_tc_tiling_on_sc=False),
    )(_scatter_body)
    return f(scat, row)


BE = 1920


def _edge_body(g_ref, attr_ref, ew1c_ref, ew1d_ref, ew2_ref, eb2_ref,
               cw1_ref, cb1_ref, cw2_ref, few_ref, feb_ref, dew_ref, deb_ref,
               scat_ref, eemb_ref, erec_ref):
    attr = attr_ref[...]
    cd = g_ref[:, H:H + 3]
    radial = jnp.sum(cd * cd, axis=1, keepdims=True)
    pre = (g_ref[:, 0:H]
           + jnp.dot(attr, ew1c_ref[...], preferred_element_type=jnp.float32)
           + radial * ew1d_ref[...])
    hidden = jnp.maximum(pre, 0.0)
    edge_out = jnp.dot(hidden, ew2_ref[...], preferred_element_type=jnp.float32) + eb2_ref[...]
    h2 = jnp.maximum(jnp.dot(edge_out, cw1_ref[...], preferred_element_type=jnp.float32)
                     + cb1_ref[...], 0.0)
    coef = jnp.dot(h2, cw2_ref[...], preferred_element_type=jnp.float32)
    norm = jnp.sqrt(radial) + 1.0
    trans = (cd / norm) * coef
    eemb = jnp.dot(edge_out, few_ref[...], preferred_element_type=jnp.float32) + feb_ref[...]
    eemb_ref[...] = eemb
    erec_ref[...] = jnp.dot(eemb, dew_ref[...], preferred_element_type=jnp.float32) + deb_ref[...]
    scat_ref[...] = jnp.concatenate(
        [edge_out, trans, jnp.zeros((BE, SCW - 19), jnp.float32)], axis=1)


def _edge_stage(G, edge_attr, eW1c, eW1d, eW2, eb2, cW1, cb1, cW2,
                feW, feb, deW, deb):
    nblk = E // BE
    full = lambda s: pl.BlockSpec(s, lambda i: (0, 0))
    return pl.pallas_call(
        _edge_body,
        grid=(nblk,),
        in_specs=[
            pl.BlockSpec((BE, DG), lambda i: (i, 0)),
            pl.BlockSpec((BE, 16), lambda i: (i, 0)),
            full((16, H)), full((1, H)), full((H, 16)), full((1, 16)),
            full((16, 2)), full((1, 2)), full((2, 1)),
            full((16, 2)), full((1, 2)), full((2, 16)), full((1, 16)),
        ],
        out_specs=[
            pl.BlockSpec((BE, SCW), lambda i: (i, 0)),
            pl.BlockSpec((BE, 2), lambda i: (i, 0)),
            pl.BlockSpec((BE, 16), lambda i: (i, 0)),
        ],
        out_shape=[
            jax.ShapeDtypeStruct((E, SCW), jnp.float32),
            jax.ShapeDtypeStruct((E, 2), jnp.float32),
            jax.ShapeDtypeStruct((E, 16), jnp.float32),
        ],
    )(G, edge_attr, eW1c, eW1d, eW2, eb2, cW1, cb1, cW2, feW, feb, deW, deb)


def _node_body(nf_ref, part_ref, coords_ref, nw1a_ref, nw1b_ref, nw1c_ref,
               nb1_ref, nw2_ref, nb2_ref, fnw_ref, fnb_ref, dnw_ref, dnb_ref,
               nemb_ref, nrec_ref, cout_ref):
    agg = part_ref[0] + part_ref[1]
    agg_e = agg[:, 0:16]
    agg_c = agg[:, 16:19]
    coord_out = coords_ref[...] + agg_c
    cout_ref[...] = coord_out
    pre = (jnp.dot(nf_ref[...], nw1a_ref[...], preferred_element_type=jnp.float32)
           + jnp.dot(agg_e, nw1b_ref[...], preferred_element_type=jnp.float32)
           + jnp.dot(coord_out, nw1c_ref[...], preferred_element_type=jnp.float32)
           + nb1_ref[...])
    h = jnp.maximum(pre, 0.0)
    node_out = jnp.dot(h, nw2_ref[...], preferred_element_type=jnp.float32) + nb2_ref[...]
    nemb = jnp.dot(node_out, fnw_ref[...], preferred_element_type=jnp.float32) + fnb_ref[...]
    nemb_ref[...] = nemb
    nrec_ref[...] = jnp.dot(nemb, dnw_ref[...], preferred_element_type=jnp.float32) + dnb_ref[...]


def _node_stage(nf, partials, coords, nW1a, nW1b, nW1c, nb1, nW2, nb2,
                fnW, fnb, dnW, dnb):
    return pl.pallas_call(
        _node_body,
        out_shape=[
            jax.ShapeDtypeStruct((N, 2), jnp.float32),
            jax.ShapeDtypeStruct((N, 256), jnp.float32),
            jax.ShapeDtypeStruct((N, 3), jnp.float32),
        ],
    )(nf, partials, coords, nW1a, nW1b, nW1c, nb1, nW2, nb2, fnW, fnb, dnW, dnb)


BA = 768


def _adj_body(emb_ref, embt_ref, adj_ref):
    i = pl.program_id(0)
    j = pl.program_id(1)
    r = emb_ref[...]
    c = embt_ref[...]
    d0 = r[:, 0:1] - c[0:1, :]
    d1 = r[:, 1:2] - c[1:2, :]
    s = d0 * d0 + d1 * d1
    adj = jax.nn.sigmoid(3.0 * s - 1.0)
    row_ids = i * BA + lax.broadcasted_iota(jnp.int32, (BA, BA), 0)
    col_ids = j * BA + lax.broadcasted_iota(jnp.int32, (BA, BA), 1)
    adj_ref[...] = jnp.where(row_ids == col_ids, 0.0, adj)


def _adj_stage(node_emb, node_emb_t):
    nblk = pl.cdiv(N, BA)
    return pl.pallas_call(
        _adj_body,
        grid=(nblk, nblk),
        in_specs=[
            pl.BlockSpec((BA, 2), lambda i, j: (i, 0)),
            pl.BlockSpec((2, BA), lambda i, j: (0, j)),
        ],
        out_specs=pl.BlockSpec((BA, BA), lambda i, j: (i, j)),
        out_shape=jax.ShapeDtypeStruct((N, N), jnp.float32),
    )(node_emb, node_emb_t)


def kernel(node_feats, edge_index, edge_attr, coords, nW1, nb1, nW2, nb2,
           eW1, eb1, eW2, eb2, cW1, cb1, cW2, fnW, fnb, feW, feb, dnW, dnb,
           deW, deb):
    row = edge_index[0]
    eW1a = eW1[0:256]
    eW1b = eW1[256:512]
    eW1c = eW1[512:528]
    eW1d = eW1[528:529]

    P, Q = _compute_pq(node_feats, eW1a, eW1b, eb1.reshape(1, H), coords)

    G = _gather_stage(P, Q, edge_index.reshape(-1))

    scat, edge_emb, recon_edge = _edge_stage(
        G, edge_attr, eW1c, eW1d, eW2, eb2.reshape(1, 16),
        cW1, cb1.reshape(1, 2), cW2, feW, feb.reshape(1, 2), deW,
        deb.reshape(1, 16))

    partials = _scatter_stage(scat, row)[:, :N, :]

    node_emb, recon_node, coord_out = _node_stage(
        node_feats, partials, coords, nW1[0:256], nW1[256:272], nW1[272:275],
        nb1.reshape(1, H), nW2, nb2.reshape(1, 256), fnW, fnb.reshape(1, 2),
        dnW, dnb.reshape(1, 256))

    adj_pred = _adj_stage(node_emb, node_emb.T)

    return (node_emb, edge_emb, recon_node, recon_edge, adj_pred, coord_out)

# --- scband reference (transcript-rebuilt; emitter-appended) ---
"""Pipeline reference for scband-node-edge-coord-ae-55508157334089 (READ-ONLY COPY).

The authoritative reference and input builder live on the scoring server;
editing this copy changes nothing except your own understanding.
"""

import jax, jax.numpy as jnp
import numpy as np

N = 6000
E = 384000
IN_NODE = 256
IN_EDGE = 16
H = 256
OUT = 256
EMB = 2

def _lin_init(key, fan_in, fan_out, scale=1.0):
    return jax.random.normal(key, (fan_in, fan_out), dtype=jnp.float32) * (scale / np.sqrt(fan_in))

def setup_inputs(seed: int = 0):
    key = jax.random.key(seed)
    ks = jax.random.split(key, 16)
    node_feats = jax.random.normal(ks[0], (N, IN_NODE), dtype=jnp.float32)
    edge_index = jax.random.randint(ks[1], (2, E), 0, N, dtype=jnp.int32)
    edge_attr = jax.random.normal(ks[2], (E, IN_EDGE), dtype=jnp.float32)
    coords = jax.random.normal(ks[3], (N, 3), dtype=jnp.float32)
    params = dict(
        nW1=_lin_init(ks[4], IN_NODE + IN_EDGE + 3, H), nb1=jnp.zeros((H,), jnp.float32),
        nW2=_lin_init(ks[5], H, OUT), nb2=jnp.zeros((OUT,), jnp.float32),
        eW1=_lin_init(ks[6], 2 * IN_NODE + IN_EDGE + 1, H), eb1=jnp.zeros((H,), jnp.float32),
        eW2=_lin_init(ks[7], H, IN_EDGE), eb2=jnp.zeros((IN_EDGE,), jnp.float32),
        cW1=_lin_init(ks[8], IN_EDGE, 2), cb1=jnp.zeros((2,), jnp.float32),
        cW2=_lin_init(ks[9], 2, 1, scale=0.001),
        fnW=_lin_init(ks[10], OUT, EMB), fnb=jnp.zeros((EMB,), jnp.float32),
        feW=_lin_init(ks[11], IN_EDGE, EMB), feb=jnp.zeros((EMB,), jnp.float32),
        dnW=_lin_init(ks[12], EMB, IN_NODE), dnb=jnp.zeros((IN_NODE,), jnp.float32),
        deW=_lin_init(ks[13], EMB, IN_EDGE), deb=jnp.zeros((IN_EDGE,), jnp.float32),
    )
    out = {"node_feats": node_feats, "edge_index": edge_index, "edge_attr": edge_attr, "coords": coords}
    out.update(params)
    return out

def reference(node_feats, edge_index, edge_attr, coords, nW1, nb1, nW2, nb2, eW1, eb1, eW2, eb2, cW1, cb1, cW2, fnW, fnb, feW, feb, dnW, dnb, deW, deb):
    row = edge_index[0]
    col = edge_index[1]
    # coord_to_radial
    coord_diffs = coords[row] - coords[col]
    radial = jnp.sum(coord_diffs ** 2, axis=1, keepdims=True)
    norm = jnp.sqrt(radial) + 1.0
    ncd = coord_diffs / norm
    # edge_model
    edge_in = jnp.concatenate([node_feats[row], node_feats[col], edge_attr, radial], axis=1)
    edge_out = jax.nn.relu(edge_in @ eW1 + eb1) @ eW2 + eb2
    # coord_model
    h = jax.nn.relu(edge_out @ cW1 + cb1)
    trans = ncd * (h @ cW2)
    agg_c = jnp.zeros((node_feats.shape[0], 3), jnp.float32).at[row].add(trans)
    coord_out = coords + agg_c
    # node_model (unsorted_segment_sum of edge_out over row)
    agg_e = jnp.zeros((node_feats.shape[0], edge_out.shape[1]), jnp.float32).at[row].add(edge_out)
    node_in = jnp.concatenate([node_feats, agg_e, coord_out], axis=1)
    node_out = jax.nn.relu(node_in @ nW1 + nb1) @ nW2 + nb2
    # embeddings
    node_emb = node_out @ fnW + fnb
    edge_emb = edge_out @ feW + feb
    # decode
    recon_node_fs = node_emb @ dnW + dnb
    recon_edge_fs = edge_emb @ deW + deb
    n = node_emb.shape[0]
    X = (node_emb[None, :, :] - node_emb[:, None, :]) ** 2
    Xs = jax.nn.sigmoid(3.0 * jnp.sum(X.reshape(n * n, -1), axis=1) - 1.0)
    adj_pred = Xs.reshape(n, n) * (1.0 - jnp.eye(n, dtype=jnp.float32))
    return (node_emb, edge_emb, recon_node_fs, recon_edge_fs, adj_pred, coord_out)

if __name__ == "__main__":
    import jax
    _d = setup_inputs()
    print(jax.jit(kernel)(*tuple(_d.values())))

</pallas_src>

<mosaic_0001>
#map = affine_map<(d0, d1) -> (0, 0)>
#map1 = affine_map<(d0, d1) -> (0)>
module attributes {stable_mosaic.version = 14 : i64} {
  func.func @_gather_body(%arg0: i32, %arg1: i32, %arg2: memref<6000x384xf32, #tpu.memory_space<hbm>>, %arg3: memref<6000x384xf32, #tpu.memory_space<hbm>>, %arg4: memref<768000xi32, #tpu.memory_space<hbm>>, %arg5: memref<384000x384xf32, #tpu.memory_space<hbm>>, %arg6: memref<12000xi32, #tpu.memory_space<vmem>>, %arg7: memref<12000xi32, #tpu.memory_space<vmem>>, %arg8: memref<48x384xf32, #tpu.memory_space<vmem>>, %arg9: memref<48x384xf32, #tpu.memory_space<vmem>>, %arg10: memref<48x384xf32, #tpu.memory_space<vmem>>, %arg11: memref<48x384xf32, #tpu.memory_space<vmem>>, %arg12: memref<!tpu.dma_semaphore, #tpu.memory_space<semaphore_mem>>, %arg13: memref<!tpu.dma_semaphore, #tpu.memory_space<semaphore_mem>>, %arg14: memref<!tpu.dma_semaphore, #tpu.memory_space<semaphore_mem>>, %arg15: memref<!tpu.dma_semaphore, #tpu.memory_space<semaphore_mem>>) attributes {dimension_semantics = [#tpu.dimension_semantics<core_parallel>, #tpu.dimension_semantics<subcore_parallel>], iteration_bounds = array<i64: 2, 16>, scalar_prefetch = 0 : i64, scratch_operands = 10 : i64, tpu.core_type = #tpu.core_type<sc_vector_subcore>, window_params = [{transform_indices = #map}, {transform_indices = #map}, {transform_indices = #map1}, {transform_indices = #map}]} {
    %mul3A = arith.constant 2 : i32
    %mul3A_0 = arith.muli %arg1, %mul3A : i32
    %add3A = arith.addi %mul3A_0, %arg0 : i32
    %mul3A_1 = arith.constant 12000 : i32
    %mul3A_2 = arith.muli %add3A, %mul3A_1 : i32
    "tpu.region"() ({
      %run_scoped3A = tpu.sem_alloc : memref<!tpu.dma_semaphore, #tpu.memory_space<semaphore_mem>>
      %dma_start3A_20 = tpu.memref_slice %arg4[%mul3A_2] : memref<768000xi32, #tpu.memory_space<hbm>> -> memref<12000xi32, #tpu.memory_space<hbm>>
      %dma_start3A_21 = tpu.memref_slice %arg4[%mul3A_2] : memref<768000xi32, #tpu.memory_space<hbm>> -> memref<12000xi32, #tpu.memory_space<hbm>>
      tpu.enqueue_dma source(%dma_start3A_21 : memref<12000xi32, #tpu.memory_space<hbm>>) target(%arg6 : memref<12000xi32, #tpu.memory_space<vmem>>) target_semaphore(%run_scoped3A : memref<!tpu.dma_semaphore, #tpu.memory_space<semaphore_mem>>)
      %dma_wait3A = tpu.memref_slice %arg4[%mul3A_2] : memref<768000xi32, #tpu.memory_space<hbm>> -> memref<12000xi32, #tpu.memory_space<hbm>>
      %dma_wait3A_22 = tpu.memref_slice %arg4[%mul3A_2] : memref<768000xi32, #tpu.memory_space<hbm>> -> memref<12000xi32, #tpu.memory_space<hbm>>
      tpu.wait_dma2 semaphore(%run_scoped3A : memref<!tpu.dma_semaphore, #tpu.memory_space<semaphore_mem>>) src(%dma_wait3A_22 : memref<12000xi32, #tpu.memory_space<hbm>>) dst(%arg6 : memref<12000xi32, #tpu.memory_space<vmem>>)
      tpu.yield
    }) : () -> ()
    %add3A_3 = arith.constant 384000 : i32
    %add3A_4 = arith.addi %add3A_3, %mul3A_2 : i32
    "tpu.region"() ({
      %run_scoped3A = tpu.sem_alloc : memref<!tpu.dma_semaphore, #tpu.memory_space<semaphore_mem>>
      %dma_start3A_20 = tpu.memref_slice %arg4[%add3A_4] : memref<768000xi32, #tpu.memory_space<hbm>> -> memref<12000xi32, #tpu.memory_space<hbm>>
      %dma_start3A_21 = tpu.memref_slice %arg4[%add3A_4] : memref<768000xi32, #tpu.memory_space<hbm>> -> memref<12000xi32, #tpu.memory_space<hbm>>
      tpu.enqueue_dma source(%dma_start3A_21 : memref<12000xi32, #tpu.memory_space<hbm>>) target(%arg7 : memref<12000xi32, #tpu.memory_space<vmem>>) target_semaphore(%run_scoped3A : memref<!tpu.dma_semaphore, #tpu.memory_space<semaphore_mem>>)
      %dma_wait3A = tpu.memref_slice %arg4[%add3A_4] : memref<768000xi32, #tpu.memory_space<hbm>> -> memref<12000xi32, #tpu.memory_space<hbm>>
      %dma_wait3A_22 = tpu.memref_slice %arg4[%add3A_4] : memref<768000xi32, #tpu.memory_space<hbm>> -> memref<12000xi32, #tpu.memory_space<hbm>>
      tpu.wait_dma2 semaphore(%run_scoped3A : memref<!tpu.dma_semaphore, #tpu.memory_space<semaphore_mem>>) src(%dma_wait3A_22 : memref<12000xi32, #tpu.memory_space<hbm>>) dst(%arg7 : memref<12000xi32, #tpu.memory_space<vmem>>)
      tpu.yield
    }) : () -> ()
    %dma_start3A = arith.constant 0 : i32
    %dma_start3A_5 = tpu.memref_slice %arg6[%dma_start3A] : memref<12000xi32, #tpu.memory_space<vmem>> -> memref<48xi32, #tpu.memory_space<vmem>>
    %dma_start3A_6 = arith.constant 0 : i32
    %dma_start3A_7 = arith.constant 0 : i32
    %dma_start3A_8 = tpu.memref_slice %arg2[%dma_start3A_6, %dma_start3A_7] : memref<6000x384xf32, #tpu.memory_space<hbm>> -> memref<6000x384xf32, #tpu.memory_space<hbm>>
    tpu.enqueue_indirect_dma source(%dma_start3A_8 : memref<6000x384xf32, #tpu.memory_space<hbm>>) target(%arg8 : memref<48x384xf32, #tpu.memory_space<vmem>>) offsets(%dma_start3A_5 : memref<48xi32, #tpu.memory_space<vmem>>) semaphore(%arg12 : memref<!tpu.dma_semaphore, #tpu.memory_space<semaphore_mem>>)
    %dma_start3A_9 = arith.constant 0 : i32
    %dma_start3A_10 = tpu.memref_slice %arg7[%dma_start3A_9] : memref<12000xi32, #tpu.memory_space<vmem>> -> memref<48xi32, #tpu.memory_space<vmem>>
    %dma_start3A_11 = arith.constant 0 : i32
    %dma_start3A_12 = arith.constant 0 : i32
    %dma_start3A_13 = tpu.memref_slice %arg3[%dma_start3A_11, %dma_start3A_12] : memref<6000x384xf32, #tpu.memory_space<hbm>> -> memref<6000x384xf32, #tpu.memory_space<hbm>>
    tpu.enqueue_indirect_dma source(%dma_start3A_13 : memref<6000x384xf32, #tpu.memory_space<hbm>>) target(%arg9 : memref<48x384xf32, #tpu.memory_space<vmem>>) offsets(%dma_start3A_10 : memref<48xi32, #tpu.memory_space<vmem>>) semaphore(%arg13 : memref<!tpu.dma_semaphore, #tpu.memory_space<semaphore_mem>>)
    %scan3A = arith.constant 0 : i32
    %scan3A_14 = arith.constant 0 : i32
    %scan3A_15 = arith.constant 125 : i32
    %scan3A_16 = arith.addi %scan3A_14, %scan3A_15 : i32
    %scan3A_17 = arith.constant 1 : i32
    %scan3A_18 = scf.for %scan3A_20 = %scan3A_14 to %scan3A_16 step %scan3A_17 iter_args(%scan3A_21 = %scan3A) -> (i32)  : i32 {
      %mul3A_22 = arith.constant 2 : i32
      %mul3A_23 = arith.muli %mul3A_22, %scan3A_20 : i32
      %mul3A_24 = arith.constant 2 : i32
      %mul3A_25 = arith.muli %mul3A_24, %scan3A_20 : i32
      %add3A_26 = arith.constant 1 : i32
      %add3A_27 = arith.addi %mul3A_25, %add3A_26 : i32
      %mul3A_28 = arith.constant 48 : i32
      %mul3A_29 = arith.muli %add3A_27, %mul3A_28 : i32
      %dma_start3A_30 = tpu.memref_slice %arg6[%mul3A_29] : memref<12000xi32, #tpu.memory_space<vmem>> -> memref<48xi32, #tpu.memory_space<vmem>>
      %dma_start3A_31 = arith.constant 0 : i32
      %dma_start3A_32 = arith.constant 0 : i32
      %dma_start3A_33 = tpu.memref_slice %arg2[%dma_start3A_31, %dma_start3A_32] : memref<6000x384xf32, #tpu.memory_space<hbm>> -> memref<6000x384xf32, #tpu.memory_space<hbm>>
      tpu.enqueue_indirect_dma source(%dma_start3A_33 : memref<6000x384xf32, #tpu.memory_space<hbm>>) target(%arg10 : memref<48x384xf32, #tpu.memory_space<vmem>>) offsets(%dma_start3A_30 : memref<48xi32, #tpu.memory_space<vmem>>) semaphore(%arg14 : memref<!tpu.dma_semaphore, #tpu.memory_space<semaphore_mem>>)
      %dma_start3A_34 = tpu.memref_slice %arg7[%mul3A_29] : memref<12000xi32, #tpu.memory_space<vmem>> -> memref<48xi32, #tpu.memory_space<vmem>>
      %dma_start3A_35 = arith.constant 0 : i32
      %dma_start3A_36 = arith.constant 0 : i32
      %dma_start3A_37 = tpu.memref_slice %arg3[%dma_start3A_35, %dma_start3A_36] : memref<6000x384xf32, #tpu.memory_space<hbm>> -> memref<6000x384xf32, #tpu.memory_space<hbm>>
      tpu.enqueue_indirect_dma source(%dma_start3A_37 : memref<6000x384xf32, #tpu.memory_space<hbm>>) target(%arg11 : memref<48x384xf32, #tpu.memory_space<vmem>>) offsets(%dma_start3A_34 : memref<48xi32, #tpu.memory_space<vmem>>) semaphore(%arg15 : memref<!tpu.dma_semaphore, #tpu.memory_space<semaphore_mem>>)
      %mul3A_38 = arith.constant 48 : i32
      %mul3A_39 = arith.muli %mul3A_23, %mul3A_38 : i32
      %dma_wait3A = tpu.memref_slice %arg6[%mul3A_39] : memref<12000xi32, #tpu.memory_space<vmem>> -> memref<48xi32, #tpu.memory_space<vmem>>
      %dma_wait3A_40 = arith.constant 0 : i32
      %dma_wait3A_41 = arith.constant 0 : i32
      %dma_wait3A_42 = tpu.memref_slice %arg2[%dma_wait3A_40, %dma_wait3A_41] : memref<6000x384xf32, #tpu.memory_space<hbm>> -> memref<6000x384xf32, #tpu.memory_space<hbm>>
      tpu.wait_indirect_dma semaphore(%arg12 : memref<!tpu.dma_semaphore, #tpu.memory_space<semaphore_mem>>) src(%dma_wait3A_42 : memref<6000x384xf32, #tpu.memory_space<hbm>>) dst(%arg8 : memref<48x384xf32, #tpu.memory_space<vmem>>)
      %dma_wait3A_43 = tpu.memref_slice %arg7[%mul3A_39] : memref<12000xi32, #tpu.memory_space<vmem>> -> memref<48xi32, #tpu.memory_space<vmem>>
      %dma_wait3A_44 = arith.constant 0 : i32
      %dma_wait3A_45 = arith.constant 0 : i32
      %dma_wait3A_46 = tpu.memref_slice %arg3[%dma_wait3A_44, %dma_wait3A_45] : memref<6000x384xf32, #tpu.memory_space<hbm>> -> memref<6000x384xf32, #tpu.memory_space<hbm>>
      tpu.wait_indirect_dma semaphore(%arg13 : memref<!tpu.dma_semaphore, #tpu.memory_space<semaphore_mem>>) src(%dma_wait3A_46 : memref<6000x384xf32, #tpu.memory_space<hbm>>) dst(%arg9 : memref<48x384xf32, #tpu.memory_space<vmem>>)
      %parallel_loop3A = arith.constant 0 : i32
      %parallel_loop3A_47 = arith.constant 48 : i32
      %parallel_loop3A_48 = arith.constant 1 : i32
      scf.for %parallel_loop3A_73 = %parallel_loop3A to %parallel_loop3A_47 step %parallel_loop3A_48  : i32 {
        %parallel_loop3A_74 = arith.index_cast %parallel_loop3A_73 : i32 to index
        %parallel_loop3A_75 = arith.constant 0 : index
        %parallel_loop3A_76 = tpu.vector_load %arg8[%parallel_loop3A_74, %parallel_loop3A_75] {strides = array<i32>} : memref<48x384xf32, #tpu.memory_space<vmem>>, vector<16xf32>,
        %parallel_loop3A_77 = arith.index_cast %parallel_loop3A_73 : i32 to index
        %parallel_loop3A_78 = arith.constant 0 : index
        %parallel_loop3A_79 = tpu.vector_load %arg9[%parallel_loop3A_77, %parallel_loop3A_78] {strides = array<i32>} : memref<48x384xf32, #tpu.memory_space<vmem>>, vector<16xf32>,
        %parallel_loop3A_80 = arith.addf %parallel_loop3A_76, %parallel_loop3A_79 : vector<16xf32>
        %parallel_loop3A_81 = arith.index_cast %parallel_loop3A_73 : i32 to index
        %parallel_loop3A_82 = arith.constant 0 : index
        %parallel_loop3A_83 = tpu.vector_load %arg8[%parallel_loop3A_81, %parallel_loop3A_82] {strides = array<i32>} : memref<48x384xf32, #tpu.memory_space<vmem>>, vector<16xf32>,
        tpu.vector_store %arg8[%parallel_loop3A_81, %parallel_loop3A_82], %parallel_loop3A_80 {strides = array<i32>} : memref<48x384xf32, #tpu.memory_space<vmem>>, vector<16xf32>,
        %parallel_loop3A_84 = arith.index_cast %parallel_loop3A_73 : i32 to index
        %parallel_loop3A_85 = arith.constant 16 : index
        %parallel_loop3A_86 = tpu.vector_load %arg8[%parallel_loop3A_84, %parallel_loop3A_85] {strides = array<i32>} : memref<48x384xf32, #tpu.memory_space<vmem>>, vector<16xf32>,
        %parallel_loop3A_87 = arith.index_cast %parallel_loop3A_73 : i32 to index
        %parallel_loop3A_88 = arith.constant 16 : index
        %parallel_loop3A_89 = tpu.vector_load %arg9[%parallel_loop3A_87, %parallel_loop3A_88] {strides = array<i32>} : memref<48x384xf32, #tpu.memory_space<vmem>>, vector<16xf32>,
        %parallel_loop3A_90 = arith.addf %parallel_loop3A_86, %parallel_loop3A_89 : vector<16xf32>
        %parallel_loop3A_91 = arith.index_cast %parallel_loop3A_73 : i32 to index
        %parallel_loop3A_92 = arith.constant 16 : index
        %parallel_loop3A_93 = tpu.vector_load %arg8[%parallel_loop3A_91, %parallel_loop3A_92] {strides = array<i32>} : memref<48x384xf32, #tpu.memory_space<vmem>>, vector<16xf32>,
        tpu.vector_store %arg8[%parallel_loop3A_91, %parallel_loop3A_92], %parallel_loop3A_90 {strides = array<i32>} : memref<48x384xf32, #tpu.memory_space<vmem>>, vector<16xf32>,
        %parallel_loop3A_94 = arith.index_cast %parallel_loop3A_73 : i32 to index
        %parallel_loop3A_95 = arith.constant 32 : index
        %parallel_loop3A_96 = tpu.vector_load %arg8[%parallel_loop3A_94, %parallel_loop3A_95] {strides = array<i32>} : memref<48x384xf32, #tpu.memory_space<vmem>>, vector<16xf32>,
        %parallel_loop3A_97 = arith.index_cast %parallel_loop3A_73 : i32 to index
        %parallel_loop3A_98 = arith.constant 32 : index
        %parallel_loop3A_99 = tpu.vector_load %arg9[%parallel_loop3A_97, %parallel_loop3A_98] {strides = array<i32>} : memref<48x384xf32, #tpu.memory_space<vmem>>, vector<16xf32>,
        %parallel_loop3A_100 = arith.addf %parallel_loop3A_96, %parallel_loop3A_99 : vector<16xf32>
        %parallel_loop3A_101 = arith.index_cast %parallel_loop3A_73 : i32 to index
        %parallel_loop3A_102 = arith.constant 32 : index
        %parallel_loop3A_103 = tpu.vector_load %arg8[%parallel_loop3A_101, %parallel_loop3A_102] {strides = array<i32>} : memref<48x384xf32, #tpu.memory_space<vmem>>, vector<16xf32>,
        tpu.vector_store %arg8[%parallel_loop3A_101, %parallel_loop3A_102], %parallel_loop3A_100 {strides = array<i32>} : memref<48x384xf32, #tpu.memory_space<vmem>>, vector<16xf32>,
        %parallel_loop3A_104 = arith.index_cast %parallel_loop3A_73 : i32 to index
        %parallel_loop3A_105 = arith.constant 48 : index
        %parallel_loop3A_106 = tpu.vector_load %arg8[%parallel_loop3A_104, %parallel_loop3A_105] {strides = array<i32>} : memref<48x384xf32, #tpu.memory_space<vmem>>, vector<16xf32>,
        %parallel_loop3A_107 = arith.index_cast %parallel_loop3A_73 : i32 to index
        %parallel_loop3A_108 = arith.constant 48 : index
        %parallel_loop3A_109 = tpu.vector_load %arg9[%parallel_loop3A_107, %parallel_loop3A_108] {strides = array<i32>} : memref<48x384xf32, #tpu.memory_space<vmem>>, vector<16xf32>,
        %parallel_loop3A_110 = arith.addf %parallel_loop3A_106, %parallel_loop3A_109 : vector<16xf32>
        %parallel_loop3A_111 = arith.index_cast %parallel_loop3A_73 : i32 to index
        %parallel_loop3A_112 = arith.constant 48 : index
        %parallel_loop3A_113 = tpu.vector_load %arg8[%parallel_loop3A_111, %parallel_loop3A_112] {strides = array<i32>} : memref<48x384xf32, #tpu.memory_space<vmem>>, vector<16xf32>,
        tpu.vector_store %arg8[%parallel_loop3A_111, %parallel_loop3A_112], %parallel_loop3A_110 {strides = array<i32>} : memref<48x384xf32, #tpu.memory_space<vmem>>, vector<16xf32>,
        %parallel_loop3A_114 = arith.index_cast %parallel_loop3A_73 : i32 to index
        %parallel_loop3A_115 = arith.constant 64 : index
        %parallel_loop3A_116 = tpu.vector_load %arg8[%parallel_loop3A_114, %parallel_loop3A_115] {strides = array<i32>} : memref<48x384xf32, #tpu.memory_space<vmem>>, vector<16xf32>,
        %parallel_loop3A_117 = arith.index_cast %parallel_loop3A_73 : i32 to index
        %parallel_loop3A_118 = arith.constant 64 : index
        %parallel_loop3A_119 = tpu.vector_load %arg9[%parallel_loop3A_117, %parallel_loop3A_118] {strides = array<i32>} : memref<48x384xf32, #tpu.memory_space<vmem>>, vector<16xf32>,
        %parallel_loop3A_120 = arith.addf %parallel_loop3A_116, %parallel_loop3A_119 : vector<16xf32>
        %parallel_loop3A_121 = arith.index_cast %parallel_loop3A_73 : i32 to index
        %parallel_loop3A_122 = arith.constant 64 : index
        %parallel_loop3A_123 = tpu.vector_load %arg8[%parallel_loop3A_121, %parallel_loop3A_122] {strides = array<i32>} : memref<48x384xf32, #tpu.memory_space<vmem>>, vector<16xf32>,
        tpu.vector_store %arg8[%parallel_loop3A_121, %parallel_loop3A_122], %parallel_loop3A_120 {strides = array<i32>} : memref<48x384xf32, #tpu.memory_space<vmem>>, vector<16xf32>,
        %parallel_loop3A_124 = arith.index_cast %parallel_loop3A_73 : i32 to index
        %parallel_loop3A_125 = arith.constant 80 : index
        %parallel_loop3A_126 = tpu.vector_load %arg8[%parallel_loop3A_124, %parallel_loop3A_125] {strides = array<i32>} : memref<48x384xf32, #tpu.memory_space<vmem>>, vector<16xf32>,
        %parallel_loop3A_127 = arith.index_cast %parallel_loop3A_73 : i32 to index
        %parallel_loop3A_128 = arith.constant 80 : index
        %parallel_loop3A_129 = tpu.vector_load %arg9[%parallel_loop3A_127, %parallel_loop3A_128] {strides = array<i32>} : memref<48x384xf32, #tpu.memory_space<vmem>>, vector<16xf32>,
        %parallel_loop3A_130 = arith.addf %parallel_loop3A_126, %parallel_loop3A_129 : vector<16xf32>
        %parallel_loop3A_131 = arith.index_cast %parallel_loop3A_73 : i32 to index
        %parallel_loop3A_132 = arith.constant 80 : index
        %parallel_loop3A_133 = tpu.vector_load %arg8[%parallel_loop3A_131, %parallel_loop3A_132] {strides = array<i32>} : memref<48x384xf32, #tpu.memory_space<vmem>>, vector<16xf32>,
        tpu.vector_store %arg8[%parallel_loop3A_131, %parallel_loop3A_132], %parallel_loop3A_130 {strides = array<i32>} : memref<48x384xf32, #tpu.memory_space<vmem>>, vector<16xf32>,
        %parallel_loop3A_134 = arith.index_cast %parallel_loop3A_73 : i32 to index
        %parallel_loop3A_135 = arith.constant 96 : index
        %parallel_loop3A_136 = tpu.vector_load %arg8[%parallel_loop3A_134, %parallel_loop3A_135] {strides = array<i32>} : memref<48x384xf32, #tpu.memory_space<vmem>>, vector<16xf32>,
        %parallel_loop3A_137 = arith.index_cast %parallel_loop3A_73 : i32 to index
        %parallel_loop3A_138 = arith.constant 96 : index
        %parallel_loop3A_139 = tpu.vector_load %arg9[%parallel_loop3A_137, %parallel_loop3A_138] {strides = array<i32>} : memref<48x384xf32, #tpu.memory_space<vmem>>, vector<16xf32>,
        %parallel_loop3A_140 = arith.addf %parallel_loop3A_136, %parallel_loop3A_139 : vector<16xf32>
        %parallel_loop3A_141 = arith.index_cast %parallel_loop3A_73 : i32 to index
        %parallel_loop3A_142 = arith.constant 96 : index
        %parallel_loop3A_143 = tpu.vector_load %arg8[%parallel_loop3A_141, %parallel_loop3A_142] {strides = array<i32>} : memref<48x384xf32, #tpu.memory_space<vmem>>, vector<16xf32>,
        tpu.vector_store %arg8[%parallel_loop3A_141, %parallel_loop3A_142], %parallel_loop3A_140 {strides = array<i32>} : memref<48x384xf32, #tpu.memory_space<vmem>>, vector<16xf32>,
        %parallel_loop3A_144 = arith.index_cast %parallel_loop3A_73 : i32 to index
        %parallel_loop3A_145 = arith.constant 112 : index
        %parallel_loop3A_146 = tpu.vector_load %arg8[%parallel_loop3A_144, %parallel_loop3A_145] {strides = array<i32>} : memref<48x384xf32, #tpu.memory_space<vmem>>, vector<16xf32>,
        %parallel_loop3A_147 = arith.index_cast %parallel_loop3A_73 : i32 to index
        %parallel_loop3A_148 = arith.constant 112 : index
        %parallel_loop3A_149 = tpu.vector_load %arg9[%parallel_loop3A_147, %parallel_loop3A_148] {strides = array<i32>} : memref<48x384xf32, #tpu.memory_space<vmem>>, vector<16xf32>,
        %parallel_loop3A_150 = arith.addf %parallel_loop3A_146, %parallel_loop3A_149 : vector<16xf32>
        %parallel_loop3A_151 = arith.index_cast %parallel_loop3A_73 : i32 to index
        %parallel_loop3A_152 = arith.constant 112 : index
        %parallel_loop3A_153 = tpu.vector_load %arg8[%parallel_loop3A_151, %parallel_loop3A_152] {strides = array<i32>} : memref<48x384xf32, #tpu.memory_space<vmem>>, vector<16xf32>,
        tpu.vector_store %arg8[%parallel_loop3A_151, %parallel_loop3A_152], %parallel_loop3A_150 {strides = array<i32>} : memref<48x384xf32, #tpu.memory_space<vmem>>, vector<16xf32>,
        %parallel_loop3A_154 = arith.index_cast %parallel_loop3A_73 : i32 to index
        %parallel_loop3A_155 = arith.constant 128 : index
        %parallel_loop3A_156 = tpu.vector_load %arg8[%parallel_loop3A_154, %parallel_loop3A_155] {strides = array<i32>} : memref<48x384xf32, #tpu.memory_space<vmem>>, vector<16xf32>,
        %parallel_loop3A_157 = arith.index_cast %parallel_loop3A_73 : i32 to index
        %parallel_loop3A_158 = arith.constant 128 : index
        %parallel_loop3A_159 = tpu.vector_load %arg9[%parallel_loop3A_157, %parallel_loop3A_158] {strides = array<i32>} : memref<48x384xf32, #tpu.memory_space<vmem>>, vector<16xf32>,
        %parallel_loop3A_160 = arith.addf %parallel_loop3A_156, %parallel_loop3A_159 : vector<16xf32>
        %parallel_loop3A_161 = arith.index_cast %parallel_loop3A_73 : i32 to index
        %parallel_loop3A_162 = arith.constant 128 : index
        %parallel_loop3A_163 = tpu.vector_load %arg8[%parallel_loop3A_161, %parallel_loop3A_162] {strides = array<i32>} : memref<48x384xf32, #tpu.memory_space<vmem>>, vector<16xf32>,
        tpu.vector_store %arg8[%parallel_loop3A_161, %parallel_loop3A_162], %parallel_loop3A_160 {strides = array<i32>} : memref<48x384xf32, #tpu.memory_space<vmem>>, vector<16xf32>,
        %parallel_loop3A_164 = arith.index_cast %parallel_loop3A_73 : i32 to index
        %parallel_loop3A_165 = arith.constant 144 : index
        %parallel_loop3A_166 = tpu.vector_load %arg8[%parallel_loop3A_164, %parallel_loop3A_165] {strides = array<i32>} : memref<48x384xf32, #tpu.memory_space<vmem>>, vector<16xf32>,
        %parallel_loop3A_167 = arith.index_cast %parallel_loop3A_73 : i32 to index
        %parallel_loop3A_168 = arith.constant 144 : index
        %parallel_loop3A_169 = tpu.vector_load %arg9[%parallel_loop3A_167, %parallel_loop3A_168] {strides = array<i32>} : memref<48x384xf32, #tpu.memory_space<vmem>>, vector<16xf32>,
        %parallel_loop3A_170 = arith.addf %parallel_loop3A_166, %parallel_loop3A_169 : vector<16xf32>
        %parallel_loop3A_171 = arith.index_cast %parallel_loop3A_73 : i32 to index
        %parallel_loop3A_172 = arith.constant 144 : index
        %parallel_loop3A_173 = tpu.vector_load %arg8[%parallel_loop3A_171, %parallel_loop3A_172] {strides = array<i32>} : memref<48x384xf32, #tpu.memory_space<vmem>>, vector<16xf32>,
        tpu.vector_store %arg8[%parallel_loop3A_171, %parallel_loop3A_172], %parallel_loop3A_170 {strides = array<i32>} : memref<48x384xf32, #tpu.memory_space<vmem>>, vector<16xf32>,
        %parallel_loop3A_174 = arith.index_cast %parallel_loop3A_73 : i32 to index
        %parallel_loop3A_175 = arith.constant 160 : index
        %parallel_loop3A_176 = tpu.vector_load %arg8[%parallel_loop3A_174, %parallel_loop3A_175] {strides = array<i32>} : memref<48x384xf32, #tpu.memory_space<vmem>>, vector<16xf32>,
        %parallel_loop3A_177 = arith.index_cast %parallel_loop3A_73 : i32 to index
        %parallel_loop3A_178 = arith.constant 160 : index
        %parallel_loop3A_179 = tpu.vector_load %arg9[%parallel_loop3A_177, %parallel_loop3A_178] {strides = array<i32>} : memref<48x384xf32, #tpu.memory_space<vmem>>, vector<16xf32>,
        %parallel_loop3A_180 = arith.addf %parallel_loop3A_176, %parallel_loop3A_179 : vector<16xf32>
        %parallel_loop3A_181 = arith.index_cast %parallel_loop3A_73 : i32 to index
        %parallel_loop3A_182 = arith.constant 160 : index
        %parallel_loop3A_183 = tpu.vector_load %arg8[%parallel_loop3A_181, %parallel_loop3A_182] {strides = array<i32>} : memref<48x384xf32, #tpu.memory_space<vmem>>, vector<16xf32>,
        tpu.vector_store %arg8[%parallel_loop3A_181, %parallel_loop3A_182], %parallel_loop3A_180 {strides = array<i32>} : memref<48x384xf32, #tpu.memory_space<vmem>>, vector<16xf32>,
        %parallel_loop3A_184 = arith.index_cast %parallel_loop3A_73 : i32 to index
        %parallel_loop3A_185 = arith.constant 176 : index
        %parallel_loop3A_186 = tpu.vector_load %arg8[%parallel_loop3A_184, %parallel_loop3A_185] {strides = array<i32>} : memref<48x384xf32, #tpu.memory_space<vmem>>, vector<16xf32>,
        %parallel_loop3A_187 = arith.index_cast %parallel_loop3A_73 : i32 to index
        %parallel_loop3A_188 = arith.constant 176 : index
        %parallel_loop3A_189 = tpu.vector_load %arg9[%parallel_loop3A_187, %parallel_loop3A_188] {strides = array<i32>} : memref<48x384xf32, #tpu.memory_space<vmem>>, vector<16xf32>,
        %parallel_loop3A_190 = arith.addf %parallel_loop3A_186, %parallel_loop3A_189 : vector<16xf32>
        %parallel_loop3A_191 = arith.index_cast %parallel_loop3A_73 : i32 to index
        %parallel_loop3A_192 = arith.constant 176 : index
        %parallel_loop3A_193 = tpu.vector_load %arg8[%parallel_loop3A_191, %parallel_loop3A_192] {strides = array<i32>} : memref<48x384xf32, #tpu.memory_space<vmem>>, vector<16xf32>,
        tpu.vector_store %arg8[%parallel_loop3A_191, %parallel_loop3A_192], %parallel_loop3A_190 {strides = array<i32>} : memref<48x384xf32, #tpu.memory_space<vmem>>, vector<16xf32>,
        %parallel_loop3A_194 = arith.index_cast %parallel_loop3A_73 : i32 to index
        %parallel_loop3A_195 = arith.constant 192 : index
        %parallel_loop3A_196 = tpu.vector_load %arg8[%parallel_loop3A_194, %parallel_loop3A_195] {strides = array<i32>} : memref<48x384xf32, #tpu.memory_space<vmem>>, vector<16xf32>,
        %parallel_loop3A_197 = arith.index_cast %parallel_loop3A_73 : i32 to index
        %parallel_loop3A_198 = arith.constant 192 : index
        %parallel_loop3A_199 = tpu.vector_load %arg9[%parallel_loop3A_197, %parallel_loop3A_198] {strides = array<i32>} : memref<48x384xf32, #tpu.memory_space<vmem>>, vector<16xf32>,
        %parallel_loop3A_200 = arith.addf %parallel_loop3A_196, %parallel_loop3A_199 : vector<16xf32>
        %parallel_loop3A_201 = arith.index_cast %parallel_loop3A_73 : i32 to index
        %parallel_loop3A_202 = arith.constant 192 : index
        %parallel_loop3A_203 = tpu.vector_load %arg8[%parallel_loop3A_201, %parallel_loop3A_202] {strides = array<i32>} : memref<48x384xf32, #tpu.memory_space<vmem>>, vector<16xf32>,
        tpu.vector_store %arg8[%parallel_loop3A_201, %parallel_loop3A_202], %parallel_loop3A_200 {strides = array<i32>} : memref<48x384xf32, #tpu.memory_space<vmem>>, vector<16xf32>,
        %parallel_loop3A_204 = arith.index_cast %parallel_loop3A_73 : i32 to index
        %parallel_loop3A_205 = arith.constant 208 : index
        %parallel_loop3A_206 = tpu.vector_load %arg8[%parallel_loop3A_204, %parallel_loop3A_205] {strides = array<i32>} : memref<48x384xf32, #tpu.memory_space<vmem>>, vector<16xf32>,
        %parallel_loop3A_207 = arith.index_cast %parallel_loop3A_73 : i32 to index
        %parallel_loop3A_208 = arith.constant 208 : index
        %parallel_loop3A_209 = tpu.vector_load %arg9[%parallel_loop3A_207, %parallel_loop3A_208] {strides = array<i32>} : memref<48x384xf32, #tpu.memory_space<vmem>>, vector<16xf32>,
        %parallel_loop3A_210 = arith.addf %parallel_loop3A_206, %parallel_loop3A_209 : vector<16xf32>
        %parallel_loop3A_211 = arith.index_cast %parallel_loop3A_73 : i32 to index
        %parallel_loop3A_212 = arith.constant 208 : index
        %parallel_loop3A_213 = tpu.vector_load %arg8[%parallel_loop3A_211, %parallel_loop3A_212] {strides = array<i32>} : memref<48x384xf32, #tpu.memory_space<vmem>>, vector<16xf32>,
        tpu.vector_store %arg8[%parallel_loop3A_211, %parallel_loop3A_212], %parallel_loop3A_210 {strides = array<i32>} : memref<48x384xf32, #tpu.memory_space<vmem>>, vector<16xf32>,
        %parallel_loop3A_214 = arith.index_cast %parallel_loop3A_73 : i32 to index
        %parallel_loop3A_215 = arith.constant 224 : index
        %parallel_loop3A_216 = tpu.vector_load %arg8[%parallel_loop3A_214, %parallel_loop3A_215] {strides = array<i32>} : memref<48x384xf32, #tpu.memory_space<vmem>>, vector<16xf32>,
        %parallel_loop3A_217 = arith.index_cast %parallel_loop3A_73 : i32 to index
        %parallel_loop3A_218 = arith.constant 224 : index
        %parallel_loop3A_219 = tpu.vector_load %arg9[%parallel_loop3A_217, %parallel_loop3A_218] {strides = array<i32>} : memref<48x384xf32, #tpu.memory_space<vmem>>, vector<16xf32>,
        %parallel_loop3A_220 = arith.addf %parallel_loop3A_216, %parallel_loop3A_219 : vector<16xf32>
        %parallel_loop3A_221 = arith.index_cast %parallel_loop3A_73 : i32 to index
        %parallel_loop3A_222 = arith.constant 224 : index
        %parallel_loop3A_223 = tpu.vector_load %arg8[%parallel_loop3A_221, %parallel_loop3A_222] {strides = array<i32>} : memref<48x384xf32, #tpu.memory_space<vmem>>, vector<16xf32>,
        tpu.vector_store %arg8[%parallel_loop3A_221, %parallel_loop3A_222], %parallel_loop3A_220 {strides = array<i32>} : memref<48x384xf32, #tpu.memory_space<vmem>>, vector<16xf32>,
        %parallel_loop3A_224 = arith.index_cast %parallel_loop3A_73 : i32 to index
        %parallel_loop3A_225 = arith.constant 240 : index
        %parallel_loop3A_226 = tpu.vector_load %arg8[%parallel_loop3A_224, %parallel_loop3A_225] {strides = array<i32>} : memref<48x384xf32, #tpu.memory_space<vmem>>, vector<16xf32>,
        %parallel_loop3A_227 = arith.index_cast %parallel_loop3A_73 : i32 to index
        %parallel_loop3A_228 = arith.constant 240 : index
        %parallel_loop3A_229 = tpu.vector_load %arg9[%parallel_loop3A_227, %parallel_loop3A_228] {strides = array<i32>} : memref<48x384xf32, #tpu.memory_space<vmem>>, vector<16xf32>,
        %parallel_loop3A_230 = arith.addf %parallel_loop3A_226, %parallel_loop3A_229 : vector<16xf32>
        %parallel_loop3A_231 = arith.index_cast %parallel_loop3A_73 : i32 to index
        %parallel_loop3A_232 = arith.constant 240 : index
        %parallel_loop3A_233 = tpu.vector_load %arg8[%parallel_loop3A_231, %parallel_loop3A_232] {strides = array<i32>} : memref<48x384xf32, #tpu.memory_space<vmem>>, vector<16xf32>,
        tpu.vector_store %arg8[%parallel_loop3A_231, %parallel_loop3A_232], %parallel_loop3A_230 {strides = array<i32>} : memref<48x384xf32, #tpu.memory_space<vmem>>, vector<16xf32>,
        %parallel_loop3A_234 = arith.index_cast %parallel_loop3A_73 : i32 to index
        %parallel_loop3A_235 = arith.constant 256 : index
        %parallel_loop3A_236 = tpu.vector_load %arg8[%parallel_loop3A_234, %parallel_loop3A_235] {strides = array<i32>} : memref<48x384xf32, #tpu.memory_space<vmem>>, vector<16xf32>,
        %parallel_loop3A_237 = arith.index_cast %parallel_loop3A_73 : i32 to index
        %parallel_loop3A_238 = arith.constant 256 : index
        %parallel_loop3A_239 = tpu.vector_load %arg9[%parallel_loop3A_237, %parallel_loop3A_238] {strides = array<i32>} : memref<48x384xf32, #tpu.memory_space<vmem>>, vector<16xf32>,
        %parallel_loop3A_240 = arith.subf %parallel_loop3A_236, %parallel_loop3A_239 : vector<16xf32>
        %parallel_loop3A_241 = arith.index_cast %parallel_loop3A_73 : i32 to index
        %parallel_loop3A_242 = arith.constant 256 : index
        %parallel_loop3A_243 = tpu.vector_load %arg8[%parallel_loop3A_241, %parallel_loop3A_242] {strides = array<i32>} : memref<48x384xf32, #tpu.memory_space<vmem>>, vector<16xf32>,
        tpu.vector_store %arg8[%parallel_loop3A_241, %parallel_loop3A_242], %parallel_loop3A_240 {strides = array<i32>} : memref<48x384xf32, #tpu.memory_space<vmem>>, vector<16xf32>,
      } {sc.loop_unroll_factor = 4 : i64, sc.parallel_access}
      %mul3A_49 = arith.constant 48 : i32
      %mul3A_50 = arith.muli %mul3A_23, %mul3A_49 : i32
      %add3A_51 = arith.addi %mul3A_2, %mul3A_50 : i32
      "tpu.region"() ({
        %run_scoped3A = tpu.sem_alloc : memref<!tpu.dma_semaphore, #tpu.memory_space<semaphore_mem>>
        %dma_start3A_73 = arith.constant 0 : i32
        %dma_start3A_74 = tpu.memref_slice %arg5[%add3A_51, %dma_start3A_73] : memref<384000x384xf32, #tpu.memory_space<hbm>> -> memref<48x384xf32, #tpu.memory_space<hbm>>
        %dma_start3A_75 = arith.constant 0 : i32
        %dma_start3A_76 = tpu.memref_slice %arg5[%add3A_51, %dma_start3A_75] : memref<384000x384xf32, #tpu.memory_space<hbm>> -> memref<48x384xf32, #tpu.memory_space<hbm>>
        tpu.enqueue_dma source(%arg8 : memref<48x384xf32, #tpu.memory_space<vmem>>) target(%dma_start3A_76 : memref<48x384xf32, #tpu.memory_space<hbm>>) target_semaphore(%run_scoped3A : memref<!tpu.dma_semaphore, #tpu.memory_space<semaphore_mem>>)
        %dma_wait3A_77 = arith.constant 0 : i32
        %dma_wait3A_78 = tpu.memref_slice %arg5[%add3A_51, %dma_wait3A_77] : memref<384000x384xf32, #tpu.memory_space<hbm>> -> memref<48x384xf32, #tpu.memory_space<hbm>>
        %dma_wait3A_79 = arith.constant 0 : i32
        %dma_wait3A_80 = tpu.memref_slice %arg5[%add3A_51, %dma_wait3A_79] : memref<384000x384xf32, #tpu.memory_space<hbm>> -> memref<48x384xf32, #tpu.memory_space<hbm>>
        tpu.wait_dma2 semaphore(%run_scoped3A : memref<!tpu.dma_semaphore, #tpu.memory_space<semaphore_mem>>) src(%arg8 : memref<48x384xf32, #tpu.memory_space<vmem>>) dst(%dma_wait3A_80 : memref<48x384xf32, #tpu.memory_space<hbm>>)
        tpu.yield
      }) : () -> ()
      %add3A_52 = arith.constant 2 : i32
      %add3A_53 = arith.addi %mul3A_23, %add3A_52 : i32
      %lt3A = arith.constant 250 : i32
      %lt3A_54 = arith.cmpi slt, %add3A_53, %lt3A : i32
      %convert_element_type3A = arith.extui %lt3A_54 : i1 to i32
      %cond3A = arith.constant 0 : i32
      %cond3A_55 = arith.cmpi ne, %convert_element_type3A, %cond3A : i32
      scf.if %cond3A_55 {
        %add3A_73 = arith.constant 2 : i32
        %add3A_74 = arith.addi %mul3A_23, %add3A_73 : i32
        %mul3A_75 = arith.constant 48 : i32
        %mul3A_76 = arith.muli %add3A_74, %mul3A_75 : i32
        %dma_start3A_77 = tpu.memref_slice %arg6[%mul3A_76] : memref<12000xi32, #tpu.memory_space<vmem>> -> memref<48xi32, #tpu.memory_space<vmem>>
        %dma_start3A_78 = arith.constant 0 : i32
        %dma_start3A_79 = arith.constant 0 : i32
        %dma_start3A_80 = tpu.memref_slice %arg2[%dma_start3A_78, %dma_start3A_79] : memref<6000x384xf32, #tpu.memory_space<hbm>> -> memref<6000x384xf32, #tpu.memory_space<hbm>>
        tpu.enqueue_indirect_dma source(%dma_start3A_80 : memref<6000x384xf32, #tpu.memory_space<hbm>>) target(%arg8 : memref<48x384xf32, #tpu.memory_space<vmem>>) offsets(%dma_start3A_77 : memref<48xi32, #tpu.memory_space<vmem>>) semaphore(%arg12 : memref<!tpu.dma_semaphore, #tpu.memory_space<semaphore_mem>>)
        %dma_start3A_81 = tpu.memref_slice %arg7[%mul3A_76] : memref<12000xi32, #tpu.memory_space<vmem>> -> memref<48xi32, #tpu.memory_space<vmem>>
        %dma_start3A_82 = arith.constant 0 : i32
        %dma_start3A_83 = arith.constant 0 : i32
        %dma_start3A_84 = tpu.memref_slice %arg3[%dma_start3A_82, %dma_start3A_83] : memref<6000x384xf32, #tpu.memory_space<hbm>> -> memref<6000x384xf32, #tpu.memory_space<hbm>>
        tpu.enqueue_indirect_dma source(%dma_start3A_84 : memref<6000x384xf32, #tpu.memory_space<hbm>>) target(%arg9 : memref<48x384xf32, #tpu.memory_space<vmem>>) offsets(%dma_start3A_81 : memref<48xi32, #tpu.memory_space<vmem>>) semaphore(%arg13 : memref<!tpu.dma_semaphore, #tpu.memory_space<semaphore_mem>>)
      } else {
      }
      %mul3A_56 = arith.constant 48 : i32
      %mul3A_57 = arith.muli %add3A_27, %mul3A_56 : i32
      %dma_wait3A_58 = tpu.memref_slice %arg6[%mul3A_57] : memref<12000xi32, #tpu.memory_space<vmem>> -> memref<48xi32, #tpu.memory_space<vmem>>
      %dma_wait3A_59 = arith.constant 0 : i32
      %dma_wait3A_60 = arith.constant 0 : i32
      %dma_wait3A_61 = tpu.memref_slice %arg2[%dma_wait3A_59, %dma_wait3A_60] : memref<6000x384xf32, #tpu.memory_space<hbm>> -> memref<6000x384xf32, #tpu.memory_space<hbm>>
      tpu.wait_indirect_dma semaphore(%arg14 : memref<!tpu.dma_semaphore, #tpu.memory_space<semaphore_mem>>) src(%dma_wait3A_61 : memref<6000x384xf32, #tpu.memory_space<hbm>>) dst(%arg10 : memref<48x384xf32, #tpu.memory_space<vmem>>)
      %dma_wait3A_62 = tpu.memref_slice %arg7[%mul3A_57] : memref<12000xi32, #tpu.memory_space<vmem>> -> memref<48xi32, #tpu.memory_space<vmem>>
      %dma_wait3A_63 = arith.constant 0 : i32
      %dma_wait3A_64 = arith.constant 0 : i32
      %dma_wait3A_65 = tpu.memref_slice %arg3[%dma_wait3A_63, %dma_wait3A_64] : memref<6000x384xf32, #tpu.memory_space<hbm>> -> memref<6000x384xf32, #tpu.memory_space<hbm>>
      tpu.wait_indirect_dma semaphore(%arg15 : memref<!tpu.dma_semaphore, #tpu.memory_space<semaphore_mem>>) src(%dma_wait3A_65 : memref<6000x384xf32, #tpu.memory_space<hbm>>) dst(%arg11 : memref<48x384xf32, #tpu.memory_space<vmem>>)
      %parallel_loop3A_66 = arith.constant 0 : i32
      %parallel_loop3A_67 = arith.constant 48 : i32
      %parallel_loop3A_68 = arith.constant 1 : i32
      scf.for %parallel_loop3A_73 = %parallel_loop3A_66 to %parallel_loop3A_67 step %parallel_loop3A_68  : i32 {
        %parallel_loop3A_74 = arith.index_cast %parallel_loop3A_73 : i32 to index
        %parallel_loop3A_75 = arith.constant 0 : index
        %parallel_loop3A_76 = tpu.vector_load %arg10[%parallel_loop3A_74, %parallel_loop3A_75] {strides = array<i32>} : memref<48x384xf32, #tpu.memory_space<vmem>>, vector<16xf32>,
        %parallel_loop3A_77 = arith.index_cast %parallel_loop3A_73 : i32 to index
        %parallel_loop3A_78 = arith.constant 0 : index
        %parallel_loop3A_79 = tpu.vector_load %arg11[%parallel_loop3A_77, %parallel_loop3A_78] {strides = array<i32>} : memref<48x384xf32, #tpu.memory_space<vmem>>, vector<16xf32>,
        %parallel_loop3A_80 = arith.addf %parallel_loop3A_76, %parallel_loop3A_79 : vector<16xf32>
        %parallel_loop3A_81 = arith.index_cast %parallel_loop3A_73 : i32 to index
        %parallel_loop3A_82 = arith.constant 0 : index
        %parallel_loop3A_83 = tpu.vector_load %arg10[%parallel_loop3A_81, %parallel_loop3A_82] {strides = array<i32>} : memref<48x384xf32, #tpu.memory_space<vmem>>, vector<16xf32>,
        tpu.vector_store %arg10[%parallel_loop3A_81, %parallel_loop3A_82], %parallel_loop3A_80 {strides = array<i32>} : memref<48x384xf32, #tpu.memory_space<vmem>>, vector<16xf32>,
        %parallel_loop3A_84 = arith.index_cast %parallel_loop3A_73 : i32 to index
        %parallel_loop3A_85 = arith.constant 16 : index
        %parallel_loop3A_86 = tpu.vector_load %arg10[%parallel_loop3A_84, %parallel_loop3A_85] {strides = array<i32>} : memref<48x384xf32, #tpu.memory_space<vmem>>, vector<16xf32>,
        %parallel_loop3A_87 = arith.index_cast %parallel_loop3A_73 : i32 to index
        %parallel_loop3A_88 = arith.constant 16 : index
        %parallel_loop3A_89 = tpu.vector_load %arg11[%parallel_loop3A_87, %parallel_loop3A_88] {strides = array<i32>} : memref<48x384xf32, #tpu.memory_space<vmem>>, vector<16xf32>,
        %parallel_loop3A_90 = arith.addf %parallel_loop3A_86, %parallel_loop3A_89 : vector<16xf32>
        %parallel_loop3A_91 = arith.index_cast %parallel_loop3A_73 : i32 to index
        %parallel_loop3A_92 = arith.constant 16 : index
        %parallel_loop3A_93 = tpu.vector_load %arg10[%parallel_loop3A_91, %parallel_loop3A_92] {strides = array<i32>} : memref<48x384xf32, #tpu.memory_space<vmem>>, vector<16xf32>,
        tpu.vector_store %arg10[%parallel_loop3A_91, %parallel_loop3A_92], %parallel_loop3A_90 {strides = array<i32>} : memref<48x384xf32, #tpu.memory_space<vmem>>, vector<16xf32>,
        %parallel_loop3A_94 = arith.index_cast %parallel_loop3A_73 : i32 to index
        %parallel_loop3A_95 = arith.constant 32 : index
        %parallel_loop3A_96 = tpu.vector_load %arg10[%parallel_loop3A_94, %parallel_loop3A_95] {strides = array<i32>} : memref<48x384xf32, #tpu.memory_space<vmem>>, vector<16xf32>,
        %parallel_loop3A_97 = arith.index_cast %parallel_loop3A_73 : i32 to index
        %parallel_loop3A_98 = arith.constant 32 : index
        %parallel_loop3A_99 = tpu.vector_load %arg11[%parallel_loop3A_97, %parallel_loop3A_98] {strides = array<i32>} : memref<48x384xf32, #tpu.memory_space<vmem>>, vector<16xf32>,
        %parallel_loop3A_100 = arith.addf %parallel_loop3A_96, %parallel_loop3A_99 : vector<16xf32>
        %parallel_loop3A_101 = arith.index_cast %parallel_loop3A_73 : i32 to index
        %parallel_loop3A_102 = arith.constant 32 : index
        %parallel_loop3A_103 = tpu.vector_load %arg10[%parallel_loop3A_101, %parallel_loop3A_102] {strides = array<i32>} : memref<48x384xf32, #tpu.memory_space<vmem>>, vector<16xf32>,
        tpu.vector_store %arg10[%parallel_loop3A_101, %parallel_loop3A_102], %parallel_loop3A_100 {strides = array<i32>} : memref<48x384xf32, #tpu.memory_space<vmem>>, vector<16xf32>,
        %parallel_loop3A_104 = arith.index_cast %parallel_loop3A_73 : i32 to index
        %parallel_loop3A_105 = arith.constant 48 : index
        %parallel_loop3A_106 = tpu.vector_load %arg10[%parallel_loop3A_104, %parallel_loop3A_105] {strides = array<i32>} : memref<48x384xf32, #tpu.memory_space<vmem>>, vector<16xf32>,
        %parallel_loop3A_107 = arith.index_cast %parallel_loop3A_73 : i32 to index
        %parallel_loop3A_108 = arith.constant 48 : index
        %parallel_loop3A_109 = tpu.vector_load %arg11[%parallel_loop3A_107, %parallel_loop3A_108] {strides = array<i32>} : memref<48x384xf32, #tpu.memory_space<vmem>>, vector<16xf32>,
        %parallel_loop3A_110 = arith.addf %parallel_loop3A_106, %parallel_loop3A_109 : vector<16xf32>
        %parallel_loop3A_111 = arith.index_cast %parallel_loop3A_73 : i32 to index
        %parallel_loop3A_112 = arith.constant 48 : index
        %parallel_loop3A_113 = tpu.vector_load %arg10[%parallel_loop3A_111, %parallel_loop3A_112] {strides = array<i32>} : memref<48x384xf32, #tpu.memory_space<vmem>>, vector<16xf32>,
        tpu.vector_store %arg10[%parallel_loop3A_111, %parallel_loop3A_112], %parallel_loop3A_110 {strides = array<i32>} : memref<48x384xf32, #tpu.memory_space<vmem>>, vector<16xf32>,
        %parallel_loop3A_114 = arith.index_cast %parallel_loop3A_73 : i32 to index
        %parallel_loop3A_115 = arith.constant 64 : index
        %parallel_loop3A_116 = tpu.vector_load %arg10[%parallel_loop3A_114, %parallel_loop3A_115] {strides = array<i32>} : memref<48x384xf32, #tpu.memory_space<vmem>>, vector<16xf32>,
        %parallel_loop3A_117 = arith.index_cast %parallel_loop3A_73 : i32 to index
        %parallel_loop3A_118 = arith.constant 64 : index
        %parallel_loop3A_119 = tpu.vector_load %arg11[%parallel_loop3A_117, %parallel_loop3A_118] {strides = array<i32>} : memref<48x384xf32, #tpu.memory_space<vmem>>, vector<16xf32>,
        %parallel_loop3A_120 = arith.addf %parallel_loop3A_116, %parallel_loop3A_119 : vector<16xf32>
        %parallel_loop3A_121 = arith.index_cast %parallel_loop3A_73 : i32 to index
        %parallel_loop3A_122 = arith.constant 64 : index
        %parallel_loop3A_123 = tpu.vector_load %arg10[%parallel_loop3A_121, %parallel_loop3A_122] {strides = array<i32>} : memref<48x384xf32, #tpu.memory_space<vmem>>, vector<16xf32>,
        tpu.vector_store %arg10[%parallel_loop3A_121, %parallel_loop3A_122], %parallel_loop3A_120 {strides = array<i32>} : memref<48x384xf32, #tpu.memory_space<vmem>>, vector<16xf32>,
        %parallel_loop3A_124 = arith.index_cast %parallel_loop3A_73 : i32 to index
        %parallel_loop3A_125 = arith.constant 80 : index
        %parallel_loop3A_126 = tpu.vector_load %arg10[%parallel_loop3A_124, %parallel_loop3A_125] {strides = array<i32>} : memref<48x384xf32, #tpu.memory_space<vmem>>, vector<16xf32>,
        %parallel_loop3A_127 = arith.index_cast %parallel_loop3A_73 : i32 to index
        %parallel_loop3A_128 = arith.constant 80 : index
        %parallel_loop3A_129 = tpu.vector_load %arg11[%parallel_loop3A_127, %parallel_loop3A_128] {strides = array<i32>} : memref<48x384xf32, #tpu.memory_space<vmem>>, vector<16xf32>,
        %parallel_loop3A_130 = arith.addf %parallel_loop3A_126, %parallel_loop3A_129 : vector<16xf32>
        %parallel_loop3A_131 = arith.index_cast %parallel_loop3A_73 : i32 to index
        %parallel_loop3A_132 = arith.constant 80 : index
        %parallel_loop3A_133 = tpu.vector_load %arg10[%parallel_loop3A_131, %parallel_loop3A_132] {strides = array<i32>} : memref<48x384xf32, #tpu.memory_space<vmem>>, vector<16xf32>,
        tpu.vector_store %arg10[%parallel_loop3A_131, %parallel_loop3A_132], %parallel_loop3A_130 {strides = array<i32>} : memref<48x384xf32, #tpu.memory_space<vmem>>, vector<16xf32>,
        %parallel_loop3A_134 = arith.index_cast %parallel_loop3A_73 : i32 to index
        %parallel_loop3A_135 = arith.constant 96 : index
        %parallel_loop3A_136 = tpu.vector_load %arg10[%parallel_loop3A_134, %parallel_loop3A_135] {strides = array<i32>} : memref<48x384xf32, #tpu.memory_space<vmem>>, vector<16xf32>,
        %parallel_loop3A_137 = arith.index_cast %parallel_loop3A_73 : i32 to index
        %parallel_loop3A_138 = arith.constant 96 : index
        %parallel_loop3A_139 = tpu.vector_load %arg11[%parallel_loop3A_137, %parallel_loop3A_138] {strides = array<i32>} : memref<48x384xf32, #tpu.memory_space<vmem>>, vector<16xf32>,
        %parallel_loop3A_140 = arith.addf %parallel_loop3A_136, %parallel_loop3A_139 : vector<16xf32>
        %parallel_loop3A_141 = arith.index_cast %parallel_loop3A_73 : i32 to index
        %parallel_loop3A_142 = arith.constant 96 : index
        %parallel_loop3A_143 = tpu.vector_load %arg10[%parallel_loop3A_141, %parallel_loop3A_142] {strides = array<i32>} : memref<48x384xf32, #tpu.memory_space<vmem>>, vector<16xf32>,
        tpu.vector_store %arg10[%parallel_loop3A_141, %parallel_loop3A_142], %parallel_loop3A_140 {strides = array<i32>} : memref<48x384xf32, #tpu.memory_space<vmem>>, vector<16xf32>,
        %parallel_loop3A_144 = arith.index_cast %parallel_loop3A_73 : i32 to index
        %parallel_loop3A_145 = arith.constant 112 : index
        %parallel_loop3A_146 = tpu.vector_load %arg10[%parallel_loop3A_144, %parallel_loop3A_145] {strides = array<i32>} : memref<48x384xf32, #tpu.memory_space<vmem>>, vector<16xf32>,
        %parallel_loop3A_147 = arith.index_cast %parallel_loop3A_73 : i32 to index
        %parallel_loop3A_148 = arith.constant 112 : index
        %parallel_loop3A_149 = tpu.vector_load %arg11[%parallel_loop3A_147, %parallel_loop3A_148] {strides = array<i32>} : memref<48x384xf32, #tpu.memory_space<vmem>>, vector<16xf32>,
        %parallel_loop3A_150 = arith.addf %parallel_loop3A_146, %parallel_loop3A_149 : vector<16xf32>
        %parallel_loop3A_151 = arith.index_cast %parallel_loop3A_73 : i32 to index
        %parallel_loop3A_152 = arith.constant 112 : index
        %parallel_loop3A_153 = tpu.vector_load %arg10[%parallel_loop3A_151, %parallel_loop3A_152] {strides = array<i32>} : memref<48x384xf32, #tpu.memory_space<vmem>>, vector<16xf32>,
        tpu.vector_store %arg10[%parallel_loop3A_151, %parallel_loop3A_152], %parallel_loop3A_150 {strides = array<i32>} : memref<48x384xf32, #tpu.memory_space<vmem>>, vector<16xf32>,
        %parallel_loop3A_154 = arith.index_cast %parallel_loop3A_73 : i32 to index
        %parallel_loop3A_155 = arith.constant 128 : index
        %parallel_loop3A_156 = tpu.vector_load %arg10[%parallel_loop3A_154, %parallel_loop3A_155] {strides = array<i32>} : memref<48x384xf32, #tpu.memory_space<vmem>>, vector<16xf32>,
        %parallel_loop3A_157 = arith.index_cast %parallel_loop3A_73 : i32 to index
        %parallel_loop3A_158 = arith.constant 128 : index
        %parallel_loop3A_159 = tpu.vector_load %arg11[%parallel_loop3A_157, %parallel_loop3A_158] {strides = array<i32>} : memref<48x384xf32, #tpu.memory_space<vmem>>, vector<16xf32>,
        %parallel_loop3A_160 = arith.addf %parallel_loop3A_156, %parallel_loop3A_159 : vector<16xf32>
        %parallel_loop3A_161 = arith.index_cast %parallel_loop3A_73 : i32 to index
        %parallel_loop3A_162 = arith.constant 128 : index
        %parallel_loop3A_163 = tpu.vector_load %arg10[%parallel_loop3A_161, %parallel_loop3A_162] {strides = array<i32>} : memref<48x384xf32, #tpu.memory_space<vmem>>, vector<16xf32>,
        tpu.vector_store %arg10[%parallel_loop3A_161, %parallel_loop3A_162], %parallel_loop3A_160 {strides = array<i32>} : memref<48x384xf32, #tpu.memory_space<vmem>>, vector<16xf32>,
        %parallel_loop3A_164 = arith.index_cast %parallel_loop3A_73 : i32 to index
        %parallel_loop3A_165 = arith.constant 144 : index
        %parallel_loop3A_166 = tpu.vector_load %arg10[%parallel_loop3A_164, %parallel_loop3A_165] {strides = array<i32>} : memref<48x384xf32, #tpu.memory_space<vmem>>, vector<16xf32>,
        %parallel_loop3A_167 = arith.index_cast %parallel_loop3A_73 : i32 to index
        %parallel_loop3A_168 = arith.constant 144 : index
        %parallel_loop3A_169 = tpu.vector_load %arg11[%parallel_loop3A_167, %parallel_loop3A_168] {strides = array<i32>} : memref<48x384xf32, #tpu.memory_space<vmem>>, vector<16xf32>,
        %parallel_loop3A_170 = arith.addf %parallel_loop3A_166, %parallel_loop3A_169 : vector<16xf32>
        %parallel_loop3A_171 = arith.index_cast %parallel_loop3A_73 : i32 to index
        %parallel_loop3A_172 = arith.constant 144 : index
        %parallel_loop3A_173 = tpu.vector_load %arg10[%parallel_loop3A_171, %parallel_loop3A_172] {strides = array<i32>} : memref<48x384xf32, #tpu.memory_space<vmem>>, vector<16xf32>,
        tpu.vector_store %arg10[%parallel_loop3A_171, %parallel_loop3A_172], %parallel_loop3A_170 {strides = array<i32>} : memref<48x384xf32, #tpu.memory_space<vmem>>, vector<16xf32>,
        %parallel_loop3A_174 = arith.index_cast %parallel_loop3A_73 : i32 to index
        %parallel_loop3A_175 = arith.constant 160 : index
        %parallel_loop3A_176 = tpu.vector_load %arg10[%parallel_loop3A_174, %parallel_loop3A_175] {strides = array<i32>} : memref<48x384xf32, #tpu.memory_space<vmem>>, vector<16xf32>,
        %parallel_loop3A_177 = arith.index_cast %parallel_loop3A_73 : i32 to index
        %parallel_loop3A_178 = arith.constant 160 : index
        %parallel_loop3A_179 = tpu.vector_load %arg11[%parallel_loop3A_177, %parallel_loop3A_178] {strides = array<i32>} : memref<48x384xf32, #tpu.memory_space<vmem>>, vector<16xf32>,
        %parallel_loop3A_180 = arith.addf %parallel_loop3A_176, %parallel_loop3A_179 : vector<16xf32>
        %parallel_loop3A_181 = arith.index_cast %parallel_loop3A_73 : i32 to index
        %parallel_loop3A_182 = arith.constant 160 : index
        %parallel_loop3A_183 = tpu.vector_load %arg10[%parallel_loop3A_181, %parallel_loop3A_182] {strides = array<i32>} : memref<48x384xf32, #tpu.memory_space<vmem>>, vector<16xf32>,
        tpu.vector_store %arg10[%parallel_loop3A_181, %parallel_loop3A_182], %parallel_loop3A_180 {strides = array<i32>} : memref<48x384xf32, #tpu.memory_space<vmem>>, vector<16xf32>,
        %parallel_loop3A_184 = arith.index_cast %parallel_loop3A_73 : i32 to index
        %parallel_loop3A_185 = arith.constant 176 : index
        %parallel_loop3A_186 = tpu.vector_load %arg10[%parallel_loop3A_184, %parallel_loop3A_185] {strides = array<i32>} : memref<48x384xf32, #tpu.memory_space<vmem>>, vector<16xf32>,
        %parallel_loop3A_187 = arith.index_cast %parallel_loop3A_73 : i32 to index
        %parallel_loop3A_188 = arith.constant 176 : index
        %parallel_loop3A_189 = tpu.vector_load %arg11[%parallel_loop3A_187, %parallel_loop3A_188] {strides = array<i32>} : memref<48x384xf32, #tpu.memory_space<vmem>>, vector<16xf32>,
        %parallel_loop3A_190 = arith.addf %parallel_loop3A_186, %parallel_loop3A_189 : vector<16xf32>
        %parallel_loop3A_191 = arith.index_cast %parallel_loop3A_73 : i32 to index
        %parallel_loop3A_192 = arith.constant 176 : index
        %parallel_loop3A_193 = tpu.vector_load %arg10[%parallel_loop3A_191, %parallel_loop3A_192] {strides = array<i32>} : memref<48x384xf32, #tpu.memory_space<vmem>>, vector<16xf32>,
        tpu.vector_store %arg10[%parallel_loop3A_191, %parallel_loop3A_192], %parallel_loop3A_190 {strides = array<i32>} : memref<48x384xf32, #tpu.memory_space<vmem>>, vector<16xf32>,
        %parallel_loop3A_194 = arith.index_cast %parallel_loop3A_73 : i32 to index
        %parallel_loop3A_195 = arith.constant 192 : index
        %parallel_loop3A_196 = tpu.vector_load %arg10[%parallel_loop3A_194, %parallel_loop3A_195] {strides = array<i32>} : memref<48x384xf32, #tpu.memory_space<vmem>>, vector<16xf32>,
        %parallel_loop3A_197 = arith.index_cast %parallel_loop3A_73 : i32 to index
        %parallel_loop3A_198 = arith.constant 192 : index
        %parallel_loop3A_199 = tpu.vector_load %arg11[%parallel_loop3A_197, %parallel_loop3A_198] {strides = array<i32>} : memref<48x384xf32, #tpu.memory_space<vmem>>, vector<16xf32>,
        %parallel_loop3A_200 = arith.addf %parallel_loop3A_196, %parallel_loop3A_199 : vector<16xf32>
        %parallel_loop3A_201 = arith.index_cast %parallel_loop3A_73 : i32 to index
        %parallel_loop3A_202 = arith.constant 192 : index
        %parallel_loop3A_203 = tpu.vector_load %arg10[%parallel_loop3A_201, %parallel_loop3A_202] {strides = array<i32>} : memref<48x384xf32, #tpu.memory_space<vmem>>, vector<16xf32>,
        tpu.vector_store %arg10[%parallel_loop3A_201, %parallel_loop3A_202], %parallel_loop3A_200 {strides = array<i32>} : memref<48x384xf32, #tpu.memory_space<vmem>>, vector<16xf32>,
        %parallel_loop3A_204 = arith.index_cast %parallel_loop3A_73 : i32 to index
        %parallel_loop3A_205 = arith.constant 208 : index
        %parallel_loop3A_206 = tpu.vector_load %arg10[%parallel_loop3A_204, %parallel_loop3A_205] {strides = array<i32>} : memref<48x384xf32, #tpu.memory_space<vmem>>, vector<16xf32>,
        %parallel_loop3A_207 = arith.index_cast %parallel_loop3A_73 : i32 to index
        %parallel_loop3A_208 = arith.constant 208 : index
        %parallel_loop3A_209 = tpu.vector_load %arg11[%parallel_loop3A_207, %parallel_loop3A_208] {strides = array<i32>} : memref<48x384xf32, #tpu.memory_space<vmem>>, vector<16xf32>,
        %parallel_loop3A_210 = arith.addf %parallel_loop3A_206, %parallel_loop3A_209 : vector<16xf32>
        %parallel_loop3A_211 = arith.index_cast %parallel_loop3A_73 : i32 to index
        %parallel_loop3A_212 = arith.constant 208 : index
        %parallel_loop3A_213 = tpu.vector_load %arg10[%parallel_loop3A_211, %parallel_loop3A_212] {strides = array<i32>} : memref<48x384xf32, #tpu.memory_space<vmem>>, vector<16xf32>,
        tpu.vector_store %arg10[%parallel_loop3A_211, %parallel_loop3A_212], %parallel_loop3A_210 {strides = array<i32>} : memref<48x384xf32, #tpu.memory_space<vmem>>, vector<16xf32>,
        %parallel_loop3A_214 = arith.index_cast %parallel_loop3A_73 : i32 to index
        %parallel_loop3A_215 = arith.constant 224 : index
        %parallel_loop3A_216 = tpu.vector_load %arg10[%parallel_loop3A_214, %parallel_loop3A_215] {strides = array<i32>} : memref<48x384xf32, #tpu.memory_space<vmem>>, vector<16xf32>,
        %parallel_loop3A_217 = arith.index_cast %parallel_loop3A_73 : i32 to index
        %parallel_loop3A_218 = arith.constant 224 : index
        %parallel_loop3A_219 = tpu.vector_load %arg11[%parallel_loop3A_217, %parallel_loop3A_218] {strides = array<i32>} : memref<48x384xf32, #tpu.memory_space<vmem>>, vector<16xf32>,
        %parallel_loop3A_220 = arith.addf %parallel_loop3A_216, %parallel_loop3A_219 : vector<16xf32>
        %parallel_loop3A_221 = arith.index_cast %parallel_loop3A_73 : i32 to index
        %parallel_loop3A_222 = arith.constant 224 : index
        %parallel_loop3A_223 = tpu.vector_load %arg10[%parallel_loop3A_221, %parallel_loop3A_222] {strides = array<i32>} : memref<48x384xf32, #tpu.memory_space<vmem>>, vector<16xf32>,
        tpu.vector_store %arg10[%parallel_loop3A_221, %parallel_loop3A_222], %parallel_loop3A_220 {strides = array<i32>} : memref<48x384xf32, #tpu.memory_space<vmem>>, vector<16xf32>,
        %parallel_loop3A_224 = arith.index_cast %parallel_loop3A_73 : i32 to index
        %parallel_loop3A_225 = arith.constant 240 : index
        %parallel_loop3A_226 = tpu.vector_load %arg10[%parallel_loop3A_224, %parallel_loop3A_225] {strides = array<i32>} : memref<48x384xf32, #tpu.memory_space<vmem>>, vector<16xf32>,
        %parallel_loop3A_227 = arith.index_cast %parallel_loop3A_73 : i32 to index
        %parallel_loop3A_228 = arith.constant 240 : index
        %parallel_loop3A_229 = tpu.vector_load %arg11[%parallel_loop3A_227, %parallel_loop3A_228] {strides = array<i32>} : memref<48x384xf32, #tpu.memory_space<vmem>>, vector<16xf32>,
        %parallel_loop3A_230 = arith.addf %parallel_loop3A_226, %parallel_loop3A_229 : vector<16xf32>
        %parallel_loop3A_231 = arith.index_cast %parallel_loop3A_73 : i32 to index
        %parallel_loop3A_232 = arith.constant 240 : index
        %parallel_loop3A_233 = tpu.vector_load %arg10[%parallel_loop3A_231, %parallel_loop3A_232] {strides = array<i32>} : memref<48x384xf32, #tpu.memory_space<vmem>>, vector<16xf32>,
        tpu.vector_store %arg10[%parallel_loop3A_231, %parallel_loop3A_232], %parallel_loop3A_230 {strides = array<i32>} : memref<48x384xf32, #tpu.memory_space<vmem>>, vector<16xf32>,
        %parallel_loop3A_234 = arith.index_cast %parallel_loop3A_73 : i32 to index
        %parallel_loop3A_235 = arith.constant 256 : index
        %parallel_loop3A_236 = tpu.vector_load %arg10[%parallel_loop3A_234, %parallel_loop3A_235] {strides = array<i32>} : memref<48x384xf32, #tpu.memory_space<vmem>>, vector<16xf32>,
        %parallel_loop3A_237 = arith.index_cast %parallel_loop3A_73 : i32 to index
        %parallel_loop3A_238 = arith.constant 256 : index
        %parallel_loop3A_239 = tpu.vector_load %arg11[%parallel_loop3A_237, %parallel_loop3A_238] {strides = array<i32>} : memref<48x384xf32, #tpu.memory_space<vmem>>, vector<16xf32>,
        %parallel_loop3A_240 = arith.subf %parallel_loop3A_236, %parallel_loop3A_239 : vector<16xf32>
        %parallel_loop3A_241 = arith.index_cast %parallel_loop3A_73 : i32 to index
        %parallel_loop3A_242 = arith.constant 256 : index
        %parallel_loop3A_243 = tpu.vector_load %arg10[%parallel_loop3A_241, %parallel_loop3A_242] {strides = array<i32>} : memref<48x384xf32, #tpu.memory_space<vmem>>, vector<16xf32>,
        tpu.vector_store %arg10[%parallel_loop3A_241, %parallel_loop3A_242], %parallel_loop3A_240 {strides = array<i32>} : memref<48x384xf32, #tpu.memory_space<vmem>>, vector<16xf32>,
      } {sc.loop_unroll_factor = 4 : i64, sc.parallel_access}
      %mul3A_69 = arith.constant 48 : i32
      %mul3A_70 = arith.muli %add3A_27, %mul3A_69 : i32
      %add3A_71 = arith.addi %mul3A_2, %mul3A_70 : i32
      "tpu.region"() ({
        %run_scoped3A = tpu.sem_alloc : memref<!tpu.dma_semaphore, #tpu.memory_space<semaphore_mem>>
        %dma_start3A_73 = arith.constant 0 : i32
        %dma_start3A_74 = tpu.memref_slice %arg5[%add3A_71, %dma_start3A_73] : memref<384000x384xf32, #tpu.memory_space<hbm>> -> memref<48x384xf32, #tpu.memory_space<hbm>>
        %dma_start3A_75 = arith.constant 0 : i32
        %dma_start3A_76 = tpu.memref_slice %arg5[%add3A_71, %dma_start3A_75] : memref<384000x384xf32, #tpu.memory_space<hbm>> -> memref<48x384xf32, #tpu.memory_space<hbm>>
        tpu.enqueue_dma source(%arg10 : memref<48x384xf32, #tpu.memory_space<vmem>>) target(%dma_start3A_76 : memref<48x384xf32, #tpu.memory_space<hbm>>) target_semaphore(%run_scoped3A : memref<!tpu.dma_semaphore, #tpu.memory_space<semaphore_mem>>)
        %dma_wait3A_77 = arith.constant 0 : i32
        %dma_wait3A_78 = tpu.memref_slice %arg5[%add3A_71, %dma_wait3A_77] : memref<384000x384xf32, #tpu.memory_space<hbm>> -> memref<48x384xf32, #tpu.memory_space<hbm>>
        %dma_wait3A_79 = arith.constant 0 : i32
        %dma_wait3A_80 = tpu.memref_slice %arg5[%add3A_71, %dma_wait3A_79] : memref<384000x384xf32, #tpu.memory_space<hbm>> -> memref<48x384xf32, #tpu.memory_space<hbm>>
        tpu.wait_dma2 semaphore(%run_scoped3A : memref<!tpu.dma_semaphore, #tpu.memory_space<semaphore_mem>>) src(%arg10 : memref<48x384xf32, #tpu.memory_space<vmem>>) dst(%dma_wait3A_80 : memref<48x384xf32, #tpu.memory_space<hbm>>)
        tpu.yield
      }) : () -> ()
      %scan3A_72 = arith.constant 0 : i32
      scf.yield %scan3A_72 : i32
    }
    %scan3A_19 = arith.constant 125 : i32
    return
  }
}

#map = affine_map<(d0, d1) -> (0, 0)>
#map1 = affine_map<(d0, d1) -> (0)>
#map2 = affine_map<(d0, d1) -> (0, 0, 0)>
module attributes {stable_mosaic.version = 14 : i64} {
  func.func @_scatter_body(%arg0: i32, %arg1: i32, %arg2: memref<384000x32xf32, #tpu.memory_space<hbm>>, %arg3: memref<384000xi32, #tpu.memory_space<hbm>>, %arg4: memref<2x6016x32xf32, #tpu.memory_space<hbm>>, %arg5: memref<120xi32, #tpu.memory_space<vmem>>, %arg6: memref<120x32xf32, #tpu.memory_space<vmem>>, %arg7: memref<376x32xf32, #tpu.memory_space<vmem>>, %arg8: memref<6016x32xf32, #tpu.memory_space<vmem_shared>>) attributes {dimension_semantics = [#tpu.dimension_semantics<core_parallel>, #tpu.dimension_semantics<subcore_parallel>], iteration_bounds = array<i64: 2, 16>, scalar_prefetch = 0 : i64, scratch_operands = 4 : i64, tpu.core_type = #tpu.core_type<sc_vector_subcore>, window_params = [{transform_indices = #map}, {transform_indices = #map1}, {transform_indices = #map2}]} {
    %mul3A = arith.constant 2 : i32
    %mul3A_0 = arith.muli %arg1, %mul3A : i32
    %add3A = arith.addi %mul3A_0, %arg0 : i32
    %mul3A_1 = arith.constant 12000 : i32
    %mul3A_2 = arith.muli %add3A, %mul3A_1 : i32
    %scan3A = arith.constant 0 : i32
    %scan3A_3 = arith.constant 0 : i32
    %scan3A_4 = arith.constant 376 : i32
    %scan3A_5 = arith.addi %scan3A_3, %scan3A_4 : i32
    %scan3A_6 = arith.constant 1 : i32
    %scan3A_7 = scf.for %scan3A_23 = %scan3A_3 to %scan3A_5 step %scan3A_6 iter_args(%scan3A_24 = %scan3A) -> (i32)  : i32 {
      %broadcast_in_dim3A = arith.constant 0.000000e+00 : f32
      %broadcast_in_dim3A_25 = vector.broadcast %broadcast_in_dim3A : f32 to vector<16xf32>
      %swap3A = arith.index_cast %scan3A_23 : i32 to index
      %swap3A_26 = arith.constant 0 : index
      %swap3A_27 = tpu.vector_load %arg7[%swap3A, %swap3A_26] {strides = array<i32>} : memref<376x32xf32, #tpu.memory_space<vmem>>, vector<16xf32>,
      tpu.vector_store %arg7[%swap3A, %swap3A_26], %broadcast_in_dim3A_25 {strides = array<i32>} : memref<376x32xf32, #tpu.memory_space<vmem>>, vector<16xf32>,
      %broadcast_in_dim3A_28 = arith.constant 0.000000e+00 : f32
      %broadcast_in_dim3A_29 = vector.broadcast %broadcast_in_dim3A_28 : f32 to vector<16xf32>
      %swap3A_30 = arith.index_cast %scan3A_23 : i32 to index
      %swap3A_31 = arith.constant 16 : index
      %swap3A_32 = tpu.vector_load %arg7[%swap3A_30, %swap3A_31] {strides = array<i32>} : memref<376x32xf32, #tpu.memory_space<vmem>>, vector<16xf32>,
      tpu.vector_store %arg7[%swap3A_30, %swap3A_31], %broadcast_in_dim3A_29 {strides = array<i32>} : memref<376x32xf32, #tpu.memory_space<vmem>>, vector<16xf32>,
      %scan3A_33 = arith.constant 0 : i32
      scf.yield %scan3A_33 : i32
    }
    %scan3A_8 = arith.constant 376 : i32
    %mul3A_9 = arith.constant 376 : i32
    %mul3A_10 = arith.muli %arg1, %mul3A_9 : i32
    "tpu.region"() ({
      %run_scoped3A = tpu.sem_alloc : memref<!tpu.dma_semaphore, #tpu.memory_space<semaphore_mem>>
      %dma_start3A = arith.constant 0 : i32
      %dma_start3A_23 = tpu.memref_slice %arg8[%mul3A_10, %dma_start3A] : memref<6016x32xf32, #tpu.memory_space<vmem_shared>> -> memref<376x32xf32, #tpu.memory_space<vmem_shared>>
      %dma_start3A_24 = arith.constant 0 : i32
      %dma_start3A_25 = tpu.memref_slice %arg8[%mul3A_10, %dma_start3A_24] : memref<6016x32xf32, #tpu.memory_space<vmem_shared>> -> memref<376x32xf32, #tpu.memory_space<vmem_shared>>
      tpu.enqueue_dma source(%arg7 : memref<376x32xf32, #tpu.memory_space<vmem>>) target(%dma_start3A_25 : memref<376x32xf32, #tpu.memory_space<vmem_shared>>) target_semaphore(%run_scoped3A : memref<!tpu.dma_semaphore, #tpu.memory_space<semaphore_mem>>)
      %dma_wait3A = arith.constant 0 : i32
      %dma_wait3A_26 = tpu.memref_slice %arg8[%mul3A_10, %dma_wait3A] : memref<6016x32xf32, #tpu.memory_space<vmem_shared>> -> memref<376x32xf32, #tpu.memory_space<vmem_shared>>
      %dma_wait3A_27 = arith.constant 0 : i32
      %dma_wait3A_28 = tpu.memref_slice %arg8[%mul3A_10, %dma_wait3A_27] : memref<6016x32xf32, #tpu.memory_space<vmem_shared>> -> memref<376x32xf32, #tpu.memory_space<vmem_shared>>
      tpu.wait_dma2 semaphore(%run_scoped3A : memref<!tpu.dma_semaphore, #tpu.memory_space<semaphore_mem>>) src(%arg7 : memref<376x32xf32, #tpu.memory_space<vmem>>) dst(%dma_wait3A_28 : memref<376x32xf32, #tpu.memory_space<vmem_shared>>)
      tpu.yield
    }) : () -> ()
    %barrier3A = arith.constant 0 : index
    tpu.barrier barrier_id(%barrier3A)
    %scan3A_11 = arith.constant 0 : i32
    %scan3A_12 = arith.constant 0 : i32
    %scan3A_13 = arith.constant 100 : i32
    %scan3A_14 = arith.addi %scan3A_12, %scan3A_13 : i32
    %scan3A_15 = arith.constant 1 : i32
    %scan3A_16 = scf.for %scan3A_23 = %scan3A_12 to %scan3A_14 step %scan3A_15 iter_args(%scan3A_24 = %scan3A_11) -> (i32)  : i32 {
      %mul3A_25 = arith.constant 120 : i32
      %mul3A_26 = arith.muli %scan3A_23, %mul3A_25 : i32
      %add3A_27 = arith.addi %mul3A_2, %mul3A_26 : i32
      "tpu.region"() ({
        %run_scoped3A = tpu.sem_alloc : memref<!tpu.dma_semaphore, #tpu.memory_space<semaphore_mem>>
        %dma_start3A = tpu.memref_slice %arg3[%add3A_27] : memref<384000xi32, #tpu.memory_space<hbm>> -> memref<120xi32, #tpu.memory_space<hbm>>
        %dma_start3A_29 = tpu.memref_slice %arg3[%add3A_27] : memref<384000xi32, #tpu.memory_space<hbm>> -> memref<120xi32, #tpu.memory_space<hbm>>
        tpu.enqueue_dma source(%dma_start3A_29 : memref<120xi32, #tpu.memory_space<hbm>>) target(%arg5 : memref<120xi32, #tpu.memory_space<vmem>>) target_semaphore(%run_scoped3A : memref<!tpu.dma_semaphore, #tpu.memory_space<semaphore_mem>>)
        %dma_wait3A = tpu.memref_slice %arg3[%add3A_27] : memref<384000xi32, #tpu.memory_space<hbm>> -> memref<120xi32, #tpu.memory_space<hbm>>
        %dma_wait3A_30 = tpu.memref_slice %arg3[%add3A_27] : memref<384000xi32, #tpu.memory_space<hbm>> -> memref<120xi32, #tpu.memory_space<hbm>>
        tpu.wait_dma2 semaphore(%run_scoped3A : memref<!tpu.dma_semaphore, #tpu.memory_space<semaphore_mem>>) src(%dma_wait3A_30 : memref<120xi32, #tpu.memory_space<hbm>>) dst(%arg5 : memref<120xi32, #tpu.memory_space<vmem>>)
        tpu.yield
      }) : () -> ()
      "tpu.region"() ({
        %run_scoped3A = tpu.sem_alloc : memref<!tpu.dma_semaphore, #tpu.memory_space<semaphore_mem>>
        %dma_start3A = arith.constant 0 : i32
        %dma_start3A_29 = tpu.memref_slice %arg2[%add3A_27, %dma_start3A] : memref<384000x32xf32, #tpu.memory_space<hbm>> -> memref<120x32xf32, #tpu.memory_space<hbm>>
        %dma_start3A_30 = arith.constant 0 : i32
        %dma_start3A_31 = tpu.memref_slice %arg2[%add3A_27, %dma_start3A_30] : memref<384000x32xf32, #tpu.memory_space<hbm>> -> memref<120x32xf32, #tpu.memory_space<hbm>>
        tpu.enqueue_dma source(%dma_start3A_31 : memref<120x32xf32, #tpu.memory_space<hbm>>) target(%arg6 : memref<120x32xf32, #tpu.memory_space<vmem>>) target_semaphore(%run_scoped3A : memref<!tpu.dma_semaphore, #tpu.memory_space<semaphore_mem>>)
        %dma_wait3A = arith.constant 0 : i32
        %dma_wait3A_32 = tpu.memref_slice %arg2[%add3A_27, %dma_wait3A] : memref<384000x32xf32, #tpu.memory_space<hbm>> -> memref<120x32xf32, #tpu.memory_space<hbm>>
        %dma_wait3A_33 = arith.constant 0 : i32
        %dma_wait3A_34 = tpu.memref_slice %arg2[%add3A_27, %dma_wait3A_33] : memref<384000x32xf32, #tpu.memory_space<hbm>> -> memref<120x32xf32, #tpu.memory_space<hbm>>
        tpu.wait_dma2 semaphore(%run_scoped3A : memref<!tpu.dma_semaphore, #tpu.memory_space<semaphore_mem>>) src(%dma_wait3A_34 : memref<120x32xf32, #tpu.memory_space<hbm>>) dst(%arg6 : memref<120x32xf32, #tpu.memory_space<vmem>>)
        tpu.yield
      }) : () -> ()
      "tpu.region"() ({
        %run_scoped3A = tpu.sem_alloc : memref<!tpu.dma_semaphore, #tpu.memory_space<semaphore_mem>>
        %dma_start3A = arith.constant 0 : i32
        %dma_start3A_29 = arith.constant 0 : i32
        %dma_start3A_30 = tpu.memref_slice %arg8[%dma_start3A, %dma_start3A_29] : memref<6016x32xf32, #tpu.memory_space<vmem_shared>> -> memref<6016x32xf32, #tpu.memory_space<vmem_shared>>
        tpu.enqueue_indirect_dma source(%arg6 : memref<120x32xf32, #tpu.memory_space<vmem>>) target(%dma_start3A_30 : memref<6016x32xf32, #tpu.memory_space<vmem_shared>>) offsets(%arg5 : memref<120xi32, #tpu.memory_space<vmem>>) semaphore(%run_scoped3A : memref<!tpu.dma_semaphore, #tpu.memory_space<semaphore_mem>>) {add = true}
        %dma_wait3A = arith.constant 0 : i32
        %dma_wait3A_31 = arith.constant 0 : i32
        %dma_wait3A_32 = tpu.memref_slice %arg8[%dma_wait3A, %dma_wait3A_31] : memref<6016x32xf32, #tpu.memory_space<vmem_shared>> -> memref<6016x32xf32, #tpu.memory_space<vmem_shared>>
        tpu.wait_indirect_dma semaphore(%run_scoped3A : memref<!tpu.dma_semaphore, #tpu.memory_space<semaphore_mem>>) src(%arg6 : memref<120x32xf32, #tpu.memory_space<vmem>>) dst(%dma_wait3A_32 : memref<6016x32xf32, #tpu.memory_space<vmem_shared>>)
        tpu.yield
      }) : () -> ()
      %scan3A_28 = arith.constant 0 : i32
      scf.yield %scan3A_28 : i32
    }
    %scan3A_17 = arith.constant 100 : i32
    %barrier3A_18 = arith.constant 0 : index
    tpu.barrier barrier_id(%barrier3A_18)
    %mul3A_19 = arith.constant 376 : i32
    %mul3A_20 = arith.muli %arg1, %mul3A_19 : i32
    "tpu.region"() ({
      %run_scoped3A = tpu.sem_alloc : memref<!tpu.dma_semaphore, #tpu.memory_space<semaphore_mem>>
      %dma_start3A = arith.constant 0 : i32
      %dma_start3A_23 = tpu.memref_slice %arg8[%mul3A_20, %dma_start3A] : memref<6016x32xf32, #tpu.memory_space<vmem_shared>> -> memref<376x32xf32, #tpu.memory_space<vmem_shared>>
      %dma_start3A_24 = arith.constant 0 : i32
      %dma_start3A_25 = tpu.memref_slice %arg8[%mul3A_20, %dma_start3A_24] : memref<6016x32xf32, #tpu.memory_space<vmem_shared>> -> memref<376x32xf32, #tpu.memory_space<vmem_shared>>
      tpu.enqueue_dma source(%dma_start3A_25 : memref<376x32xf32, #tpu.memory_space<vmem_shared>>) target(%arg7 : memref<376x32xf32, #tpu.memory_space<vmem>>) target_semaphore(%run_scoped3A : memref<!tpu.dma_semaphore, #tpu.memory_space<semaphore_mem>>)
      %dma_wait3A = arith.constant 0 : i32
      %dma_wait3A_26 = tpu.memref_slice %arg8[%mul3A_20, %dma_wait3A] : memref<6016x32xf32, #tpu.memory_space<vmem_shared>> -> memref<376x32xf32, #tpu.memory_space<vmem_shared>>
      %dma_wait3A_27 = arith.constant 0 : i32
      %dma_wait3A_28 = tpu.memref_slice %arg8[%mul3A_20, %dma_wait3A_27] : memref<6016x32xf32, #tpu.memory_space<vmem_shared>> -> memref<376x32xf32, #tpu.memory_space<vmem_shared>>
      tpu.wait_dma2 semaphore(%run_scoped3A : memref<!tpu.dma_semaphore, #tpu.memory_space<semaphore_mem>>) src(%dma_wait3A_28 : memref<376x32xf32, #tpu.memory_space<vmem_shared>>) dst(%arg7 : memref<376x32xf32, #tpu.memory_space<vmem>>)
      tpu.yield
    }) : () -> ()
    %mul3A_21 = arith.constant 376 : i32
    %mul3A_22 = arith.muli %arg1, %mul3A_21 : i32
    "tpu.region"() ({
      %run_scoped3A = tpu.sem_alloc : memref<!tpu.dma_semaphore, #tpu.memory_space<semaphore_mem>>
      %dma_start3A = arith.constant 0 : i32
      %dma_start3A_23 = tpu.memref_slice %arg4[%arg0, %mul3A_22, %dma_start3A] : memref<2x6016x32xf32, #tpu.memory_space<hbm>> -> memref<1x376x32xf32, #tpu.memory_space<hbm>>
      %dma_start3A_24 = tpu.memref_squeeze %dma_start3A_23 : memref<1x376x32xf32, #tpu.memory_space<hbm>> -> memref<376x32xf32, #tpu.memory_space<hbm>>
      %dma_start3A_25 = arith.constant 0 : i32
      %dma_start3A_26 = tpu.memref_slice %arg4[%arg0, %mul3A_22, %dma_start3A_25] : memref<2x6016x32xf32, #tpu.memory_space<hbm>> -> memref<1x376x32xf32, #tpu.memory_space<hbm>>
      %dma_start3A_27 = tpu.memref_squeeze %dma_start3A_26 : memref<1x376x32xf32, #tpu.memory_space<hbm>> -> memref<376x32xf32, #tpu.memory_space<hbm>>
      tpu.enqueue_dma source(%arg7 : memref<376x32xf32, #tpu.memory_space<vmem>>) target(%dma_start3A_27 : memref<376x32xf32, #tpu.memory_space<hbm>>) target_semaphore(%run_scoped3A : memref<!tpu.dma_semaphore, #tpu.memory_space<semaphore_mem>>)
      %dma_wait3A = arith.constant 0 : i32
      %dma_wait3A_28 = tpu.memref_slice %arg4[%arg0, %mul3A_22, %dma_wait3A] : memref<2x6016x32xf32, #tpu.memory_space<hbm>> -> memref<1x376x32xf32, #tpu.memory_space<hbm>>
      %dma_wait3A_29 = tpu.memref_squeeze %dma_wait3A_28 : memref<1x376x32xf32, #tpu.memory_space<hbm>> -> memref<376x32xf32, #tpu.memory_space<hbm>>
      %dma_wait3A_30 = arith.constant 0 : i32
      %dma_wait3A_31 = tpu.memref_slice %arg4[%arg0, %mul3A_22, %dma_wait3A_30] : memref<2x6016x32xf32, #tpu.memory_space<hbm>> -> memref<1x376x32xf32, #tpu.memory_space<hbm>>
      %dma_wait3A_32 = tpu.memref_squeeze %dma_wait3A_31 : memref<1x376x32xf32, #tpu.memory_space<hbm>> -> memref<376x32xf32, #tpu.memory_space<hbm>>
      tpu.wait_dma2 semaphore(%run_scoped3A : memref<!tpu.dma_semaphore, #tpu.memory_space<semaphore_mem>>) src(%arg7 : memref<376x32xf32, #tpu.memory_space<vmem>>) dst(%dma_wait3A_32 : memref<376x32xf32, #tpu.memory_space<hbm>>)
      tpu.yield
    }) : () -> ()
    return
  }
}

module attributes {stable_mosaic.version = 14 : i64} {
  func.func @_pq_body(%arg0: memref<6000x256xf32, #tpu.memory_space<vmem>>, %arg1: memref<256x256xf32, #tpu.memory_space<vmem>>, %arg2: memref<256x256xf32, #tpu.memory_space<vmem>>, %arg3: memref<1x256xf32, #tpu.memory_space<vmem>>, %arg4: memref<6000x3xf32, #tpu.memory_space<vmem>>, %arg5: memref<6000x384xf32, #tpu.memory_space<vmem>>, %arg6: memref<6000x384xf32, #tpu.memory_space<vmem>>) attributes {dimension_semantics = [], scalar_prefetch = 0 : i64, scratch_operands = 0 : i64, tpu.core_type = #tpu.core_type<tc>} {
    %get3A = arith.constant 0 : index
    %get3A_0 = arith.constant 0 : index
    %get3A_1 = vector.load %arg0[%get3A, %get3A_0] : memref<6000x256xf32, #tpu.memory_space<vmem>>, vector<6000x256xf32>
    %get3A_2 = arith.constant 0 : index
    %get3A_3 = arith.constant 0 : index
    %get3A_4 = vector.load %arg4[%get3A_2, %get3A_3] : memref<6000x3xf32, #tpu.memory_space<vmem>>, vector<6000x3xf32>
    %broadcast_in_dim3A = arith.constant 0.000000e+00 : f32
    %broadcast_in_dim3A_5 = vector.broadcast %broadcast_in_dim3A : f32 to vector<6000x125xf32>
    %concatenate3A = tpu.concatenate %get3A_4, %broadcast_in_dim3A_5 in 1 : vector<6000x3xf32>, vector<6000x125xf32> -> vector<6000x128xf32>
    %get3A_6 = arith.constant 0 : index
    %get3A_7 = arith.constant 0 : index
    %get3A_8 = vector.load %arg1[%get3A_6, %get3A_7] : memref<256x256xf32, #tpu.memory_space<vmem>>, vector<256x256xf32>
    %dot_general3A = arith.constant dense<0.000000e+00> : vector<6000x256xf32>
    %dot_general3A_9 = tpu.matmul %get3A_1, %get3A_8, %dot_general3A {dimension_numbers = #tpu.dot_dimension_numbers<[1], [0], [0], [1], [0, 0, 1, 1], [], []>, transpose_lhs_hint = false} : vector<6000x256xf32>, vector<256x256xf32>, vector<6000x256xf32> -> vector<6000x256xf32>
    %get3A_10 = arith.constant 0 : index
    %get3A_11 = arith.constant 0 : index
    %get3A_12 = vector.load %arg3[%get3A_10, %get3A_11] : memref<1x256xf32, #tpu.memory_space<vmem>>, vector<1x256xf32>
    %add3A = vector.broadcast %get3A_12 : vector<1x256xf32> to vector<6000x256xf32>
    %add3A_13 = arith.addf %dot_general3A_9, %add3A : vector<6000x256xf32>
    %get3A_14 = arith.constant 0 : index
    %get3A_15 = arith.constant 0 : index
    %get3A_16 = vector.load %arg2[%get3A_14, %get3A_15] : memref<256x256xf32, #tpu.memory_space<vmem>>, vector<256x256xf32>
    %dot_general3A_17 = arith.constant dense<0.000000e+00> : vector<6000x256xf32>
    %dot_general3A_18 = tpu.matmul %get3A_1, %get3A_16, %dot_general3A_17 {dimension_numbers = #tpu.dot_dimension_numbers<[1], [0], [0], [1], [0, 0, 1, 1], [], []>, transpose_lhs_hint = false} : vector<6000x256xf32>, vector<256x256xf32>, vector<6000x256xf32> -> vector<6000x256xf32>
    %concatenate3A_19 = tpu.concatenate %add3A_13, %concatenate3A in 1 : vector<6000x256xf32>, vector<6000x128xf32> -> vector<6000x384xf32>
    %swap3A = arith.constant 0 : index
    %swap3A_20 = arith.constant 0 : index
    %swap3A_21 = vector.load %arg5[%swap3A, %swap3A_20] : memref<6000x384xf32, #tpu.memory_space<vmem>>, vector<6000x384xf32>
    tpu.vector_store %arg5[%swap3A, %swap3A_20], %concatenate3A_19 {strides = array<i32>} : memref<6000x384xf32, #tpu.memory_space<vmem>>, vector<6000x384xf32>,
    %concatenate3A_22 = tpu.concatenate %dot_general3A_18, %concatenate3A in 1 : vector<6000x256xf32>, vector<6000x128xf32> -> vector<6000x384xf32>
    %swap3A_23 = arith.constant 0 : index
    %swap3A_24 = arith.constant 0 : index
    %swap3A_25 = vector.load %arg6[%swap3A_23, %swap3A_24] : memref<6000x384xf32, #tpu.memory_space<vmem>>, vector<6000x384xf32>
    tpu.vector_store %arg6[%swap3A_23, %swap3A_24], %concatenate3A_22 {strides = array<i32>} : memref<6000x384xf32, #tpu.memory_space<vmem>>, vector<6000x384xf32>,
    return
  }
}

module attributes {stable_mosaic.version = 14 : i64} {
  func.func @_edge_body(%arg0: i32, %arg1: memref<1920x384xf32, #tpu.memory_space<vmem>>, %arg2: memref<1920x16xf32, #tpu.memory_space<vmem>>, %arg3: memref<16x256xf32, #tpu.memory_space<vmem>>, %arg4: memref<1x256xf32, #tpu.memory_space<vmem>>, %arg5: memref<256x16xf32, #tpu.memory_space<vmem>>, %arg6: memref<1x16xf32, #tpu.memory_space<vmem>>, %arg7: memref<16x2xf32, #tpu.memory_space<vmem>>, %arg8: memref<1x2xf32, #tpu.memory_space<vmem>>, %arg9: memref<2x1xf32, #tpu.memory_space<vmem>>, %arg10: memref<16x2xf32, #tpu.memory_space<vmem>>, %arg11: memref<1x2xf32, #tpu.memory_space<vmem>>, %arg12: memref<2x16xf32, #tpu.memory_space<vmem>>, %arg13: memref<1x16xf32, #tpu.memory_space<vmem>>, %arg14: memref<1920x32xf32, #tpu.memory_space<vmem>>, %arg15: memref<1920x2xf32, #tpu.memory_space<vmem>>, %arg16: memref<1920x16xf32, #tpu.memory_space<vmem>>) attributes {dimension_semantics = [#tpu.dimension_semantics<arbitrary>], iteration_bounds = array<i64: 200>, scalar_prefetch = 0 : i64, scratch_operands = 0 : i64, tpu.core_type = #tpu.core_type<tc>, window_params = [{transform_indices = @transform_0, window_bounds = array<i64: 1920, 384>}, {transform_indices = @transform_1, window_bounds = array<i64: 1920, 16>}, {pipeline_mode = #tpu.pipeline_mode<synchronous>, transform_indices = @transform_2, window_bounds = array<i64: 16, 256>}, {pipeline_mode = #tpu.pipeline_mode<synchronous>, transform_indices = @transform_3, window_bounds = array<i64: 1, 256>}, {pipeline_mode = #tpu.pipeline_mode<synchronous>, transform_indices = @transform_4, window_bounds = array<i64: 256, 16>}, {pipeline_mode = #tpu.pipeline_mode<synchronous>, transform_indices = @transform_5, window_bounds = array<i64: 1, 16>}, {pipeline_mode = #tpu.pipeline_mode<synchronous>, transform_indices = @transform_6, window_bounds = array<i64: 16, 2>}, {pipeline_mode = #tpu.pipeline_mode<synchronous>, transform_indices = @transform_7, window_bounds = array<i64: 1, 2>}, {pipeline_mode = #tpu.pipeline_mode<synchronous>, transform_indices = @transform_8, window_bounds = array<i64: 2, 1>}, {pipeline_mode = #tpu.pipeline_mode<synchronous>, transform_indices = @transform_9, window_bounds = array<i64: 16, 2>}, {pipeline_mode = #tpu.pipeline_mode<synchronous>, transform_indices = @transform_10, window_bounds = array<i64: 1, 2>}, {pipeline_mode = #tpu.pipeline_mode<synchronous>, transform_indices = @transform_11, window_bounds = array<i64: 2, 16>}, {pipeline_mode = #tpu.pipeline_mode<synchronous>, transform_indices = @transform_12, window_bounds = array<i64: 1, 16>}, {transform_indices = @transform_13, window_bounds = array<i64: 1920, 32>}, {transform_indices = @transform_14, window_bounds = array<i64: 1920, 2>}, {transform_indices = @transform_15, window_bounds = array<i64: 1920, 16>}]} {
    %get3A = arith.constant 0 : index
    %get3A_0 = arith.constant 0 : index
    %get3A_1 = vector.load %arg2[%get3A, %get3A_0] : memref<1920x16xf32, #tpu.memory_space<vmem>>, vector<1920x16xf32>
    %get3A_2 = arith.constant 0 : index
    %get3A_3 = arith.constant 256 : index
    %get3A_4 = vector.load %arg1[%get3A_2, %get3A_3] : memref<1920x384xf32, #tpu.memory_space<vmem>>, vector<1920x3xf32>
    %mul3A = arith.mulf %get3A_4, %get3A_4 : vector<1920x3xf32>
    %reduce_sum3A = arith.constant dense<0.000000e+00> : vector<1920xf32>
    %reduce_sum3A_5 = vector.multi_reduction <add>, %mul3A, %reduce_sum3A [1] : vector<1920x3xf32> to vector<1920xf32>
    %broadcast_in_dim3A = vector.shape_cast %reduce_sum3A_5 : vector<1920xf32> to vector<1920x1xf32>
    %get3A_6 = arith.constant 0 : index
    %get3A_7 = arith.constant 0 : index
    %get3A_8 = vector.load %arg1[%get3A_6, %get3A_7] : memref<1920x384xf32, #tpu.memory_space<vmem>>, vector<1920x256xf32>
    %get3A_9 = arith.constant 0 : index
    %get3A_10 = arith.constant 0 : index
    %get3A_11 = vector.load %arg3[%get3A_9, %get3A_10] : memref<16x256xf32, #tpu.memory_space<vmem>>, vector<16x256xf32>
    %dot_general3A = arith.constant dense<0.000000e+00> : vector<1920x256xf32>
    %dot_general3A_12 = tpu.matmul %get3A_1, %get3A_11, %dot_general3A {dimension_numbers = #tpu.dot_dimension_numbers<[1], [0], [0], [1], [0, 0, 1, 1], [], []>, transpose_lhs_hint = false} : vector<1920x16xf32>, vector<16x256xf32>, vector<1920x256xf32> -> vector<1920x256xf32>
    %add3A = arith.addf %get3A_8, %dot_general3A_12 : vector<1920x256xf32>
    %get3A_13 = arith.constant 0 : index
    %get3A_14 = arith.constant 0 : index
    %get3A_15 = vector.load %arg4[%get3A_13, %get3A_14] : memref<1x256xf32, #tpu.memory_space<vmem>>, vector<1x256xf32>
    %mul3A_16 = vector.broadcast %broadcast_in_dim3A : vector<1920x1xf32> to vector<1920x256xf32>
    %mul3A_17 = vector.broadcast %get3A_15 : vector<1x256xf32> to vector<1920x256xf32>
    %mul3A_18 = arith.mulf %mul3A_16, %mul3A_17 : vector<1920x256xf32>
    %add3A_19 = arith.addf %add3A, %mul3A_18 : vector<1920x256xf32>
    %max3A = arith.constant 0.000000e+00 : f32
    %max3A_20 = vector.broadcast %max3A : f32 to vector<1920x256xf32>
    %max3A_21 = arith.maximumf %add3A_19, %max3A_20 : vector<1920x256xf32>
    %get3A_22 = arith.constant 0 : index
    %get3A_23 = arith.constant 0 : index
    %get3A_24 = vector.load %arg5[%get3A_22, %get3A_23] : memref<256x16xf32, #tpu.memory_space<vmem>>, vector<256x16xf32>
    %dot_general3A_25 = arith.constant dense<0.000000e+00> : vector<1920x16xf32>
    %dot_general3A_26 = tpu.matmul %max3A_21, %get3A_24, %dot_general3A_25 {dimension_numbers = #tpu.dot_dimension_numbers<[1], [0], [0], [1], [0, 0, 1, 1], [], []>, transpose_lhs_hint = false} : vector<1920x256xf32>, vector<256x16xf32>, vector<1920x16xf32> -> vector<1920x16xf32>
    %get3A_27 = arith.constant 0 : index
    %get3A_28 = arith.constant 0 : index
    %get3A_29 = vector.load %arg6[%get3A_27, %get3A_28] : memref<1x16xf32, #tpu.memory_space<vmem>>, vector<1x16xf32>
    %add3A_30 = vector.broadcast %get3A_29 : vector<1x16xf32> to vector<1920x16xf32>
    %add3A_31 = arith.addf %dot_general3A_26, %add3A_30 : vector<1920x16xf32>
    %get3A_32 = arith.constant 0 : index
    %get3A_33 = arith.constant 0 : index
    %get3A_34 = vector.load %arg7[%get3A_32, %get3A_33] : memref<16x2xf32, #tpu.memory_space<vmem>>, vector<16x2xf32>
    %dot_general3A_35 = arith.constant dense<0.000000e+00> : vector<1920x2xf32>
    %dot_general3A_36 = tpu.matmul %add3A_31, %get3A_34, %dot_general3A_35 {dimension_numbers = #tpu.dot_dimension_numbers<[1], [0], [0], [1], [0, 0, 1, 1], [], []>, transpose_lhs_hint = false} : vector<1920x16xf32>, vector<16x2xf32>, vector<1920x2xf32> -> vector<1920x2xf32>
    %get3A_37 = arith.constant 0 : index
    %get3A_38 = arith.constant 0 : index
    %get3A_39 = vector.load %arg8[%get3A_37, %get3A_38] : memref<1x2xf32, #tpu.memory_space<vmem>>, vector<1x2xf32>
    %add3A_40 = vector.broadcast %get3A_39 : vector<1x2xf32> to vector<1920x2xf32>
    %add3A_41 = arith.addf %dot_general3A_36, %add3A_40 : vector<1920x2xf32>
    %max3A_42 = arith.constant 0.000000e+00 : f32
    %max3A_43 = vector.broadcast %max3A_42 : f32 to vector<1920x2xf32>
    %max3A_44 = arith.maximumf %add3A_41, %max3A_43 : vector<1920x2xf32>
    %get3A_45 = arith.constant 0 : index
    %get3A_46 = arith.constant 0 : index
    %get3A_47 = vector.load %arg9[%get3A_45, %get3A_46] : memref<2x1xf32, #tpu.memory_space<vmem>>, vector<2x1xf32>
    %dot_general3A_48 = arith.constant dense<0.000000e+00> : vector<1920x1xf32>
    %dot_general3A_49 = tpu.matmul %max3A_44, %get3A_47, %dot_general3A_48 {dimension_numbers = #tpu.dot_dimension_numbers<[1], [0], [0], [1], [0, 0, 1, 1], [], []>, transpose_lhs_hint = false} : vector<1920x2xf32>, vector<2x1xf32>, vector<1920x1xf32> -> vector<1920x1xf32>
    %sqrt3A = math.sqrt %broadcast_in_dim3A : vector<1920x1xf32>
    %add3A_50 = arith.constant 1.000000e+00 : f32
    %add3A_51 = vector.broadcast %add3A_50 : f32 to vector<1920x1xf32>
    %add3A_52 = arith.addf %sqrt3A, %add3A_51 : vector<1920x1xf32>
    %div3A = vector.broadcast %add3A_52 : vector<1920x1xf32> to vector<1920x3xf32>
    %div3A_53 = arith.divf %get3A_4, %div3A : vector<1920x3xf32>
    %mul3A_54 = vector.broadcast %dot_general3A_49 : vector<1920x1xf32> to vector<1920x3xf32>
    %mul3A_55 = arith.mulf %div3A_53, %mul3A_54 : vector<1920x3xf32>
    %get3A_56 = arith.constant 0 : index
    %get3A_57 = arith.constant 0 : index
    %get3A_58 = vector.load %arg10[%get3A_56, %get3A_57] : memref<16x2xf32, #tpu.memory_space<vmem>>, vector<16x2xf32>
    %dot_general3A_59 = arith.constant dense<0.000000e+00> : vector<1920x2xf32>
    %dot_general3A_60 = tpu.matmul %add3A_31, %get3A_58, %dot_general3A_59 {dimension_numbers = #tpu.dot_dimension_numbers<[1], [0], [0], [1], [0, 0, 1, 1], [], []>, transpose_lhs_hint = false} : vector<1920x16xf32>, vector<16x2xf32>, vector<1920x2xf32> -> vector<1920x2xf32>
    %get3A_61 = arith.constant 0 : index
    %get3A_62 = arith.constant 0 : index
    %get3A_63 = vector.load %arg11[%get3A_61, %get3A_62] : memref<1x2xf32, #tpu.memory_space<vmem>>, vector<1x2xf32>
    %add3A_64 = vector.broadcast %get3A_63 : vector<1x2xf32> to vector<1920x2xf32>
    %add3A_65 = arith.addf %dot_general3A_60, %add3A_64 : vector<1920x2xf32>
    %swap3A = arith.constant 0 : index
    %swap3A_66 = arith.constant 0 : index
    %swap3A_67 = vector.load %arg15[%swap3A, %swap3A_66] : memref<1920x2xf32, #tpu.memory_space<vmem>>, vector<1920x2xf32>
    tpu.vector_store %arg15[%swap3A, %swap3A_66], %add3A_65 {strides = array<i32>} : memref<1920x2xf32, #tpu.memory_space<vmem>>, vector<1920x2xf32>,
    %get3A_68 = arith.constant 0 : index
    %get3A_69 = arith.constant 0 : index
    %get3A_70 = vector.load %arg12[%get3A_68, %get3A_69] : memref<2x16xf32, #tpu.memory_space<vmem>>, vector<2x16xf32>
    %dot_general3A_71 = arith.constant dense<0.000000e+00> : vector<1920x16xf32>
    %dot_general3A_72 = tpu.matmul %add3A_65, %get3A_70, %dot_general3A_71 {dimension_numbers = #tpu.dot_dimension_numbers<[1], [0], [0], [1], [0, 0, 1, 1], [], []>, transpose_lhs_hint = false} : vector<1920x2xf32>, vector<2x16xf32>, vector<1920x16xf32> -> vector<1920x16xf32>
    %get3A_73 = arith.constant 0 : index
    %get3A_74 = arith.constant 0 : index
    %get3A_75 = vector.load %arg13[%get3A_73, %get3A_74] : memref<1x16xf32, #tpu.memory_space<vmem>>, vector<1x16xf32>
    %add3A_76 = vector.broadcast %get3A_75 : vector<1x16xf32> to vector<1920x16xf32>
    %add3A_77 = arith.addf %dot_general3A_72, %add3A_76 : vector<1920x16xf32>
    %swap3A_78 = arith.constant 0 : index
    %swap3A_79 = arith.constant 0 : index
    %swap3A_80 = vector.load %arg16[%swap3A_78, %swap3A_79] : memref<1920x16xf32, #tpu.memory_space<vmem>>, vector<1920x16xf32>
    tpu.vector_store %arg16[%swap3A_78, %swap3A_79], %add3A_77 {strides = array<i32>} : memref<1920x16xf32, #tpu.memory_space<vmem>>, vector<1920x16xf32>,
    %broadcast_in_dim3A_81 = arith.constant 0.000000e+00 : f32
    %broadcast_in_dim3A_82 = vector.broadcast %broadcast_in_dim3A_81 : f32 to vector<1920x13xf32>
    %concatenate3A = tpu.concatenate %add3A_31, %mul3A_55, %broadcast_in_dim3A_82 in 1 : vector<1920x16xf32>, vector<1920x3xf32>, vector<1920x13xf32> -> vector<1920x32xf32>
    %swap3A_83 = arith.constant 0 : index
    %swap3A_84 = arith.constant 0 : index
    %swap3A_85 = vector.load %arg14[%swap3A_83, %swap3A_84] : memref<1920x32xf32, #tpu.memory_space<vmem>>, vector<1920x32xf32>
    tpu.vector_store %arg14[%swap3A_83, %swap3A_84], %concatenate3A {strides = array<i32>} : memref<1920x32xf32, #tpu.memory_space<vmem>>, vector<1920x32xf32>,
    return
  }
  func.func @transform_0(%arg0: i32) -> (i32, i32) {
    %c0_i32 = arith.constant 0 : i32
    %c0_i32_0 = arith.constant 0 : i32
    return %arg0, %c0_i32 : i32, i32
  }
  func.func @transform_1(%arg0: i32) -> (i32, i32) {
    %c0_i32 = arith.constant 0 : i32
    %c0_i32_0 = arith.constant 0 : i32
    return %arg0, %c0_i32 : i32, i32
  }
  func.func @transform_2(%arg0: i32) -> (i32, i32) {
    %c0_i32 = arith.constant 0 : i32
    %c0_i32_0 = arith.constant 0 : i32
    %c0_i32_1 = arith.constant 0 : i32
    return %c0_i32, %c0_i32_0 : i32, i32
  }
  func.func @transform_3(%arg0: i32) -> (i32, i32) {
    %c0_i32 = arith.constant 0 : i32
    %c0_i32_0 = arith.constant 0 : i32
    %c0_i32_1 = arith.constant 0 : i32
    return %c0_i32, %c0_i32_0 : i32, i32
  }
  func.func @transform_4(%arg0: i32) -> (i32, i32) {
    %c0_i32 = arith.constant 0 : i32
    %c0_i32_0 = arith.constant 0 : i32
    %c0_i32_1 = arith.constant 0 : i32
    return %c0_i32, %c0_i32_0 : i32, i32
  }
  func.func @transform_5(%arg0: i32) -> (i32, i32) {
    %c0_i32 = arith.constant 0 : i32
    %c0_i32_0 = arith.constant 0 : i32
    %c0_i32_1 = arith.constant 0 : i32
    return %c0_i32, %c0_i32_0 : i32, i32
  }
  func.func @transform_6(%arg0: i32) -> (i32, i32) {
    %c0_i32 = arith.constant 0 : i32
    %c0_i32_0 = arith.constant 0 : i32
    %c0_i32_1 = arith.constant 0 : i32
    return %c0_i32, %c0_i32_0 : i32, i32
  }
  func.func @transform_7(%arg0: i32) -> (i32, i32) {
    %c0_i32 = arith.constant 0 : i32
    %c0_i32_0 = arith.constant 0 : i32
    %c0_i32_1 = arith.constant 0 : i32
    return %c0_i32, %c0_i32_0 : i32, i32
  }
  func.func @transform_8(%arg0: i32) -> (i32, i32) {
    %c0_i32 = arith.constant 0 : i32
    %c0_i32_0 = arith.constant 0 : i32
    %c0_i32_1 = arith.constant 0 : i32
    return %c0_i32, %c0_i32_0 : i32, i32
  }
  func.func @transform_9(%arg0: i32) -> (i32, i32) {
    %c0_i32 = arith.constant 0 : i32
    %c0_i32_0 = arith.constant 0 : i32
    %c0_i32_1 = arith.constant 0 : i32
    return %c0_i32, %c0_i32_0 : i32, i32
  }
  func.func @transform_10(%arg0: i32) -> (i32, i32) {
    %c0_i32 = arith.constant 0 : i32
    %c0_i32_0 = arith.constant 0 : i32
    %c0_i32_1 = arith.constant 0 : i32
    return %c0_i32, %c0_i32_0 : i32, i32
  }
  func.func @transform_11(%arg0: i32) -> (i32, i32) {
    %c0_i32 = arith.constant 0 : i32
    %c0_i32_0 = arith.constant 0 : i32
    %c0_i32_1 = arith.constant 0 : i32
    return %c0_i32, %c0_i32_0 : i32, i32
  }
  func.func @transform_12(%arg0: i32) -> (i32, i32) {
    %c0_i32 = arith.constant 0 : i32
    %c0_i32_0 = arith.constant 0 : i32
    %c0_i32_1 = arith.constant 0 : i32
    return %c0_i32, %c0_i32_0 : i32, i32
  }
  func.func @transform_13(%arg0: i32) -> (i32, i32) {
    %c0_i32 = arith.constant 0 : i32
    %c0_i32_0 = arith.constant 0 : i32
    return %arg0, %c0_i32 : i32, i32
  }
  func.func @transform_14(%arg0: i32) -> (i32, i32) {
    %c0_i32 = arith.constant 0 : i32
    %c0_i32_0 = arith.constant 0 : i32
    return %arg0, %c0_i32 : i32, i32
  }
  func.func @transform_15(%arg0: i32) -> (i32, i32) {
    %c0_i32 = arith.constant 0 : i32
    %c0_i32_0 = arith.constant 0 : i32
    return %arg0, %c0_i32 : i32, i32
  }
}

module attributes {stable_mosaic.version = 14 : i64} {
  func.func @_node_body(%arg0: memref<6000x256xf32, #tpu.memory_space<vmem>>, %arg1: memref<2x6000x32xf32, #tpu.memory_space<vmem>>, %arg2: memref<6000x3xf32, #tpu.memory_space<vmem>>, %arg3: memref<256x256xf32, #tpu.memory_space<vmem>>, %arg4: memref<16x256xf32, #tpu.memory_space<vmem>>, %arg5: memref<3x256xf32, #tpu.memory_space<vmem>>, %arg6: memref<1x256xf32, #tpu.memory_space<vmem>>, %arg7: memref<256x256xf32, #tpu.memory_space<vmem>>, %arg8: memref<1x256xf32, #tpu.memory_space<vmem>>, %arg9: memref<256x2xf32, #tpu.memory_space<vmem>>, %arg10: memref<1x2xf32, #tpu.memory_space<vmem>>, %arg11: memref<2x256xf32, #tpu.memory_space<vmem>>, %arg12: memref<1x256xf32, #tpu.memory_space<vmem>>, %arg13: memref<6000x2xf32, #tpu.memory_space<vmem>>, %arg14: memref<6000x256xf32, #tpu.memory_space<vmem>>, %arg15: memref<6000x3xf32, #tpu.memory_space<vmem>>) attributes {dimension_semantics = [], scalar_prefetch = 0 : i64, scratch_operands = 0 : i64, tpu.core_type = #tpu.core_type<tc>} {
    %get3A = arith.constant 0 : index
    %get3A_0 = arith.constant 0 : index
    %get3A_1 = arith.constant 0 : index
    %get3A_2 = vector.load %arg1[%get3A, %get3A_0, %get3A_1] : memref<2x6000x32xf32, #tpu.memory_space<vmem>>, vector<1x6000x32xf32>
    %get3A_3 = vector.shape_cast %get3A_2 : vector<1x6000x32xf32> to vector<6000x32xf32>
    %get3A_4 = arith.constant 1 : index
    %get3A_5 = arith.constant 0 : index
    %get3A_6 = arith.constant 0 : index
    %get3A_7 = vector.load %arg1[%get3A_4, %get3A_5, %get3A_6] : memref<2x6000x32xf32, #tpu.memory_space<vmem>>, vector<1x6000x32xf32>
    %get3A_8 = vector.shape_cast %get3A_7 : vector<1x6000x32xf32> to vector<6000x32xf32>
    %add3A = arith.addf %get3A_3, %get3A_8 : vector<6000x32xf32>
    %slice3A = vector.extract_strided_slice %add3A {offsets = [0, 0], sizes = [6000, 16], strides = [1, 1]} : vector<6000x32xf32> to vector<6000x16xf32>
    %slice3A_9 = vector.extract_strided_slice %add3A {offsets = [0, 16], sizes = [6000, 3], strides = [1, 1]} : vector<6000x32xf32> to vector<6000x3xf32>
    %get3A_10 = arith.constant 0 : index
    %get3A_11 = arith.constant 0 : index
    %get3A_12 = vector.load %arg2[%get3A_10, %get3A_11] : memref<6000x3xf32, #tpu.memory_space<vmem>>, vector<6000x3xf32>
    %add3A_13 = arith.addf %get3A_12, %slice3A_9 : vector<6000x3xf32>
    %swap3A = arith.constant 0 : index
    %swap3A_14 = arith.constant 0 : index
    %swap3A_15 = vector.load %arg15[%swap3A, %swap3A_14] : memref<6000x3xf32, #tpu.memory_space<vmem>>, vector<6000x3xf32>
    tpu.vector_store %arg15[%swap3A, %swap3A_14], %add3A_13 {strides = array<i32>} : memref<6000x3xf32, #tpu.memory_space<vmem>>, vector<6000x3xf32>,
    %get3A_16 = arith.constant 0 : index
    %get3A_17 = arith.constant 0 : index
    %get3A_18 = vector.load %arg0[%get3A_16, %get3A_17] : memref<6000x256xf32, #tpu.memory_space<vmem>>, vector<6000x256xf32>
    %get3A_19 = arith.constant 0 : index
    %get3A_20 = arith.constant 0 : index
    %get3A_21 = vector.load %arg3[%get3A_19, %get3A_20] : memref<256x256xf32, #tpu.memory_space<vmem>>, vector<256x256xf32>
    %dot_general3A = arith.constant dense<0.000000e+00> : vector<6000x256xf32>
    %dot_general3A_22 = tpu.matmul %get3A_18, %get3A_21, %dot_general3A {dimension_numbers = #tpu.dot_dimension_numbers<[1], [0], [0], [1], [0, 0, 1, 1], [], []>, transpose_lhs_hint = false} : vector<6000x256xf32>, vector<256x256xf32>, vector<6000x256xf32> -> vector<6000x256xf32>
    %get3A_23 = arith.constant 0 : index
    %get3A_24 = arith.constant 0 : index
    %get3A_25 = vector.load %arg4[%get3A_23, %get3A_24] : memref<16x256xf32, #tpu.memory_space<vmem>>, vector<16x256xf32>
    %dot_general3A_26 = arith.constant dense<0.000000e+00> : vector<6000x256xf32>
    %dot_general3A_27 = tpu.matmul %slice3A, %get3A_25, %dot_general3A_26 {dimension_numbers = #tpu.dot_dimension_numbers<[1], [0], [0], [1], [0, 0, 1, 1], [], []>, transpose_lhs_hint = false} : vector<6000x16xf32>, vector<16x256xf32>, vector<6000x256xf32> -> vector<6000x256xf32>
    %add3A_28 = arith.addf %dot_general3A_22, %dot_general3A_27 : vector<6000x256xf32>
    %get3A_29 = arith.constant 0 : index
    %get3A_30 = arith.constant 0 : index
    %get3A_31 = vector.load %arg5[%get3A_29, %get3A_30] : memref<3x256xf32, #tpu.memory_space<vmem>>, vector<3x256xf32>
    %dot_general3A_32 = arith.constant dense<0.000000e+00> : vector<6000x256xf32>
    %dot_general3A_33 = tpu.matmul %add3A_13, %get3A_31, %dot_general3A_32 {dimension_numbers = #tpu.dot_dimension_numbers<[1], [0], [0], [1], [0, 0, 1, 1], [], []>, transpose_lhs_hint = false} : vector<6000x3xf32>, vector<3x256xf32>, vector<6000x256xf32> -> vector<6000x256xf32>
    %add3A_34 = arith.addf %add3A_28, %dot_general3A_33 : vector<6000x256xf32>
    %get3A_35 = arith.constant 0 : index
    %get3A_36 = arith.constant 0 : index
    %get3A_37 = vector.load %arg6[%get3A_35, %get3A_36] : memref<1x256xf32, #tpu.memory_space<vmem>>, vector<1x256xf32>
    %add3A_38 = vector.broadcast %get3A_37 : vector<1x256xf32> to vector<6000x256xf32>
    %add3A_39 = arith.addf %add3A_34, %add3A_38 : vector<6000x256xf32>
    %max3A = arith.constant 0.000000e+00 : f32
    %max3A_40 = vector.broadcast %max3A : f32 to vector<6000x256xf32>
    %max3A_41 = arith.maximumf %add3A_39, %max3A_40 : vector<6000x256xf32>
    %get3A_42 = arith.constant 0 : index
    %get3A_43 = arith.constant 0 : index
    %get3A_44 = vector.load %arg7[%get3A_42, %get3A_43] : memref<256x256xf32, #tpu.memory_space<vmem>>, vector<256x256xf32>
    %dot_general3A_45 = arith.constant dense<0.000000e+00> : vector<6000x256xf32>
    %dot_general3A_46 = tpu.matmul %max3A_41, %get3A_44, %dot_general3A_45 {dimension_numbers = #tpu.dot_dimension_numbers<[1], [0], [0], [1], [0, 0, 1, 1], [], []>, transpose_lhs_hint = false} : vector<6000x256xf32>, vector<256x256xf32>, vector<6000x256xf32> -> vector<6000x256xf32>
    %get3A_47 = arith.constant 0 : index
    %get3A_48 = arith.constant 0 : index
    %get3A_49 = vector.load %arg8[%get3A_47, %get3A_48] : memref<1x256xf32, #tpu.memory_space<vmem>>, vector<1x256xf32>
    %add3A_50 = vector.broadcast %get3A_49 : vector<1x256xf32> to vector<6000x256xf32>
    %add3A_51 = arith.addf %dot_general3A_46, %add3A_50 : vector<6000x256xf32>
    %get3A_52 = arith.constant 0 : index
    %get3A_53 = arith.constant 0 : index
    %get3A_54 = vector.load %arg9[%get3A_52, %get3A_53] : memref<256x2xf32, #tpu.memory_space<vmem>>, vector<256x2xf32>
    %dot_general3A_55 = arith.constant dense<0.000000e+00> : vector<6000x2xf32>
    %dot_general3A_56 = tpu.matmul %add3A_51, %get3A_54, %dot_general3A_55 {dimension_numbers = #tpu.dot_dimension_numbers<[1], [0], [0], [1], [0, 0, 1, 1], [], []>, transpose_lhs_hint = false} : vector<6000x256xf32>, vector<256x2xf32>, vector<6000x2xf32> -> vector<6000x2xf32>
    %get3A_57 = arith.constant 0 : index
    %get3A_58 = arith.constant 0 : index
    %get3A_59 = vector.load %arg10[%get3A_57, %get3A_58] : memref<1x2xf32, #tpu.memory_space<vmem>>, vector<1x2xf32>
    %add3A_60 = vector.broadcast %get3A_59 : vector<1x2xf32> to vector<6000x2xf32>
    %add3A_61 = arith.addf %dot_general3A_56, %add3A_60 : vector<6000x2xf32>
    %swap3A_62 = arith.constant 0 : index
    %swap3A_63 = arith.constant 0 : index
    %swap3A_64 = vector.load %arg13[%swap3A_62, %swap3A_63] : memref<6000x2xf32, #tpu.memory_space<vmem>>, vector<6000x2xf32>
    tpu.vector_store %arg13[%swap3A_62, %swap3A_63], %add3A_61 {strides = array<i32>} : memref<6000x2xf32, #tpu.memory_space<vmem>>, vector<6000x2xf32>,
    %get3A_65 = arith.constant 0 : index
    %get3A_66 = arith.constant 0 : index
    %get3A_67 = vector.load %arg11[%get3A_65, %get3A_66] : memref<2x256xf32, #tpu.memory_space<vmem>>, vector<2x256xf32>
    %dot_general3A_68 = arith.constant dense<0.000000e+00> : vector<6000x256xf32>
    %dot_general3A_69 = tpu.matmul %add3A_61, %get3A_67, %dot_general3A_68 {dimension_numbers = #tpu.dot_dimension_numbers<[1], [0], [0], [1], [0, 0, 1, 1], [], []>, transpose_lhs_hint = false} : vector<6000x2xf32>, vector<2x256xf32>, vector<6000x256xf32> -> vector<6000x256xf32>
    %get3A_70 = arith.constant 0 : index
    %get3A_71 = arith.constant 0 : index
    %get3A_72 = vector.load %arg12[%get3A_70, %get3A_71] : memref<1x256xf32, #tpu.memory_space<vmem>>, vector<1x256xf32>
    %add3A_73 = vector.broadcast %get3A_72 : vector<1x256xf32> to vector<6000x256xf32>
    %add3A_74 = arith.addf %dot_general3A_69, %add3A_73 : vector<6000x256xf32>
    %swap3A_75 = arith.constant 0 : index
    %swap3A_76 = arith.constant 0 : index
    %swap3A_77 = vector.load %arg14[%swap3A_75, %swap3A_76] : memref<6000x256xf32, #tpu.memory_space<vmem>>, vector<6000x256xf32>
    tpu.vector_store %arg14[%swap3A_75, %swap3A_76], %add3A_74 {strides = array<i32>} : memref<6000x256xf32, #tpu.memory_space<vmem>>, vector<6000x256xf32>,
    return
  }
}

module attributes {stable_mosaic.version = 14 : i64} {
  func.func @_adj_body(%arg0: i32, %arg1: i32, %arg2: memref<768x2xf32, #tpu.memory_space<vmem>>, %arg3: memref<2x768xf32, #tpu.memory_space<vmem>>, %arg4: memref<768x768xf32, #tpu.memory_space<vmem>>) attributes {dimension_semantics = [#tpu.dimension_semantics<arbitrary>, #tpu.dimension_semantics<arbitrary>], iteration_bounds = array<i64: 8, 8>, scalar_prefetch = 0 : i64, scratch_operands = 0 : i64, tpu.core_type = #tpu.core_type<tc>, window_params = [{transform_indices = @transform_0, window_bounds = array<i64: 768, 2>}, {transform_indices = @transform_1, window_bounds = array<i64: 2, 768>}, {transform_indices = @transform_2, window_bounds = array<i64: 768, 768>}]} {
    %get3A = arith.constant 0 : index
    %get3A_0 = arith.constant 0 : index
    %get3A_1 = vector.load %arg2[%get3A, %get3A_0] : memref<768x2xf32, #tpu.memory_space<vmem>>, vector<768x2xf32>
    %get3A_2 = arith.constant 0 : index
    %get3A_3 = arith.constant 0 : index
    %get3A_4 = vector.load %arg3[%get3A_2, %get3A_3] : memref<2x768xf32, #tpu.memory_space<vmem>>, vector<2x768xf32>
    %slice3A = vector.extract_strided_slice %get3A_1 {offsets = [0, 0], sizes = [768, 1], strides = [1, 1]} : vector<768x2xf32> to vector<768x1xf32>
    %slice3A_5 = vector.extract_strided_slice %get3A_4 {offsets = [0, 0], sizes = [1, 768], strides = [1, 1]} : vector<2x768xf32> to vector<1x768xf32>
    %sub3A = vector.broadcast %slice3A : vector<768x1xf32> to vector<768x768xf32>
    %sub3A_6 = vector.broadcast %slice3A_5 : vector<1x768xf32> to vector<768x768xf32>
    %sub3A_7 = arith.subf %sub3A, %sub3A_6 : vector<768x768xf32>
    %slice3A_8 = vector.extract_strided_slice %get3A_1 {offsets = [0, 1], sizes = [768, 1], strides = [1, 1]} : vector<768x2xf32> to vector<768x1xf32>
    %slice3A_9 = vector.extract_strided_slice %get3A_4 {offsets = [1, 0], sizes = [1, 768], strides = [1, 1]} : vector<2x768xf32> to vector<1x768xf32>
    %sub3A_10 = vector.broadcast %slice3A_8 : vector<768x1xf32> to vector<768x768xf32>
    %sub3A_11 = vector.broadcast %slice3A_9 : vector<1x768xf32> to vector<768x768xf32>
    %sub3A_12 = arith.subf %sub3A_10, %sub3A_11 : vector<768x768xf32>
    %mul3A = arith.mulf %sub3A_7, %sub3A_7 : vector<768x768xf32>
    %mul3A_13 = arith.mulf %sub3A_12, %sub3A_12 : vector<768x768xf32>
    %add3A = arith.addf %mul3A, %mul3A_13 : vector<768x768xf32>
    %mul3A_14 = arith.constant 3.000000e+00 : f32
    %mul3A_15 = vector.broadcast %mul3A_14 : f32 to vector<768x768xf32>
    %mul3A_16 = arith.mulf %mul3A_15, %add3A : vector<768x768xf32>
    %sub3A_17 = arith.constant 1.000000e+00 : f32
    %sub3A_18 = vector.broadcast %sub3A_17 : f32 to vector<768x768xf32>
    %sub3A_19 = arith.subf %mul3A_16, %sub3A_18 : vector<768x768xf32>
    %logistic3A = arith.negf %sub3A_19 : vector<768x768xf32>
    %logistic3A_20 = math.exp %logistic3A : vector<768x768xf32>
    %logistic3A_21 = arith.constant 1.000000e+00 : f32
    %logistic3A_22 = vector.broadcast %logistic3A_21 : f32 to vector<768x768xf32>
    %logistic3A_23 = arith.addf %logistic3A_22, %logistic3A_20 : vector<768x768xf32>
    %logistic3A_24 = arith.divf %logistic3A_22, %logistic3A_23 : vector<768x768xf32>
    %mul3A_25 = arith.constant 768 : i32
    %mul3A_26 = arith.muli %arg0, %mul3A_25 : i32
    %iota3A = tpu.iota {dimensions = array<i32: 0>} : vector<768x768xi32>
    %add3A_27 = vector.broadcast %mul3A_26 : i32 to vector<768x768xi32>
    %add3A_28 = arith.addi %add3A_27, %iota3A : vector<768x768xi32>
    %mul3A_29 = arith.constant 768 : i32
    %mul3A_30 = arith.muli %arg1, %mul3A_29 : i32
    %iota3A_31 = tpu.iota {dimensions = array<i32: 1>} : vector<768x768xi32>
    %add3A_32 = vector.broadcast %mul3A_30 : i32 to vector<768x768xi32>
    %add3A_33 = arith.addi %add3A_32, %iota3A_31 : vector<768x768xi32>
    %eq3A = arith.cmpi eq, %add3A_28, %add3A_33 : vector<768x768xi32>
    %jit3A = arith.constant 0.000000e+00 : f32
    %broadcast_in_dim3A = vector.broadcast %jit3A : f32 to vector<768x768xf32>
    %select_n3A = arith.select %eq3A, %broadcast_in_dim3A, %logistic3A_24 : vector<768x768xi1>, vector<768x768xf32>
    %swap3A = arith.constant 0 : index
    %swap3A_34 = arith.constant 0 : index
    %swap3A_35 = vector.load %arg4[%swap3A, %swap3A_34] : memref<768x768xf32, #tpu.memory_space<vmem>>, vector<768x768xf32>
    tpu.vector_store %arg4[%swap3A, %swap3A_34], %select_n3A {strides = array<i32>} : memref<768x768xf32, #tpu.memory_space<vmem>>, vector<768x768xf32>,
    return
  }
  func.func @transform_0(%arg0: i32, %arg1: i32) -> (i32, i32) {
    %c0_i32 = arith.constant 0 : i32
    %c0_i32_0 = arith.constant 0 : i32
    return %arg0, %c0_i32 : i32, i32
  }
  func.func @transform_1(%arg0: i32, %arg1: i32) -> (i32, i32) {
    %c0_i32 = arith.constant 0 : i32
    %c0_i32_0 = arith.constant 0 : i32
    return %c0_i32, %arg1 : i32, i32
  }
  func.func @transform_2(%arg0: i32, %arg1: i32) -> (i32, i32) {
    %c0_i32 = arith.constant 0 : i32
    return %arg0, %arg1 : i32, i32
  }
}

</mosaic_0001>

<sc_bundles>
// kernel: kernel.11.cloned.1.call-start
scs
__scs_entry_jumppad:
0x0: {  	(pc) =	sbr.rel $0x88, $3  }
0x1: {  	(tag) =	ssettag $0x0;
	lr =	simm.s32 $0x1  }
0x2: {  	[smem:$0x3F8A] =	sst lr;
	_ =	strace $0xD0000000  }
0x3: {  	_ = 	snop  }
0x4: {  	_ = 	snop  }
0x5: {  	_ = 	snop  }
0x6: {  	_ = 	snop  }
0x7: {  	_ = 	snop  }
__scs_overlays_trampoline_lowered:
0x8: {  	[smem:$0x3F99] =	sst s0  }
0x9: {  	[smem:$0x3F9A] =	sst s1  }
0xa: {  	[smem:$0x3F9B] =	sst s2  }
0xb: {  	[smem:$0x3F9C] =	sst s3  }
0xc: {  	[smem:$0x3F9D] =	sst s4  }
0xd: {  	[smem:$0x3F9E] =	sst s5  }
0xe: {  	[smem:$0x3F9F] =	sst s6  }
0xf: {  	[smem:$0x3FA0] =	sst s7  }
0x10: {  	[smem:$0x3FA1] =	sst s8  }
0x11: {  	[smem:$0x3FA2] =	sst s9;
	s0 =	simm.s32 @!p0 $0x0  }
0x12: {  	s1 =	sld [smem:$0x3F88];
	s0 =	simm.s32 @p0 $0x1  }
0x13: {  	[smem:$0x3FA3] =	sst s0;
	s0 =	simm.s32 @!p1 $0x0  }
0x14: {  	s2 =	sld [smem:$0x3F87];
	s0 =	simm.s32 @p1 $0x1  }
0x15: {  	[smem:$0x3FA4] =	sst s0;
	s0 =	simm.s32 @!p2 $0x0  }
0x16: {  	s3 =	sld [smem:$0x3FDB];
	s0 =	simm.s32 @p2 $0x1  }
0x17: {  	s4 =	simm.s32 $0x1BF5;
	[smem:$0x3FA6] =	sst s0  }
0x18: {  	s0 =	sld [smem:$0x3F89];
	_ =	swait.ge [sflag:s4], $0x0  }
0x19: {  	s7 =	sld [smem:$0x3F8A]  }
0x1a: {  	s8 =	sadd.s32 $0xFFFFE003, lr  }
0x1b: {  	s9 =	sadd.s32 $0xFFFFFEF7, lr;
	s5 =	simm.s32 $0xFFFFFFFF;
	p2 =	slt.u32 s8, $0xFFFFF086  }
0x1c: {  	p1 =	slt.u32 s9, $0xF7A;
	s5 =	simm.s32 @!p2 $0x0  }
0x1d: {  	s5 =	simm.s32 @p1 $0x1;
	p0 =	seq.s32 s7, s2  }
0x1e: {  	s7 =	smul.u32 @!p0 $0xF7A, s2;
	p2 =	seq.s32 @!p0 s5, $0x0  }
0x1f: {  	s9 =	smul.u32 $0xF7A, s1;
	s8 =	simm.s32 @!p0 $0x1BF5;
	p2 =	por !p2, p0  }
0x20: {  	[sflag:s8] =	ssyncset.s32 @!p0 $0xFFFFF086;
	s6 =	sadd.s32 @!p0 s3, s7;
	s7 =	simm.s32 @!p0 $0x108  }
0x21: {  	s3 =	sadd.s32 s3, s9;
	s6 =	sadd.s32 @!p0 $0x88, s6;
	s7 =	simm.s32 @p2 $0x1082  }
0x22: {  	[simem:s7], [sflag:s8] =	dma.local @!p0 [hbm:s6], $0xF7A  }
0x23: {  	s9 =	sor.u32 $0xD0000000, s2;
	s6 =	simm.s32 $0x108;
	_ =	swait.ge @!p0 [sflag:s8], $0x0  }
0x24: {  	s3 =	sadd.s32 $0x88, s3;
	s6 =	simm.s32 @!p1 $0x1082;
	[sflag:s4] =	ssyncset.s32 $0xFFFFF086  }
0x25: {  	[simem:s6], [sflag:s4] =	dma.local [hbm:s3], $0xF7A  }
0x26: {  	[smem:$0x3F8A] =	sst s1;
	(tag) =	ssettag s2;
	_ =	strace s9  }
0x27: {  	s1 =	sld [smem:$0x3F9A]  }
0x28: {  	s2 =	sld [smem:$0x3F9B]  }
0x29: {  	s4 =	sld [smem:$0x3F9D]  }
0x2a: {  	p0 =	seq.s32 s5, $0x0;
	s5 =	sld [smem:$0x3F9E]  }
0x2b: {  	s6 =	sld [smem:$0x3F9F]  }
0x2c: {  	s7 =	sld [smem:$0x3FA0]  }
0x2d: {  	s3 =	simm.s32 $0x108;
	s8 =	sld [smem:$0x3FA1]  }
0x2e: {  	s3 =	simm.s32 @!p0 $0x1082;
	s9 =	sld [smem:$0x3FA2]  }
0x2f: {  	lr =	sadd.s32 s0, s3;
	s0 =	sld [smem:$0x3F99]  }
0x30: {  	s3 =	sld [smem:$0x3F9C]  }
0x31: {  	[smem:$0x3FA5] =	sst s10  }
0x32: {  	s10 =	sld [smem:$0x3FA3];
	_ =	sdelay $0x3  }
0x33: {  	p0 =	seq.s32 s10, $0x1;
	s10 =	sld [smem:$0x3FA5];
	_ =	sdelay $0x3  }
0x34: {  	[smem:$0x3FA5] =	sst s10  }
0x35: {  	s10 =	sld [smem:$0x3FA4];
	_ =	sdelay $0x3  }
0x36: {  	p1 =	seq.s32 s10, $0x1;
	s10 =	sld [smem:$0x3FA5];
	_ =	sdelay $0x3  }
0x37: {  	[smem:$0x3FA5] =	sst s10  }
0x38: {  	s10 =	sld [smem:$0x3FA6]  }
0x39: {  	_ = 	snop;
	(pc) =	sbr.ind lr, $3  }
0x3a: {  	_ = 	snop  }
0x3b: {  	_ = 	snop  }
0x3c: {  	p2 =	seq.s32 s10, $0x1;
	s10 =	sld [smem:$0x3FA5]  }
0x3d: {  	_ =	shalt  }
0x3e: {  	_ =	shalt  }
0x3f: {  	_ =	shalt  }
0x40: {  	_ =	shalt  }
0x41: {  	_ =	shalt  }
0x42: {  	_ =	shalt  }
0x43: {  	_ =	shalt  }
0x44: {  	_ =	shalt  }
0x45: {  	_ =	shalt  }
0x46: {  	_ =	shalt  }
0x47: {  	_ =	shalt  }
0x48: {  	_ =	shalt  }
0x49: {  	_ =	shalt  }
0x4a: {  	_ =	shalt  }
0x4b: {  	_ =	shalt  }
0x4c: {  	_ =	shalt  }
0x4d: {  	_ =	shalt  }
0x4e: {  	_ =	shalt  }
0x4f: {  	_ =	shalt  }
0x50: {  	_ =	shalt  }
0x51: {  	_ =	shalt  }
0x52: {  	_ =	shalt  }
0x53: {  	_ =	shalt  }
0x54: {  	_ =	shalt  }
0x55: {  	_ =	shalt  }
0x56: {  	_ =	shalt  }
0x57: {  	_ =	shalt  }
0x58: {  	_ =	shalt  }
0x59: {  	_ =	shalt  }
0x5a: {  	_ =	shalt  }
0x5b: {  	_ =	shalt  }
0x5c: {  	_ =	shalt  }
0x5d: {  	_ =	shalt  }
0x5e: {  	_ =	shalt  }
0x5f: {  	_ =	shalt  }
0x60: {  	_ =	shalt  }
0x61: {  	_ =	shalt  }
0x62: {  	_ =	shalt  }
0x63: {  	_ =	shalt  }
0x64: {  	_ =	shalt  }
0x65: {  	_ =	shalt  }
0x66: {  	_ =	shalt  }
0x67: {  	_ =	shalt  }
0x68: {  	_ =	shalt  }
0x69: {  	_ =	shalt  }
0x6a: {  	_ =	shalt  }
0x6b: {  	_ =	shalt  }
0x6c: {  	_ =	shalt  }
0x6d: {  	_ =	shalt  }
0x6e: {  	_ =	shalt  }
0x6f: {  	_ =	shalt  }
0x70: {  	_ =	shalt  }
0x71: {  	_ =	shalt  }
0x72: {  	_ =	shalt  }
0x73: {  	_ =	shalt  }
0x74: {  	_ =	shalt  }
0x75: {  	_ =	shalt  }
0x76: {  	_ =	shalt  }
0x77: {  	_ =	shalt  }
0x78: {  	_ =	shalt  }
0x79: {  	_ =	shalt  }
0x7a: {  	_ =	shalt  }
0x7b: {  	_ =	shalt  }
0x7c: {  	_ =	shalt  }
0x7d: {  	_ =	shalt  }
0x7e: {  	_ =	shalt  }
0x7f: {  	_ =	shalt  }
0x80: {  	_ =	shalt  }
0x81: {  	_ =	shalt  }
0x82: {  	_ =	shalt  }
0x83: {  	_ =	shalt  }
0x84: {  	_ =	shalt  }
0x85: {  	_ =	shalt  }
0x86: {  	_ =	shalt  }
0x87: {  	_ =	shalt  }
.Lfunc_end0:
.L_simem_size_0:
called_computation.1_lowered:
.L_overlay_start_0:
0x88: {  	s2 =	sld [smem:$0x3FD9]  }
0x89: {  	s3 =	sld [smem:$0x3FFE];
	_ =	sdelay $0x1  }
0x8a: {  	s1 =	srdreg.scid  }
0x8b: {  	s0 =	sand.u32 $0x1, s1  }
0x8c: {  	s14 =	sshll.u32 s0, $0xA;
	s2 =	sadd.s32 s3, s2  }
0x8d: {  	s2 =	sadd.s32 s2, s14  }
0x8e: {  	[smem:$0x3FB1] =	sst s2  }
0x8f: {  	_ = 	snop  }
0x90: {  	s2 =	sld [smem:$0x3FD0];
	_ =	sdelay $0x2  }
0x91: {  	s15 =	simm.s32 $0xA;
	s4 =	simm.s32 $0x10  }
0x92: {  	[smem:s4], [sflag:s15] =	dma.local [hbm:s2], $0x1  }
0x93: {  	_ =	swait.eq [sflag:s15], $0x1  }
0x94: {  	[sflag:s15] =	ssyncset.done $0x0  }
0x95: {  	[sflag:s15] =	ssyncadd.s32 $0xFFFFFFFF  }
0x96: {  	s16 =	sld [smem:$0x14];
	(tm) =	ssettm $0x1  }
0x97: {  	s17 =	sld [smem:$0x3FFB];
	_ =	sdelay $0x3  }
0x98: {  	_ =	strace s17  }
0x99: {  	s3 =	sld [smem:$0x3FFC];
	_ =	sdelay $0x3  }
0x9a: {  	_ =	strace s3  }
0x9b: {  	s3 =	sld [smem:$0x3FFD];
	_ =	sdelay $0x3  }
0x9c: {  	_ =	strace s3  }
0x9d: {  	_ =	strace $0x8FFFFFFF  }
0x9e: {  	s18 =	sld [smem:$0x3FDB];
	_ =	sdelay $0x1  }
0x9f: {  	s19 =	simm.s32 $_scs_section_size  }
0xa0: {  	s5 =	simm.s32 $_size__tile_overlayer_lowered;
	s6 =	simm.s32 $_tile_overlayer_lowered  }
0xa1: {  	s22 =	simm.s32 $0x1BFF;
	s21 =	sshll.u32 s6, $0x1;
	s3 =	sadd.s32 s19, s18  }
0xa2: {  	s7 =	simm.s32 $0x0;
	s20 =	sshll.u32 s5, $0x1;
	s5 =	sadd.s32 s21, s3  }
0xa3: {  	[timem:s7], [sflag:s22] =	dma.local [hbm:s5], s20  }
0xa4: {  	_ =	swait.ge [sflag:s22], s20  }
0xa5: {  	s4 =	ssub.s32 $0x0, s20;
	[sflag:s22] =	ssyncset.done $0x0  }
0xa6: {  	[sflag:s22] =	ssyncadd.s32 s4;
	_ =	sdelay $0x1  }
0xa7: {  	s23 =	simm.s32 $0x1B8B  }
0xa8: {  	_ =	swait.ge [sflag:s23], $0x1  }
0xa9: {  	[sflag:s23] =	ssyncset.done $0x0  }
0xaa: {  	s25 =	simm.s32 $0x1B8E;
	s24 =	sld [smem:$0x3FFE];
	[sflag:s23] =	ssyncadd.s32 $0xFFFFFFFF  }
0xab: {  	s26 =	simm.s32 $execute0_lowered;
	[smem:$0x3FD2] =	sst s25  }
0xac: {  	s5 =	sshll.u32 s26, $0x1;
	_ =	strace $0x80000049;
	[dreg:$0x1] =	wrdreg $0xFFFFFFFF  }
0xad: {  	s28 =	simm.s32 $_size_execute0_lowered;
	s3 =	sadd.s32 s3, s5;
	[dreg:$0x0] =	wrdreg $0x0  }
0xae: {  	s5 =	sshll.u32 s28, $0x1;
	[dreg:$0x2] =	wrdreg s3  }
0xaf: {  	[dreg:$0x3] =	wrdreg s5  }
0xb0: {  	[dreg:$0x4] =	wrdreg $0xC0  }
0xb1: {  	_ =	task [dreg:s7], $0x5FFFF  }
0xb2: {  	[dreg:$0x1] =	wrdreg $0xFFFFFFFF  }
0xb3: {  	[dreg:$0x0] =	wrdreg $0x60  }
0xb4: {  	[dreg:$0x2] =	wrdreg s16  }
0xb5: {  	[dreg:$0x3] =	wrdreg s24  }
0xb6: {  	[dreg:$0x4] =	wrdreg $0x3E780  }
0xb7: {  	[dreg:$0x5] =	wrdreg $0x9  }
0xb8: {  	_ =	task.clear_ibuf [dreg:s7], $0x6FFFF;
	_ =	strace $0x90000049  }
0xb9: {  	s29 =	simm.s32 $0x9;
	_ =	strace $0x8000004B  }
0xba: {  	_ =	swait.ge [sflag:s29], $0x1  }
0xbb: {  	[sflag:s29] =	ssyncadd.s32 $0xFFFFFFFF  }
0xbc: {  	_ =	strace $0x9000004B  }
0xbd: {  	_ =	sfence  }
0xbe: {  	s30 =	sld [smem:$0x0];
	_ =	sdelay $0x2  }
0xbf: {  	s31 =	sshll.u32 s1, $0xD;
	s1 =	sshrl.u32 s1, $0x2  }
0xc0: {  	s3 =	sand.u32 $0x4000, s31;
	s1 =	sadd.s32 s1, s30  }
0xc1: {  	s0 =	sor.u32 s3, s0;
	s1 =	sshll.u32 s1, $0x11  }
0xc2: {  	s0 =	sor.u32 s1, s0  }
0xc3: {  	s0 =	sadd.s32 $0x8F2B, s0  }
0xc4: {  	[sflag:s0] =	ssyncadd.remote.s32 $0x1  }
0xc5: {  	_ =	sfence.sel $0xFFFF  }
0xc6: {  	[dreg:$0x0] =	wrdreg $0xFFFFFFFF;
	(pc) =	sbr.abs _section_cstart, $3  }
0xc7: {  	[dreg:$0x1] =	wrdreg $0xFFFFFFFF  }
0xc8: {  	_ =	task.clear_ibuf [dreg:s7], $0x2FFFF;
	_ =	strace $0x9FFFFFFF  }
0xc9: {  	(tm) =	ssettm $0x7FFFFFFF  }
tec
execute0_lowered:
.L_overlay_start_1:
0x0: {  	(tag) =	ssettag $0x1  }
0x1: {  	s1 =	srdreg.scid  }
0x2: {  	s0 =	stileid.u32;
	s7 =	rddreg [dreg:$0x0]  }
0x3: {  	s6 =	rddreg [dreg:$0x1];
	s4 =	smul.u32 $0x5DC0, s0  }
0x4: {  	s2 =	rddreg [dreg:$0x2];
	s3 =	simm.s32 $0x0;
	s9 =	smul.u32 $0x2F00, s0  }
0x5: {  	s5 =	sand.u32 $0x1, s1;
	s1 =	rddreg [dreg:$0x3];
	s11 =	smul.u32 $0x17700, s0  }
0x6: {  	s12 =	simm.s32 $0x0;
	[smem:$0x7FF] =	sst s3;
	s8 =	smul.u32 $0x2EE0, s5  }
0x7: {  	s10 =	smul.u32 $0x2F000, s5;
	_ =	strace $0x8000004A;
	s29 =	ssub.s32 $0x2, s5  }
0x8: {  	s31 =	smul.u32 $0xBB80, s5;
	s30 =	sshrl.u32 s29, $0x1;
	s7 =	sadd.s32 s11, s7  }
0x9: {  	s11 =	simm.s32 $0x78;
	s4 =	sadd.s32 s8, s4;
	s25 =	sadd.s32 s9, s10  }
0xa: {  	s8 =	ssub.s32 s29, s30;
	s7 =	sadd.s32 s31, s7;
	s4 =	sshrl.u32 s4, $0x3  }
0xb: {  	s10 =	simm.s32 $0x1;
	s28 =	sshrl.u32 s25, $0x3;
	s26 =	sadd.s32 s4, s6  }
0xc: {  	s6 =	sadd.s32 s28, s6;
	s4 =	sadd.s32 s9, s2;
	s9 =	simm.s32 $0xF78  }
0xd: {  	v0 =	vimm.f32 $0.0e+00;
	s5 =	sadd.s32 $0x11A4600, s6;
	s6 =	smax.u32 s8, $0x1;
	s8 =	sadd.s32 $0x1198A00, s26  }
.LBB2_1:
0xe: {  	s13 =	simm.s32 $0x80;
	s14 =	simm.s32 $0x0  }
.LBB2_2:
0xf: {  	p0 =	sne.s32 s13, $0xBB80;
	[tilespmem:s14+$0xF78] =	vst v0;
	s15 =	smov.u32 s13;
	s13 =	sadd.s32 $0x80, s13  }
.Ltmp0:
0x10: {  	[tilespmem:s14+$0xF88] =	vst v0;
	(pc) =	sbr.rel @p0 .LBB2_2-.Ltmp0, $2  }
0x11: {  	_ =	sdelay $0x2  }
0x12: {  	s14 =	sshra.s32 s15, $0x2  }
0x13: {  	[tilespmem:s14+$0xF78] =	vst v0  }
0x14: {  	[tilespmem:s14+$0xF88] =	vst v0  }
0x15: {  	[spmem:s4] =	stream.linear.scatter [tilespmem:s9], [sflag:$0x1], $0x2F00, $0x38;
	[tilespmem:$0x6D78] =	vst v63  }
0x16: {  	_ =	swait.ge [sflag:s10], $0x2F00  }
0x17: {  	[sflag:s10] =	ssyncset.done $0x0  }
0x18: {  	[sflag:s10] =	ssyncadd.s32 $0xFFFFD100  }
0x19: {  	s13 =	sadd.s32 $0x0, s8;
	[bflag:$0x0] =	sbarrier.arrive $0xFFFF  }
0x1a: {  	[tilespmem:s3], [sflag:$0x1] =	stream.linear.gather [hbm4b:s13+s3], $0x78, $0x38;
	[tilespmem:$0x6D78] =	vst v63  }
0x1b: {  	_ =	swait.ge [sflag:s10], $0x78  }
0x1c: {  	[sflag:s10] =	ssyncset.done $0x0  }
0x1d: {  	[sflag:s10] =	ssyncadd.s32 $0xFFFFFF88  }
0x1e: {  	[tilespmem:s11], [sflag:$0x1] =	stream.linear.gather [hbm4b:s7+s3], $0xF00, $0x38;
	[tilespmem:$0x6D78] =	vst v63  }
0x1f: {  	_ =	swait.ge [sflag:s10], $0xF00  }
0x20: {  	[sflag:s10] =	ssyncset.done $0x0  }
0x21: {  	[sflag:s10] =	ssyncadd.s32 $0xFFFFF100  }
0x22: {  	[spmem:s2] =	stream.indirect.scatter.add.f32 [tilespmem:s11], [sflag:$0x1], $0x20, s3, s11, $0xb8;
	[tilespmem:$0x6D78] =	vst v63  }
0x23: {  	s14 =	simm.s32 $0xF;
	_ =	swait.ge [sflag:s10], $0xF00  }
0x24: {  	s15 =	simm.s32 $0x1E;
	s13 =	sadd.s32 $0x1E0, s7;
	[sflag:s10] =	ssyncset.done $0x0  }
.LBB2_4:
0x25: {  	s16 =	sadd.s32 s14, s8  }
0x26: {  	[sflag:s10] =	ssyncadd.s32 $0xFFFFF100;
	s14 =	smov.u32 s15;
	s17 =	sadd.s32 $0xF, s15  }
0x27: {  	[tilespmem:s3], [sflag:$0x1] =	stream.linear.gather [hbm4b:s16+s3], $0x78, $0x38;
	[tilespmem:$0x6D78] =	vst v63  }
0x28: {  	p0 =	sne.s32 s15, $0x5CD;
	_ =	swait.ge [sflag:s10], $0x78  }
0x29: {  	[sflag:s10] =	ssyncset.done $0x0  }
0x2a: {  	[sflag:s10] =	ssyncadd.s32 $0xFFFFFF88  }
0x2b: {  	[tilespmem:s11], [sflag:$0x1] =	stream.linear.gather [hbm4b:s13+s3], $0xF00, $0x38;
	[tilespmem:$0x6D78] =	vst v63  }
0x2c: {  	_ =	swait.ge [sflag:s10], $0xF00  }
.Ltmp1:
0x2d: {  	[sflag:s10] =	ssyncset.done $0x0;
	(pc) =	sbr.rel @p0 .LBB2_4-.Ltmp1, $4  }
0x2e: {  	[sflag:s10] =	ssyncadd.s32 $0xFFFFF100  }
0x2f: {  	[spmem:s2] =	stream.indirect.scatter.add.f32 [tilespmem:s11], [sflag:$0x1], $0x20, s3, s11, $0xb8;
	[tilespmem:$0x6D78] =	vst v63  }
0x30: {  	_ =	swait.ge [sflag:s10], $0xF00  }
0x31: {  	s15 =	smov.u32 s17;
	s13 =	sadd.s32 $0x1E0, s13;
	[sflag:s10] =	ssyncset.done $0x0  }
0x32: {  	s14 =	sadd.s32 s14, s8;
	[sflag:s10] =	ssyncadd.s32 $0xFFFFF100  }
0x33: {  	[tilespmem:s3], [sflag:$0x1] =	stream.linear.gather [hbm4b:s14+s3], $0x78, $0x38;
	[tilespmem:$0x6D78] =	vst v63  }
0x34: {  	_ =	swait.ge [sflag:s10], $0x78  }
0x35: {  	[sflag:s10] =	ssyncset.done $0x0  }
0x36: {  	[sflag:s10] =	ssyncadd.s32 $0xFFFFFF88  }
0x37: {  	[tilespmem:s11], [sflag:$0x1] =	stream.linear.gather [hbm4b:s13+s3], $0xF00, $0x38;
	[tilespmem:$0x6D78] =	vst v63  }
0x38: {  	_ =	swait.ge [sflag:s10], $0xF00  }
0x39: {  	[sflag:s10] =	ssyncset.done $0x0  }
0x3a: {  	[sflag:s10] =	ssyncadd.s32 $0xFFFFF100  }
0x3b: {  	[spmem:s2] =	stream.indirect.scatter.add.f32 [tilespmem:s11], [sflag:$0x1], $0x20, s3, s11, $0xb8;
	[tilespmem:$0x6D78] =	vst v63  }
0x3c: {  	_ =	swait.ge [sflag:s10], $0xF00  }
0x3d: {  	[sflag:s10] =	ssyncset.done $0x0  }
0x3e: {  	[sflag:s10] =	ssyncadd.s32 $0xFFFFF100  }
0x3f: {  	[bflag:$0x0] =	sbarrier.arrive $0xFFFF  }
0x40: {  	[tilespmem:s9], [sflag:$0x1] =	stream.linear.gather [spmem:s4], $0x2F00, $0x38;
	[tilespmem:$0x6D78] =	vst v63  }
0x41: {  	s12 =	sadd.s32 $0x1, s12;
	_ =	swait.ge [sflag:s10], $0x2F00  }
0x42: {  	p0 =	sne.s32 s12, s6;
	[sflag:s10] =	ssyncset.done $0x0  }
.Ltmp2:
0x43: {  	[sflag:s10] =	ssyncadd.s32 $0xFFFFD100;
	(pc) =	sbr.rel @p0 .LBB2_1-.Ltmp2, $4  }
0x44: {  	[hbm4b:s5+s3] =	stream.linear.scatter [tilespmem:s9], [sflag:$0x1], $0x2F00, $0x38;
	[tilespmem:$0x6D78] =	vst v63  }
0x45: {  	_ =	swait.ge [sflag:s10], $0x2F00  }
0x46: {  	[sflag:s10] =	ssyncset.done $0x0  }
0x47: {  	[sflag:s10] =	ssyncadd.s32 $0xFFFFD100  }
0x48: {  	_ =	sfence.sel $0x180000  }
0x49: {  	[bflag:$0x0] =	sbarrier.arrive $0xFFFF  }
0x4a: {  	p0 =	sne.s32 s0, $0x0;
	_ =	strace $0x9000004A  }
0x4b: {  	s0 =	sadd.s32 @!p0 $0x100000, s1;
	[bflag:$0x2] =	sbarrier.arrive $0xFFFF  }
0x4c: {  	[sflag:s0] =	ssyncadd.tile.s32 @!p0 $0x1;
	_ =	shalt  }
.Lfunc_end2:
_tile_overlayer_lowered:
.L_overlay_start_2:
0x4d: {  	(tag) =	ssettag $0x2  }
0x4e: {  	s0 =	rddreg [dreg:$0x0];
	s2 =	stileid.u32  }
0x4f: {  	s1 =	rddreg [dreg:$0x1];
	p0 =	sne.s32 s2, $0x0  }
0x50: {  	s3 =	rddreg [dreg:$0x2];
	[bflag:$0x3] =	sbarrier.arrive $0xFFFF;
	s2 =	simm.s32 @!p0 $0x1C01  }
0x51: {  	[timem:s3], [sflag:s2] =	dma.local @!p0 [hbm:s0], s1  }
0x52: {  	s0 =	simm.s32 @!p0 $0x1  }
0x53: {  	_ =	swait.ge @!p0 [sflag:s0], s1  }
0x54: {  	s1 =	ssub.s32 @!p0 $0x0, s1;
	[sflag:s0] =	ssyncset.done @!p0 $0x0  }
0x55: {  	[sflag:s0] =	ssyncadd.s32 @!p0 s1  }
0x56: {  	[bflag:$0x3] =	sbarrier.arrive $0xFFFF  }
0x57: {  	_ =	shalt  }

// kernel: kernel.8.cloned.1.call-start
scs
__scs_entry_jumppad:
0x0: {  	(pc) =	sbr.rel $0x88, $3  }
0x1: {  	(tag) =	ssettag $0x0;
	lr =	simm.s32 $0x1  }
0x2: {  	[smem:$0x3F8A] =	sst lr;
	_ =	strace $0xD0000000  }
0x3: {  	_ = 	snop  }
0x4: {  	_ = 	snop  }
0x5: {  	_ = 	snop  }
0x6: {  	_ = 	snop  }
0x7: {  	_ = 	snop  }
__scs_overlays_trampoline_lowered:
0x8: {  	[smem:$0x3F99] =	sst s0  }
0x9: {  	[smem:$0x3F9A] =	sst s1  }
0xa: {  	[smem:$0x3F9B] =	sst s2  }
0xb: {  	[smem:$0x3F9C] =	sst s3  }
0xc: {  	[smem:$0x3F9D] =	sst s4  }
0xd: {  	[smem:$0x3F9E] =	sst s5  }
0xe: {  	[smem:$0x3F9F] =	sst s6  }
0xf: {  	[smem:$0x3FA0] =	sst s7  }
0x10: {  	[smem:$0x3FA1] =	sst s8  }
0x11: {  	[smem:$0x3FA2] =	sst s9;
	s0 =	simm.s32 @!p0 $0x0  }
0x12: {  	s1 =	sld [smem:$0x3F88];
	s0 =	simm.s32 @p0 $0x1  }
0x13: {  	[smem:$0x3FA3] =	sst s0;
	s0 =	simm.s32 @!p1 $0x0  }
0x14: {  	s2 =	sld [smem:$0x3F87];
	s0 =	simm.s32 @p1 $0x1  }
0x15: {  	[smem:$0x3FA4] =	sst s0;
	s0 =	simm.s32 @!p2 $0x0  }
0x16: {  	s3 =	sld [smem:$0x3FDB];
	s0 =	simm.s32 @p2 $0x1  }
0x17: {  	s4 =	simm.s32 $0x1BF5;
	[smem:$0x3FA6] =	sst s0  }
0x18: {  	s0 =	sld [smem:$0x3F89];
	_ =	swait.ge [sflag:s4], $0x0  }
0x19: {  	s7 =	sld [smem:$0x3F8A]  }
0x1a: {  	s8 =	sadd.s32 $0xFFFFE003, lr  }
0x1b: {  	s9 =	sadd.s32 $0xFFFFFEF7, lr;
	s5 =	simm.s32 $0xFFFFFFFF;
	p2 =	slt.u32 s8, $0xFFFFF086  }
0x1c: {  	p1 =	slt.u32 s9, $0xF7A;
	s5 =	simm.s32 @!p2 $0x0  }
0x1d: {  	s5 =	simm.s32 @p1 $0x1;
	p0 =	seq.s32 s7, s2  }
0x1e: {  	s7 =	smul.u32 @!p0 $0xF7A, s2;
	p2 =	seq.s32 @!p0 s5, $0x0  }
0x1f: {  	s9 =	smul.u32 $0xF7A, s1;
	s8 =	simm.s32 @!p0 $0x1BF5;
	p2 =	por !p2, p0  }
0x20: {  	[sflag:s8] =	ssyncset.s32 @!p0 $0xFFFFF086;
	s6 =	sadd.s32 @!p0 s3, s7;
	s7 =	simm.s32 @!p0 $0x108  }
0x21: {  	s3 =	sadd.s32 s3, s9;
	s6 =	sadd.s32 @!p0 $0x88, s6;
	s7 =	simm.s32 @p2 $0x1082  }
0x22: {  	[simem:s7], [sflag:s8] =	dma.local @!p0 [hbm:s6], $0xF7A  }
0x23: {  	s9 =	sor.u32 $0xD0000000, s2;
	s6 =	simm.s32 $0x108;
	_ =	swait.ge @!p0 [sflag:s8], $0x0  }
0x24: {  	s3 =	sadd.s32 $0x88, s3;
	s6 =	simm.s32 @!p1 $0x1082;
	[sflag:s4] =	ssyncset.s32 $0xFFFFF086  }
0x25: {  	[simem:s6], [sflag:s4] =	dma.local [hbm:s3], $0xF7A  }
0x26: {  	[smem:$0x3F8A] =	sst s1;
	(tag) =	ssettag s2;
	_ =	strace s9  }
0x27: {  	s1 =	sld [smem:$0x3F9A]  }
0x28: {  	s2 =	sld [smem:$0x3F9B]  }
0x29: {  	s4 =	sld [smem:$0x3F9D]  }
0x2a: {  	p0 =	seq.s32 s5, $0x0;
	s5 =	sld [smem:$0x3F9E]  }
0x2b: {  	s6 =	sld [smem:$0x3F9F]  }
0x2c: {  	s7 =	sld [smem:$0x3FA0]  }
0x2d: {  	s3 =	simm.s32 $0x108;
	s8 =	sld [smem:$0x3FA1]  }
0x2e: {  	s3 =	simm.s32 @!p0 $0x1082;
	s9 =	sld [smem:$0x3FA2]  }
0x2f: {  	lr =	sadd.s32 s0, s3;
	s0 =	sld [smem:$0x3F99]  }
0x30: {  	s3 =	sld [smem:$0x3F9C]  }
0x31: {  	[smem:$0x3FA5] =	sst s10  }
0x32: {  	s10 =	sld [smem:$0x3FA3];
	_ =	sdelay $0x3  }
0x33: {  	p0 =	seq.s32 s10, $0x1;
	s10 =	sld [smem:$0x3FA5];
	_ =	sdelay $0x3  }
0x34: {  	[smem:$0x3FA5] =	sst s10  }
0x35: {  	s10 =	sld [smem:$0x3FA4];
	_ =	sdelay $0x3  }
0x36: {  	p1 =	seq.s32 s10, $0x1;
	s10 =	sld [smem:$0x3FA5];
	_ =	sdelay $0x3  }
0x37: {  	[smem:$0x3FA5] =	sst s10  }
0x38: {  	s10 =	sld [smem:$0x3FA6]  }
0x39: {  	_ = 	snop;
	(pc) =	sbr.ind lr, $3  }
0x3a: {  	_ = 	snop  }
0x3b: {  	_ = 	snop  }
0x3c: {  	p2 =	seq.s32 s10, $0x1;
	s10 =	sld [smem:$0x3FA5]  }
0x3d: {  	_ =	shalt  }
0x3e: {  	_ =	shalt  }
0x3f: {  	_ =	shalt  }
0x40: {  	_ =	shalt  }
0x41: {  	_ =	shalt  }
0x42: {  	_ =	shalt  }
0x43: {  	_ =	shalt  }
0x44: {  	_ =	shalt  }
0x45: {  	_ =	shalt  }
0x46: {  	_ =	shalt  }
0x47: {  	_ =	shalt  }
0x48: {  	_ =	shalt  }
0x49: {  	_ =	shalt  }
0x4a: {  	_ =	shalt  }
0x4b: {  	_ =	shalt  }
0x4c: {  	_ =	shalt  }
0x4d: {  	_ =	shalt  }
0x4e: {  	_ =	shalt  }
0x4f: {  	_ =	shalt  }
0x50: {  	_ =	shalt  }
0x51: {  	_ =	shalt  }
0x52: {  	_ =	shalt  }
0x53: {  	_ =	shalt  }
0x54: {  	_ =	shalt  }
0x55: {  	_ =	shalt  }
0x56: {  	_ =	shalt  }
0x57: {  	_ =	shalt  }
0x58: {  	_ =	shalt  }
0x59: {  	_ =	shalt  }
0x5a: {  	_ =	shalt  }
0x5b: {  	_ =	shalt  }
0x5c: {  	_ =	shalt  }
0x5d: {  	_ =	shalt  }
0x5e: {  	_ =	shalt  }
0x5f: {  	_ =	shalt  }
0x60: {  	_ =	shalt  }
0x61: {  	_ =	shalt  }
0x62: {  	_ =	shalt  }
0x63: {  	_ =	shalt  }
0x64: {  	_ =	shalt  }
0x65: {  	_ =	shalt  }
0x66: {  	_ =	shalt  }
0x67: {  	_ =	shalt  }
0x68: {  	_ =	shalt  }
0x69: {  	_ =	shalt  }
0x6a: {  	_ =	shalt  }
0x6b: {  	_ =	shalt  }
0x6c: {  	_ =	shalt  }
0x6d: {  	_ =	shalt  }
0x6e: {  	_ =	shalt  }
0x6f: {  	_ =	shalt  }
0x70: {  	_ =	shalt  }
0x71: {  	_ =	shalt  }
0x72: {  	_ =	shalt  }
0x73: {  	_ =	shalt  }
0x74: {  	_ =	shalt  }
0x75: {  	_ =	shalt  }
0x76: {  	_ =	shalt  }
0x77: {  	_ =	shalt  }
0x78: {  	_ =	shalt  }
0x79: {  	_ =	shalt  }
0x7a: {  	_ =	shalt  }
0x7b: {  	_ =	shalt  }
0x7c: {  	_ =	shalt  }
0x7d: {  	_ =	shalt  }
0x7e: {  	_ =	shalt  }
0x7f: {  	_ =	shalt  }
0x80: {  	_ =	shalt  }
0x81: {  	_ =	shalt  }
0x82: {  	_ =	shalt  }
0x83: {  	_ =	shalt  }
0x84: {  	_ =	shalt  }
0x85: {  	_ =	shalt  }
0x86: {  	_ =	shalt  }
0x87: {  	_ =	shalt  }
.Lfunc_end0:
.L_simem_size_0:
called_computation_lowered:
.L_overlay_start_0:
0x88: {  	s2 =	sld [smem:$0x3FD9]  }
0x89: {  	s3 =	sld [smem:$0x3FFE];
	_ =	sdelay $0x1  }
0x8a: {  	s1 =	srdreg.scid  }
0x8b: {  	s0 =	sand.u32 $0x1, s1  }
0x8c: {  	s14 =	sshll.u32 s0, $0xA;
	s2 =	sadd.s32 s3, s2  }
0x8d: {  	s2 =	sadd.s32 s2, s14  }
0x8e: {  	[smem:$0x3FB1] =	sst s2  }
0x8f: {  	_ = 	snop  }
0x90: {  	s2 =	sld [smem:$0x3FD0];
	_ =	sdelay $0x2  }
0x91: {  	s15 =	simm.s32 $0xA;
	s4 =	simm.s32 $0x10  }
0x92: {  	[smem:s4], [sflag:s15] =	dma.local [hbm:s2], $0x1  }
0x93: {  	_ =	swait.eq [sflag:s15], $0x1  }
0x94: {  	s16 =	sld [smem:$0x11];
	[sflag:s15] =	ssyncset.done $0x0  }
0x95: {  	s17 =	sld [smem:$0x13];
	[sflag:s15] =	ssyncadd.s32 $0xFFFFFFFF  }
0x96: {  	s18 =	sld [smem:$0x14];
	(tm) =	ssettm $0x1  }
0x97: {  	s5 =	sld [smem:$0x3FFB];
	_ =	sdelay $0x3  }
0x98: {  	_ =	strace s5  }
0x99: {  	s5 =	sld [smem:$0x3FFC];
	_ =	sdelay $0x3  }
0x9a: {  	_ =	strace s5  }
0x9b: {  	s5 =	sld [smem:$0x3FFD];
	_ =	sdelay $0x3  }
0x9c: {  	_ =	strace s5  }
0x9d: {  	_ =	strace $0x8FFFFFFF  }
0x9e: {  	s19 =	sld [smem:$0x3FDB];
	_ =	sdelay $0x1  }
0x9f: {  	s6 =	simm.s32 $_scs_section_size  }
0xa0: {  	s7 =	simm.s32 $_size__tile_overlayer_lowered;
	s8 =	simm.s32 $_tile_overlayer_lowered  }
0xa1: {  	s22 =	simm.s32 $0x1BFF;
	s21 =	sshll.u32 s8, $0x1;
	s5 =	sadd.s32 s6, s19  }
0xa2: {  	s9 =	simm.s32 $0x0;
	s20 =	sshll.u32 s7, $0x1;
	s7 =	sadd.s32 s21, s5  }
0xa3: {  	[timem:s9], [sflag:s22] =	dma.local [hbm:s7], s20  }
0xa4: {  	_ =	swait.ge [sflag:s22], s20  }
0xa5: {  	s6 =	ssub.s32 $0x0, s20;
	[sflag:s22] =	ssyncset.done $0x0  }
0xa6: {  	[sflag:s22] =	ssyncadd.s32 s6;
	_ =	sdelay $0x1  }
0xa7: {  	s23 =	simm.s32 $0x1B8B  }
0xa8: {  	_ =	swait.ge [sflag:s23], $0x1  }
0xa9: {  	[sflag:s23] =	ssyncset.done $0x0  }
0xaa: {  	s25 =	simm.s32 $0x1B8E;
	s24 =	sld [smem:$0x3FFE];
	[sflag:s23] =	ssyncadd.s32 $0xFFFFFFFF  }
0xab: {  	s26 =	simm.s32 $execute0_lowered;
	[smem:$0x3FD2] =	sst s25  }
0xac: {  	s7 =	sshll.u32 s26, $0x1;
	_ =	strace $0x80000046;
	[dreg:$0x1] =	wrdreg $0xFFFFFFFF  }
0xad: {  	s28 =	simm.s32 $_size_execute0_lowered;
	s5 =	sadd.s32 s5, s7;
	[dreg:$0x0] =	wrdreg $0x0  }
0xae: {  	s7 =	sshll.u32 s28, $0x1;
	[dreg:$0x2] =	wrdreg s5  }
0xaf: {  	[dreg:$0x3] =	wrdreg s7  }
0xb0: {  	[dreg:$0x4] =	wrdreg $0xC0  }
0xb1: {  	_ =	task [dreg:s9], $0x5FFFF  }
0xb2: {  	[dreg:$0x1] =	wrdreg $0xFFFFFFFF  }
0xb3: {  	[dreg:$0x0] =	wrdreg $0x60  }
0xb4: {  	[dreg:$0x2] =	wrdreg s18  }
0xb5: {  	[dreg:$0x3] =	wrdreg s17  }
0xb6: {  	[dreg:$0x4] =	wrdreg s16  }
0xb7: {  	[dreg:$0x5] =	wrdreg s24  }
0xb8: {  	[dreg:$0x6] =	wrdreg $0x9  }
0xb9: {  	_ =	task.clear_ibuf [dreg:s9], $0x7FFFF;
	_ =	strace $0x90000046  }
0xba: {  	s29 =	simm.s32 $0x9;
	_ =	strace $0x80000048  }
0xbb: {  	_ =	swait.ge [sflag:s29], $0x1  }
0xbc: {  	[sflag:s29] =	ssyncadd.s32 $0xFFFFFFFF  }
0xbd: {  	_ =	strace $0x90000048  }
0xbe: {  	_ =	sfence  }
0xbf: {  	s30 =	sld [smem:$0x0];
	_ =	sdelay $0x2  }
0xc0: {  	s31 =	sshll.u32 s1, $0xD;
	s1 =	sshrl.u32 s1, $0x2  }
0xc1: {  	s3 =	sand.u32 $0x4000, s31;
	s1 =	sadd.s32 s1, s30  }
0xc2: {  	s0 =	sor.u32 s3, s0;
	s1 =	sshll.u32 s1, $0x11  }
0xc3: {  	s0 =	sor.u32 s1, s0  }
0xc4: {  	s0 =	sadd.s32 $0x8F2B, s0  }
0xc5: {  	[sflag:s0] =	ssyncadd.remote.s32 $0x1  }
0xc6: {  	_ =	sfence.sel $0xFFFF  }
0xc7: {  	[dreg:$0x0] =	wrdreg $0xFFFFFFFF;
	(pc) =	sbr.abs _section_cstart, $3  }
0xc8: {  	[dreg:$0x1] =	wrdreg $0xFFFFFFFF  }
0xc9: {  	_ =	task.clear_ibuf [dreg:s9], $0x2FFFF;
	_ =	strace $0x9FFFFFFF  }
0xca: {  	(tm) =	ssettm $0x7FFFFFFF  }
0xcb: {  	_ =	shalt  }
tec
execute0_lowered:
.L_overlay_start_1:
0x0: {  	(tag) =	ssettag $0x1  }
0x1: {  	s1 =	rddreg [dreg:$0x0]  }
0x2: {  	s2 =	rddreg [dreg:$0x1]  }
0x3: {  	s0 =	srdreg.scid;
	s3 =	rddreg [dreg:$0x2]  }
0x4: {  	s4 =	stileid.u32;
	s6 =	rddreg [dreg:$0x3]  }
0x5: {  	s12 =	simm.s32 $0x5;
	s0 =	sand.u32 $0x1, s0;
	s4 =	sshll.u32 s4, $0x1  }
0x6: {  	s22 =	simm.s32 $0x4;
	s5 =	sor.u32 s0, s4;
	s0 =	ssub.s32 $0x2, s0  }
0x7: {  	s6 =	sadd.s32 $0x4A00, s6;
	s5 =	smul.u32 $0x2EE0, s5;
	s8 =	sshrl.u32 s0, $0x1  }
0x8: {  	s9 =	sadd.s32 $0x100, s1;
	s4 =	simm.s32 $0x0;
	s0 =	ssub.s32 s0, s8  }
0x9: {  	[smem:$0x7FF] =	sst s4;
	s7 =	sshrl.u32 s5, $0x3;
	s0 =	smax.u32 s0, $0x1  }
0xa: {  	v2 =	vlaneseq.u32;
	_ =	strace $0x80000047;
	s3 =	sadd.s32 s3, s7;
	[dreg:$0x7] =	wrdreg s0  }
0xb: {  	vm0 =	vmmov $0xffff;
	vm1 =	vmmov $0xff;
	s10 =	sadd.s32 $0x100, s2;
	v1 =	vshrl.u32 v2, $0x3;
	[dreg:$0x5] =	wrdreg s3;
	s3 =	sadd.s32 $0xBB80, s3  }
0xc: {  	v0 =	vand.u32 $0x7, v2;
	v2 =	vor.u32 $0x8, v2;
	v1 =	vmul.u32 $0x8, v1;
	s7 =	simm.s32 $0xEE00;
	[dreg:$0x6] =	wrdreg s3;
	s3 =	simm.s32 $0x0  }
.LBB2_1:
0xd: {  	[dreg:$0x8] =	wrdreg s3  }
0xe: {  	s0 =	rddreg [dreg:$0x5]  }
0xf: {  	[tilespmem:s4], [sflag:$0x5] =	stream.linear.gather [hbm4b:s0+s4], $0x2EE0, $0x38;
	[tilespmem:$0x17E00] =	vst v63  }
0x10: {  	_ =	swait.ge [sflag:s12], $0x2EE0  }
0x11: {  	[sflag:s12] =	ssyncset.done $0x0  }
0x12: {  	s26 =	simm.s32 $0x2F00;
	s25 =	rddreg [dreg:$0x6];
	[sflag:s12] =	ssyncadd.s32 $0xFFFFD120  }
0x13: {  	[tilespmem:s26], [sflag:$0x5] =	stream.linear.gather [hbm4b:s25+s4], $0x2EE0, $0x38;
	[tilespmem:$0x17E00] =	vst v63  }
0x14: {  	_ =	swait.ge [sflag:s12], $0x2EE0  }
0x15: {  	[sflag:s12] =	ssyncset.done $0x0  }
0x16: {  	[sflag:s12] =	ssyncadd.s32 $0xFFFFD120  }
0x17: {  	v3 =	vld [tilespmem:$0x0];
	_ =	sdelay $0x4  }
0x18: {  	v4 =	vshrl.u32 v3, $0x3  }
0x19: {  	v4 =	vmul.u32 $0x18, v4  }
0x1a: {  	v3 =	vand.u32 $0x7, v3  }
0x1b: {  	v3 =	vor.u32 v3, v4  }
0x1c: {  	v4 =	vperm.xlane v3, v0;
	_ =	sdelay $0x1  }
0x1d: {  	v4 =	vadd.s32 v1, v4;
	_ =	sdelay $0x1  }
0x1e: {  	v3 =	vperm.xlane v3, v2;
	_ =	sdelay $0x1  }
0x1f: {  	s28 =	simm.s32 $0x5E00;
	v3 =	vadd.s32 v1, v3  }
0x20: {  	[tilespmem:s28], [sflag:$0x1] =	stream.indirect_vreg.gather [hbm4b:s1+s4], $0x80, v4, vm0, $0xb8;
	[tilespmem:$0x17E00] =	vst v63  }
0x21: {  	s29 =	simm.s32 $0x6600  }
0x22: {  	[tilespmem:s29], [sflag:$0x1] =	stream.indirect_vreg.gather [hbm4b:s9+s4], $0x80, v4, vm1, $0xb8;
	[tilespmem:$0x17E00] =	vst v63  }
0x23: {  	s30 =	simm.s32 $0x6A00  }
0x24: {  	[tilespmem:s30], [sflag:$0x1] =	stream.indirect_vreg.gather [hbm4b:s1+s4], $0x80, v3, vm0, $0xb8;
	[tilespmem:$0x17E00] =	vst v63  }
0x25: {  	s31 =	simm.s32 $0x7200  }
0x26: {  	[tilespmem:s31], [sflag:$0x1] =	stream.indirect_vreg.gather [hbm4b:s9+s4], $0x80, v3, vm1, $0xb8;
	[tilespmem:$0x17E00] =	vst v63  }
0x27: {  	v3 =	vld [tilespmem:$0x10];
	_ =	sdelay $0x4  }
0x28: {  	v59 =	vshrl.u32 v3, $0x3  }
0x29: {  	v4 =	vmul.u32 $0x18, v59  }
0x2a: {  	v3 =	vand.u32 $0x7, v3  }
0x2b: {  	v3 =	vor.u32 v3, v4  }
0x2c: {  	v4 =	vperm.xlane v3, v0;
	_ =	sdelay $0x1  }
0x2d: {  	v4 =	vadd.s32 v1, v4;
	_ =	sdelay $0x1  }
0x2e: {  	v3 =	vperm.xlane v3, v2;
	_ =	sdelay $0x1  }
0x2f: {  	s3 =	simm.s32 $0x7600;
	v3 =	vadd.s32 v1, v3  }
0x30: {  	[tilespmem:s3], [sflag:$0x1] =	stream.indirect_vreg.gather [hbm4b:s1+s4], $0x80, v4, vm0, $0xb8;
	[tilespmem:$0x17E00] =	vst v63  }
0x31: {  	s8 =	simm.s32 $0x7E00  }
0x32: {  	[tilespmem:s8], [sflag:$0x1] =	stream.indirect_vreg.gather [hbm4b:s9+s4], $0x80, v4, vm1, $0xb8;
	[tilespmem:$0x17E00] =	vst v63  }
0x33: {  	s11 =	simm.s32 $0x8200  }
0x34: {  	[tilespmem:s11], [sflag:$0x1] =	stream.indirect_vreg.gather [hbm4b:s1+s4], $0x80, v3, vm0, $0xb8;
	[tilespmem:$0x17E00] =	vst v63  }
0x35: {  	s13 =	simm.s32 $0x8A00  }
0x36: {  	[tilespmem:s13], [sflag:$0x1] =	stream.indirect_vreg.gather [hbm4b:s9+s4], $0x80, v3, vm1, $0xb8;
	[tilespmem:$0x17E00] =	vst v63  }
0x37: {  	v3 =	vld [tilespmem:$0x20];
	_ =	sdelay $0x4  }
0x38: {  	v60 =	vshrl.u32 v3, $0x3  }
0x39: {  	v4 =	vmul.u32 $0x18, v60  }
0x3a: {  	v3 =	vand.u32 $0x7, v3  }
0x3b: {  	v3 =	vor.u32 v3, v4  }
0x3c: {  	v4 =	vperm.xlane v3, v0;
	_ =	sdelay $0x1  }
0x3d: {  	v4 =	vadd.s32 v1, v4;
	_ =	sdelay $0x1  }
0x3e: {  	v3 =	vperm.xlane v3, v2;
	_ =	sdelay $0x1  }
0x3f: {  	s14 =	simm.s32 $0x8E00;
	v3 =	vadd.s32 v1, v3  }
0x40: {  	[tilespmem:s14], [sflag:$0x1] =	stream.indirect_vreg.gather [hbm4b:s1+s4], $0x80, v4, vm0, $0xb8;
	[tilespmem:$0x17E00] =	vst v63  }
0x41: {  	s15 =	simm.s32 $0x9600  }
0x42: {  	[tilespmem:s15], [sflag:$0x1] =	stream.indirect_vreg.gather [hbm4b:s9+s4], $0x80, v4, vm1, $0xb8;
	[tilespmem:$0x17E00] =	vst v63  }
0x43: {  	s16 =	simm.s32 $0x9A00  }
0x44: {  	[tilespmem:s16], [sflag:$0x1] =	stream.indirect_vreg.gather [hbm4b:s1+s4], $0x80, v3, vm0, $0xb8;
	[tilespmem:$0x17E00] =	vst v63  }
0x45: {  	s17 =	simm.s32 $0xA200  }
0x46: {  	[tilespmem:s17], [sflag:$0x1] =	stream.indirect_vreg.gather [hbm4b:s9+s4], $0x80, v3, vm1, $0xb8;
	[tilespmem:$0x17E00] =	vst v63  }
0x47: {  	v3 =	vld [tilespmem:$0x2F00];
	_ =	sdelay $0x4  }
0x48: {  	v61 =	vshrl.u32 v3, $0x3  }
0x49: {  	v4 =	vmul.u32 $0x18, v61  }
0x4a: {  	v3 =	vand.u32 $0x7, v3  }
0x4b: {  	v3 =	vor.u32 v3, v4  }
0x4c: {  	v4 =	vperm.xlane v3, v0;
	_ =	sdelay $0x1  }
0x4d: {  	v4 =	vadd.s32 v1, v4;
	_ =	sdelay $0x1  }
0x4e: {  	v3 =	vperm.xlane v3, v2;
	_ =	sdelay $0x1  }
0x4f: {  	s18 =	simm.s32 $0xA600;
	v3 =	vadd.s32 v1, v3  }
0x50: {  	[tilespmem:s18], [sflag:$0x2] =	stream.indirect_vreg.gather [hbm4b:s2+s4], $0x80, v4, vm0, $0xb8;
	[tilespmem:$0x17E00] =	vst v63  }
0x51: {  	s19 =	simm.s32 $0xAE00  }
0x52: {  	[tilespmem:s19], [sflag:$0x2] =	stream.indirect_vreg.gather [hbm4b:s10+s4], $0x80, v4, vm1, $0xb8;
	[tilespmem:$0x17E00] =	vst v63  }
0x53: {  	s20 =	simm.s32 $0xB200  }
0x54: {  	[tilespmem:s20], [sflag:$0x2] =	stream.indirect_vreg.gather [hbm4b:s2+s4], $0x80, v3, vm0, $0xb8;
	[tilespmem:$0x17E00] =	vst v63  }
0x55: {  	s21 =	simm.s32 $0xBA00  }
0x56: {  	[tilespmem:s21], [sflag:$0x2] =	stream.indirect_vreg.gather [hbm4b:s10+s4], $0x80, v3, vm1, $0xb8;
	[tilespmem:$0x17E00] =	vst v63  }
0x57: {  	v3 =	vld [tilespmem:$0x2F10];
	_ =	sdelay $0x4  }
0x58: {  	v62 =	vshrl.u32 v3, $0x3  }
0x59: {  	v4 =	vmul.u32 $0x18, v62  }
0x5a: {  	v3 =	vand.u32 $0x7, v3  }
0x5b: {  	v3 =	vor.u32 v3, v4  }
0x5c: {  	v4 =	vperm.xlane v3, v0;
	_ =	sdelay $0x1  }
0x5d: {  	v4 =	vadd.s32 v1, v4;
	_ =	sdelay $0x1  }
0x5e: {  	v3 =	vperm.xlane v3, v2;
	_ =	sdelay $0x1  }
0x5f: {  	s23 =	simm.s32 $0xBE00;
	v3 =	vadd.s32 v1, v3  }
0x60: {  	[tilespmem:s23], [sflag:$0x2] =	stream.indirect_vreg.gather [hbm4b:s2+s4], $0x80, v4, vm0, $0xb8;
	[tilespmem:$0x17E00] =	vst v63  }
0x61: {  	s24 =	simm.s32 $0xC600  }
0x62: {  	[tilespmem:s24], [sflag:$0x2] =	stream.indirect_vreg.gather [hbm4b:s10+s4], $0x80, v4, vm1, $0xb8;
	[tilespmem:$0x17E00] =	vst v63  }
0x63: {  	s25 =	simm.s32 $0xCA00  }
0x64: {  	[tilespmem:s25], [sflag:$0x2] =	stream.indirect_vreg.gather [hbm4b:s2+s4], $0x80, v3, vm0, $0xb8;
	[tilespmem:$0x17E00] =	vst v63  }
0x65: {  	s26 =	simm.s32 $0xD200  }
0x66: {  	[tilespmem:s26], [sflag:$0x2] =	stream.indirect_vreg.gather [hbm4b:s10+s4], $0x80, v3, vm1, $0xb8;
	[tilespmem:$0x17E00] =	vst v63  }
0x67: {  	v3 =	vld [tilespmem:$0x2F20];
	_ =	sdelay $0x4  }
0x68: {  	v63 =	vshrl.u32 v3, $0x3  }
0x69: {  	v4 =	vmul.u32 $0x18, v63  }
0x6a: {  	v3 =	vand.u32 $0x7, v3  }
0x6b: {  	v3 =	vor.u32 v3, v4  }
0x6c: {  	v4 =	vperm.xlane v3, v0;
	_ =	sdelay $0x1  }
0x6d: {  	v4 =	vadd.s32 v1, v4;
	_ =	sdelay $0x1  }
0x6e: {  	v3 =	vperm.xlane v3, v2;
	_ =	sdelay $0x1  }
0x6f: {  	s28 =	simm.s32 $0xD600;
	v3 =	vadd.s32 v1, v3  }
0x70: {  	[tilespmem:s28], [sflag:$0x2] =	stream.indirect_vreg.gather [hbm4b:s2+s4], $0x80, v4, vm0, $0xb8;
	[tilespmem:$0x17E00] =	vst v63  }
0x71: {  	s29 =	simm.s32 $0xDE00  }
0x72: {  	[tilespmem:s29], [sflag:$0x2] =	stream.indirect_vreg.gather [hbm4b:s10+s4], $0x80, v4, vm1, $0xb8;
	[tilespmem:$0x17E00] =	vst v63  }
0x73: {  	s30 =	simm.s32 $0xE200  }
0x74: {  	[tilespmem:s30], [sflag:$0x2] =	stream.indirect_vreg.gather [hbm4b:s2+s4], $0x80, v3, vm0, $0xb8;
	[tilespmem:$0x17E00] =	vst v63  }
0x75: {  	s31 =	simm.s32 $0xEA00;
	s23 =	simm.s32 $0x0  }
0x76: {  	[tilespmem:s31], [sflag:$0x2] =	stream.indirect_vreg.gather [hbm4b:s10+s4], $0x80, v3, vm1, $0xb8;
	[tilespmem:$0x17E00] =	vst v63  }
.LBB2_2:
0x77: {  	s25 =	smul.u32 $0x60, s23;
	_ =	sdelay $0x1  }
0x78: {  	v3 =	vld [tilespmem:s25+$0x30];
	_ =	sdelay $0x4  }
0x79: {  	v4 =	vshrl.u32 v3, $0x3  }
0x7a: {  	v4 =	vmul.u32 $0x18, v4  }
0x7b: {  	v3 =	vand.u32 $0x7, v3  }
0x7c: {  	v3 =	vor.u32 v3, v4  }
0x7d: {  	v4 =	vperm.xlane v3, v0;
	_ =	sdelay $0x1  }
0x7e: {  	v4 =	vadd.s32 v1, v4;
	_ =	sdelay $0x1  }
0x7f: {  	v3 =	vperm.xlane v3, v2;
	_ =	sdelay $0x1  }
0x80: {  	s0 =	simm.s32 $0x0;
	v3 =	vadd.s32 v1, v3  }
0x81: {  	[tilespmem:s7], [sflag:$0x3] =	stream.indirect_vreg.gather [hbm4b:s1+s0], $0x80, v4, vm0, $0xb8;
	[tilespmem:$0x17E00] =	vst v63  }
0x82: {  	s3 =	simm.s32 $0xF600  }
0x83: {  	[tilespmem:s3], [sflag:$0x3] =	stream.indirect_vreg.gather [hbm4b:s9+s0], $0x80, v4, vm1, $0xb8;
	[tilespmem:$0x17E00] =	vst v63  }
0x84: {  	s24 =	simm.s32 $0xFA00  }
0x85: {  	[tilespmem:s24], [sflag:$0x3] =	stream.indirect_vreg.gather [hbm4b:s1+s0], $0x80, v3, vm0, $0xb8;
	[tilespmem:$0x17E00] =	vst v63  }
0x86: {  	s26 =	simm.s32 $0x10200  }
0x87: {  	[tilespmem:s26], [sflag:$0x3] =	stream.indirect_vreg.gather [hbm4b:s9+s0], $0x80, v3, vm1, $0xb8;
	[tilespmem:$0x17E00] =	vst v63  }
0x88: {  	v3 =	vld [tilespmem:s25+$0x40];
	_ =	sdelay $0x4  }
0x89: {  	v4 =	vshrl.u32 v3, $0x3  }
0x8a: {  	v4 =	vmul.u32 $0x18, v4  }
0x8b: {  	v3 =	vand.u32 $0x7, v3  }
0x8c: {  	v3 =	vor.u32 v3, v4  }
0x8d: {  	v4 =	vperm.xlane v3, v0;
	_ =	sdelay $0x1  }
0x8e: {  	v4 =	vadd.s32 v1, v4;
	_ =	sdelay $0x1  }
0x8f: {  	v3 =	vperm.xlane v3, v2;
	_ =	sdelay $0x1  }
0x90: {  	s7 =	simm.s32 $0x10600;
	v3 =	vadd.s32 v1, v3  }
0x91: {  	[tilespmem:s7], [sflag:$0x3] =	stream.indirect_vreg.gather [hbm4b:s1+s0], $0x80, v4, vm0, $0xb8;
	[tilespmem:$0x17E00] =	vst v63  }
0x92: {  	s8 =	simm.s32 $0x10E00  }
0x93: {  	[tilespmem:s8], [sflag:$0x3] =	stream.indirect_vreg.gather [hbm4b:s9+s0], $0x80, v4, vm1, $0xb8;
	[tilespmem:$0x17E00] =	vst v63  }
0x94: {  	s11 =	simm.s32 $0x11200  }
0x95: {  	[tilespmem:s11], [sflag:$0x3] =	stream.indirect_vreg.gather [hbm4b:s1+s0], $0x80, v3, vm0, $0xb8;
	[tilespmem:$0x17E00] =	vst v63  }
0x96: {  	s13 =	simm.s32 $0x11A00  }
0x97: {  	[tilespmem:s13], [sflag:$0x3] =	stream.indirect_vreg.gather [hbm4b:s9+s0], $0x80, v3, vm1, $0xb8;
	[tilespmem:$0x17E00] =	vst v63  }
0x98: {  	v3 =	vld [tilespmem:s25+$0x50];
	_ =	sdelay $0x4  }
0x99: {  	v4 =	vshrl.u32 v3, $0x3  }
0x9a: {  	v4 =	vmul.u32 $0x18, v4  }
0x9b: {  	v3 =	vand.u32 $0x7, v3  }
0x9c: {  	v3 =	vor.u32 v3, v4  }
0x9d: {  	v4 =	vperm.xlane v3, v0;
	_ =	sdelay $0x1  }
0x9e: {  	v4 =	vadd.s32 v1, v4;
	_ =	sdelay $0x1  }
0x9f: {  	v3 =	vperm.xlane v3, v2;
	_ =	sdelay $0x1  }
0xa0: {  	s14 =	simm.s32 $0x11E00;
	v3 =	vadd.s32 v1, v3  }
0xa1: {  	[tilespmem:s14], [sflag:$0x3] =	stream.indirect_vreg.gather [hbm4b:s1+s0], $0x80, v4, vm0, $0xb8;
	[tilespmem:$0x17E00] =	vst v63  }
0xa2: {  	s15 =	simm.s32 $0x12600  }
0xa3: {  	[tilespmem:s15], [sflag:$0x3] =	stream.indirect_vreg.gather [hbm4b:s9+s0], $0x80, v4, vm1, $0xb8;
	[tilespmem:$0x17E00] =	vst v63  }
0xa4: {  	s16 =	simm.s32 $0x12A00  }
0xa5: {  	[tilespmem:s16], [sflag:$0x3] =	stream.indirect_vreg.gather [hbm4b:s1+s0], $0x80, v3, vm0, $0xb8;
	[tilespmem:$0x17E00] =	vst v63  }
0xa6: {  	s17 =	simm.s32 $0x13200  }
0xa7: {  	[tilespmem:s17], [sflag:$0x3] =	stream.indirect_vreg.gather [hbm4b:s9+s0], $0x80, v3, vm1, $0xb8;
	[tilespmem:$0x17E00] =	vst v63  }
0xa8: {  	v3 =	vld [tilespmem:s25+$0x2F30];
	_ =	sdelay $0x4  }
0xa9: {  	v4 =	vshrl.u32 v3, $0x3  }
0xaa: {  	v4 =	vmul.u32 $0x18, v4  }
0xab: {  	v3 =	vand.u32 $0x7, v3  }
0xac: {  	v3 =	vor.u32 v3, v4  }
0xad: {  	v4 =	vperm.xlane v3, v0;
	_ =	sdelay $0x1  }
0xae: {  	v4 =	vadd.s32 v1, v4;
	_ =	sdelay $0x1  }
0xaf: {  	v3 =	vperm.xlane v3, v2;
	_ =	sdelay $0x1  }
0xb0: {  	s18 =	simm.s32 $0x13600;
	v3 =	vadd.s32 v1, v3  }
0xb1: {  	[tilespmem:s18], [sflag:$0x4] =	stream.indirect_vreg.gather [hbm4b:s2+s0], $0x80, v4, vm0, $0xb8;
	[tilespmem:$0x17E00] =	vst v63  }
0xb2: {  	s19 =	simm.s32 $0x13E00  }
0xb3: {  	[tilespmem:s19], [sflag:$0x4] =	stream.indirect_vreg.gather [hbm4b:s10+s0], $0x80, v4, vm1, $0xb8;
	[tilespmem:$0x17E00] =	vst v63  }
0xb4: {  	s20 =	simm.s32 $0x14200  }
0xb5: {  	[tilespmem:s20], [sflag:$0x4] =	stream.indirect_vreg.gather [hbm4b:s2+s0], $0x80, v3, vm0, $0xb8;
	[tilespmem:$0x17E00] =	vst v63  }
0xb6: {  	s21 =	simm.s32 $0x14A00  }
0xb7: {  	[tilespmem:s21], [sflag:$0x4] =	stream.indirect_vreg.gather [hbm4b:s10+s0], $0x80, v3, vm1, $0xb8;
	[tilespmem:$0x17E00] =	vst v63  }
0xb8: {  	v3 =	vld [tilespmem:s25+$0x2F40];
	_ =	sdelay $0x4  }
0xb9: {  	v4 =	vshrl.u32 v3, $0x3  }
0xba: {  	v4 =	vmul.u32 $0x18, v4  }
0xbb: {  	v3 =	vand.u32 $0x7, v3  }
0xbc: {  	v3 =	vor.u32 v3, v4  }
0xbd: {  	v4 =	vperm.xlane v3, v0;
	_ =	sdelay $0x1  }
0xbe: {  	v4 =	vadd.s32 v1, v4;
	_ =	sdelay $0x1  }
0xbf: {  	v3 =	vperm.xlane v3, v2;
	_ =	sdelay $0x1  }
0xc0: {  	s24 =	simm.s32 $0x14E00;
	v3 =	vadd.s32 v1, v3  }
0xc1: {  	[tilespmem:s24], [sflag:$0x4] =	stream.indirect_vreg.gather [hbm4b:s2+s0], $0x80, v4, vm0, $0xb8;
	[tilespmem:$0x17E00] =	vst v63  }
0xc2: {  	s26 =	simm.s32 $0x15600  }
0xc3: {  	[tilespmem:s26], [sflag:$0x4] =	stream.indirect_vreg.gather [hbm4b:s10+s0], $0x80, v4, vm1, $0xb8;
	[tilespmem:$0x17E00] =	vst v63  }
0xc4: {  	s7 =	simm.s32 $0x15A00  }
0xc5: {  	[tilespmem:s7], [sflag:$0x4] =	stream.indirect_vreg.gather [hbm4b:s2+s0], $0x80, v3, vm0, $0xb8;
	[tilespmem:$0x17E00] =	vst v63  }
0xc6: {  	s8 =	simm.s32 $0x16200  }
0xc7: {  	[tilespmem:s8], [sflag:$0x4] =	stream.indirect_vreg.gather [hbm4b:s10+s0], $0x80, v3, vm1, $0xb8;
	[tilespmem:$0x17E00] =	vst v63  }
0xc8: {  	v3 =	vld [tilespmem:s25+$0x2F50];
	_ =	sdelay $0x4  }
0xc9: {  	v4 =	vshrl.u32 v3, $0x3  }
0xca: {  	v4 =	vmul.u32 $0x18, v4  }
0xcb: {  	v3 =	vand.u32 $0x7, v3  }
0xcc: {  	v3 =	vor.u32 v3, v4  }
0xcd: {  	v4 =	vperm.xlane v3, v0;
	_ =	sdelay $0x1  }
0xce: {  	v4 =	vadd.s32 v1, v4;
	_ =	sdelay $0x1  }
0xcf: {  	v3 =	vperm.xlane v3, v2;
	_ =	sdelay $0x1  }
0xd0: {  	s11 =	simm.s32 $0x16600;
	v3 =	vadd.s32 v1, v3  }
0xd1: {  	[tilespmem:s11], [sflag:$0x4] =	stream.indirect_vreg.gather [hbm4b:s2+s0], $0x80, v4, vm0, $0xb8;
	[tilespmem:$0x17E00] =	vst v63  }
0xd2: {  	s13 =	simm.s32 $0x16E00  }
0xd3: {  	[tilespmem:s13], [sflag:$0x4] =	stream.indirect_vreg.gather [hbm4b:s10+s0], $0x80, v4, vm1, $0xb8;
	[tilespmem:$0x17E00] =	vst v63  }
0xd4: {  	s14 =	simm.s32 $0x17200  }
0xd5: {  	[tilespmem:s14], [sflag:$0x4] =	stream.indirect_vreg.gather [hbm4b:s2+s0], $0x80, v3, vm0, $0xb8;
	[tilespmem:$0x17E00] =	vst v63  }
0xd6: {  	s15 =	simm.s32 $0x17A00;
	s16 =	simm.s32 $0x1  }
0xd7: {  	[tilespmem:s15], [sflag:$0x4] =	stream.indirect_vreg.gather [hbm4b:s10+s0], $0x80, v3, vm1, $0xb8;
	[tilespmem:$0x17E00] =	vst v63  }
0xd8: {  	_ =	swait.ge [sflag:s16], $0x4800  }
0xd9: {  	[sflag:s16] =	ssyncset.done $0x0  }
0xda: {  	s17 =	simm.s32 $0x0;
	s18 =	simm.s32 $0x2;
	[sflag:s16] =	ssyncadd.s32 $0xFFFFB800  }
0xdb: {  	s14 =	smul.u32 $0xC00, s17;
	s0 =	sand.u32 $0x200, s0;
	_ =	swait.ge [sflag:s18], $0x4800  }
0xdc: {  	s11 =	sor.u32 $0x180, s0;
	[sflag:s18] =	ssyncset.done $0x0  }
0xdd: {  	s19 =	sor.u32 s14, s11;
	[sflag:s18] =	ssyncadd.s32 $0xFFFFB800  }
0xde: {  	v3 =	vld [tilespmem:s19+$0x5E00]  }
0xdf: {  	v4 =	vld [tilespmem:s19+$0xA600]  }
0xe0: {  	v5 =	vld [tilespmem:s19+$0x5E10]  }
0xe1: {  	v6 =	vld [tilespmem:s19+$0xA610]  }
0xe2: {  	v7 =	vld [tilespmem:s19+$0x5E20]  }
0xe3: {  	v8 =	vld [tilespmem:s19+$0xA620]  }
0xe4: {  	v9 =	vld [tilespmem:s19+$0x5E30]  }
0xe5: {  	v10 =	vld [tilespmem:s19+$0xA630]  }
0xe6: {  	v11 =	vld [tilespmem:s19+$0x5E40]  }
0xe7: {  	v12 =	vld [tilespmem:s19+$0x5E50]  }
0xe8: {  	v13 =	vld [tilespmem:s19+$0xA650]  }
0xe9: {  	v14 =	vld [tilespmem:s19+$0x5E60]  }
0xea: {  	s8 =	sor.u32 s0, s14;
	v15 =	vld [tilespmem:s19+$0xA660]  }
0xeb: {  	v47 =	vld [tilespmem:s8+$0xA620]  }
0xec: {  	v48 =	vld [tilespmem:s8+$0x5E30]  }
0xed: {  	v49 =	vld [tilespmem:s8+$0xA630]  }
0xee: {  	v50 =	vld [tilespmem:s8+$0x5E40]  }
0xef: {  	v51 =	vld [tilespmem:s8+$0xA650]  }
0xf0: {  	v52 =	vld [tilespmem:s8+$0x5E60]  }
0xf1: {  	v53 =	vld [tilespmem:s8+$0xA660]  }
0xf2: {  	s20 =	sor.u32 $0x80, s0;
	v54 =	vld [tilespmem:s8+$0x5E70]  }
0xf3: {  	s17 =	sor.u32 s14, s20;
	v55 =	vld [tilespmem:s8+$0xA670]  }
0xf4: {  	v21 =	vld [tilespmem:s17+$0x5E00]  }
0xf5: {  	v22 =	vld [tilespmem:s17+$0xA600]  }
0xf6: {  	v23 =	vld [tilespmem:s17+$0x5E10]  }
0xf7: {  	v24 =	vld [tilespmem:s17+$0xA610]  }
0xf8: {  	v25 =	vld [tilespmem:s17+$0x5E20]  }
0xf9: {  	v26 =	vld [tilespmem:s17+$0xA620]  }
0xfa: {  	v27 =	vld [tilespmem:s17+$0x5E30]  }
0xfb: {  	v28 =	vld [tilespmem:s17+$0xA630]  }
0xfc: {  	v29 =	vld [tilespmem:s17+$0x5E40]  }
0xfd: {  	v30 =	vld [tilespmem:s17+$0xA640]  }
0xfe: {  	v31 =	vld [tilespmem:s17+$0x5E50]  }
0xff: {  	v32 =	vld [tilespmem:s17+$0xA650]  }
0x100: {  	v33 =	vld [tilespmem:s17+$0x5E60]  }
0x101: {  	v34 =	vld [tilespmem:s17+$0xA660]  }
0x102: {  	s21 =	sor.u32 $0x100, s0;
	v35 =	vld [tilespmem:s17+$0x5E70]  }
0x103: {  	s3 =	sadd.s32 $0x400, s14;
	s7 =	sadd.s32 $0x800, s14;
	s14 =	sor.u32 s14, s21;
	v36 =	vld [tilespmem:s17+$0xA670]  }
0x104: {  	v37 =	vld [tilespmem:s14+$0x5E00]  }
0x105: {  	v38 =	vld [tilespmem:s14+$0xA600]  }
0x106: {  	v39 =	vld [tilespmem:s14+$0x5E10]  }
0x107: {  	v40 =	vld [tilespmem:s14+$0xA610]  }
0x108: {  	v41 =	vld [tilespmem:s14+$0x5E20]  }
0x109: {  	v56 =	vld [tilespmem:s14+$0xA640]  }
0x10a: {  	v3 =	vadd.f32 v4, v3;
	v4 =	vld [tilespmem:s19+$0x5E70]  }
0x10b: {  	v5 =	vadd.f32 v6, v5;
	v6 =	vld [tilespmem:s19+$0xA670]  }
0x10c: {  	[tilespmem:s19+$0x5E00] =	vst v3;
	v3 =	vadd.f32 v8, v7;
	v7 =	vld [tilespmem:s19+$0xA640]  }
0x10d: {  	v8 =	vld [tilespmem:s8+$0x5E00]  }
0x10e: {  	[tilespmem:s19+$0x5E10] =	vst v5;
	v5 =	vadd.f32 v10, v9;
	v9 =	vld [tilespmem:s8+$0xA600]  }
0x10f: {  	[tilespmem:s19+$0x5E20] =	vst v3;
	v3 =	vadd.f32 v13, v12;
	v12 =	vld [tilespmem:s14+$0x5E60]  }
0x110: {  	[tilespmem:s19+$0x5E30] =	vst v5;
	v5 =	vadd.f32 v15, v14;
	v14 =	vld [tilespmem:s14+$0xA660]  }
0x111: {  	[tilespmem:s19+$0x5E50] =	vst v3;
	v3 =	vadd.f32 v6, v4;
	v6 =	vld [tilespmem:s8+$0x5E10]  }
0x112: {  	[tilespmem:s19+$0x5E60] =	vst v5;
	v4 =	vadd.f32 v7, v11;
	v7 =	vld [tilespmem:s8+$0xA610]  }
0x113: {  	v8 =	vadd.f32 v9, v8;
	v9 =	vld [tilespmem:s14+$0x5E30];
	[tilespmem:s19+$0x5E70] =	vst v3  }
0x114: {  	v3 =	vld [tilespmem:s8+$0x5E20];
	[tilespmem:s19+$0x5E40] =	vst v4  }
0x115: {  	s13 =	sor.u32 s11, s3;
	[tilespmem:s8+$0x5E00] =	vst v8;
	v8 =	vld [tilespmem:s14+$0x5E40]  }
0x116: {  	v4 =	vld [tilespmem:s13+$0x5E00]  }
0x117: {  	v5 =	vld [tilespmem:s13+$0xA600]  }
0x118: {  	v10 =	vld [tilespmem:s13+$0x5E10]  }
0x119: {  	v11 =	vld [tilespmem:s13+$0xA610]  }
0x11a: {  	v42 =	vld [tilespmem:s13+$0x5E20]  }
0x11b: {  	v43 =	vld [tilespmem:s13+$0xA620]  }
0x11c: {  	v44 =	vld [tilespmem:s13+$0x5E30]  }
0x11d: {  	v21 =	vadd.f32 v22, v21;
	v45 =	vld [tilespmem:s13+$0xA630]  }
0x11e: {  	v23 =	vadd.f32 v24, v23;
	v16 =	vld [tilespmem:s13+$0x5E40]  }
0x11f: {  	v61 =	vadd.f32 v26, v25;
	[tilespmem:s17+$0x5E00] =	vst v21;
	v17 =	vld [tilespmem:s13+$0x5E50]  }
0x120: {  	v62 =	vadd.f32 v28, v27;
	[tilespmem:s17+$0x5E10] =	vst v23;
	v18 =	vld [tilespmem:s13+$0xA650]  }
0x121: {  	v63 =	vadd.f32 v30, v29;
	[tilespmem:s17+$0x5E20] =	vst v61;
	v19 =	vld [tilespmem:s13+$0x5E60]  }
0x122: {  	v32 =	vadd.f32 v32, v31;
	[tilespmem:s17+$0x5E30] =	vst v62;
	v20 =	vld [tilespmem:s13+$0xA660]  }
0x123: {  	[tilespmem:s17+$0x5E40] =	vst v63;
	v46 =	vld [tilespmem:s13+$0xA640];
	v4 =	vadd.f32 v5, v4  }
0x124: {  	v34 =	vadd.f32 v34, v33;
	[tilespmem:s17+$0x5E50] =	vst v32;
	v6 =	vadd.f32 v7, v6;
	v7 =	vld [tilespmem:s14+$0xA630]  }
0x125: {  	v5 =	vld [tilespmem:s13+$0x5E70];
	[tilespmem:s13+$0x5E00] =	vst v4;
	v4 =	vadd.f32 v43, v42;
	v43 =	vadd.f32 v36, v35  }
0x126: {  	[tilespmem:s17+$0x5E60] =	vst v34;
	v10 =	vadd.f32 v11, v10;
	v11 =	vld [tilespmem:s13+$0xA670]  }
0x127: {  	s16 =	sor.u32 s20, s3;
	v42 =	vld [tilespmem:s14+$0xA620];
	[tilespmem:s17+$0x5E70] =	vst v43  }
0x128: {  	v3 =	vadd.f32 v47, v3;
	[tilespmem:s8+$0x5E10] =	vst v6;
	v47 =	vld [tilespmem:s16+$0xA600]  }
0x129: {  	v6 =	vadd.f32 v49, v48;
	[tilespmem:s13+$0x5E10] =	vst v10;
	v10 =	vadd.f32 v45, v44;
	v48 =	vld [tilespmem:s16+$0x5E10]  }
0x12a: {  	[tilespmem:s13+$0x5E20] =	vst v4;
	v4 =	vadd.f32 v18, v17;
	v49 =	vld [tilespmem:s16+$0xA610]  }
0x12b: {  	v7 =	vadd.f32 v7, v9;
	[tilespmem:s13+$0x5E30] =	vst v10;
	v10 =	vadd.f32 v20, v19;
	v9 =	vld [tilespmem:s16+$0xA640]  }
0x12c: {  	v8 =	vadd.f32 v56, v8;
	v56 =	vld [tilespmem:s16+$0x5E50];
	[tilespmem:s13+$0x5E50] =	vst v4;
	v4 =	vadd.f32 v11, v5  }
0x12d: {  	v11 =	vld [tilespmem:s8+$0xA640];
	v5 =	vadd.f32 v46, v16;
	[tilespmem:s13+$0x5E60] =	vst v10  }
0x12e: {  	v10 =	vld [tilespmem:s8+$0x5E50];
	[tilespmem:s13+$0x5E70] =	vst v4  }
0x12f: {  	s24 =	sor.u32 s11, s7;
	v46 =	vld [tilespmem:s16+$0x5E00];
	[tilespmem:s13+$0x5E40] =	vst v5  }
0x130: {  	v4 =	vld [tilespmem:s24+$0x5E00]  }
0x131: {  	v5 =	vld [tilespmem:s24+$0xA600]  }
0x132: {  	[tilespmem:s8+$0x5E20] =	vst v3;
	v3 =	vadd.f32 v11, v50;
	v11 =	vld [tilespmem:s14+$0x5E50]  }
0x133: {  	[tilespmem:s8+$0x5E30] =	vst v6;
	v6 =	vadd.f32 v51, v10;
	v10 =	vld [tilespmem:s14+$0xA650]  }
0x134: {  	v50 =	vld [tilespmem:s16+$0x5E20]  }
0x135: {  	v51 =	vld [tilespmem:s16+$0xA620]  }
0x136: {  	[tilespmem:s8+$0x5E40] =	vst v3;
	v3 =	vadd.f32 v53, v52;
	v52 =	vld [tilespmem:s16+$0x5E30]  }
0x137: {  	v53 =	vld [tilespmem:s16+$0xA630]  }
0x138: {  	[tilespmem:s8+$0x5E50] =	vst v6;
	v6 =	vadd.f32 v55, v54;
	v55 =	vld [tilespmem:s16+$0x5E40]  }
0x139: {  	[tilespmem:s8+$0x5E60] =	vst v3;
	v3 =	vld [tilespmem:s14+$0x5E70]  }
0x13a: {  	s15 =	sor.u32 s0, s3;
	[tilespmem:s8+$0x5E70] =	vst v6;
	v6 =	vld [tilespmem:s14+$0xA670]  }
0x13b: {  	v15 =	vld [tilespmem:s15+$0x5E00]  }
0x13c: {  	v57 =	vld [tilespmem:s15+$0xA600]  }
0x13d: {  	v58 =	vld [tilespmem:s15+$0x5E10]  }
0x13e: {  	v59 =	vld [tilespmem:s15+$0xA610]  }
0x13f: {  	v19 =	vld [tilespmem:s15+$0x5E20]  }
0x140: {  	v60 =	vld [tilespmem:s15+$0xA620]  }
0x141: {  	v22 =	vld [tilespmem:s15+$0x5E30]  }
0x142: {  	v24 =	vld [tilespmem:s15+$0xA630]  }
0x143: {  	v25 =	vld [tilespmem:s15+$0x5E40]  }
0x144: {  	v26 =	vld [tilespmem:s15+$0xA640]  }
0x145: {  	v27 =	vld [tilespmem:s15+$0x5E50]  }
0x146: {  	v37 =	vadd.f32 v38, v37;
	v28 =	vld [tilespmem:s15+$0xA650]  }
0x147: {  	v39 =	vadd.f32 v40, v39;
	v29 =	vld [tilespmem:s15+$0x5E60]  }
0x148: {  	[tilespmem:s14+$0x5E00] =	vst v37;
	v30 =	vld [tilespmem:s15+$0xA660]  }
0x149: {  	[tilespmem:s14+$0x5E10] =	vst v39;
	v44 =	vld [tilespmem:s15+$0x5E70]  }
0x14a: {  	[tilespmem:s14+$0x5E40] =	vst v8;
	v8 =	vadd.f32 v14, v12;
	v45 =	vld [tilespmem:s15+$0xA670]  }
0x14b: {  	[tilespmem:s14+$0x5E30] =	vst v7;
	v7 =	vadd.f32 v10, v11;
	v10 =	vld [tilespmem:s16+$0xA650]  }
0x14c: {  	[tilespmem:s14+$0x5E60] =	vst v8;
	v54 =	vadd.f32 v42, v41;
	v11 =	vld [tilespmem:s16+$0x5E60]  }
0x14d: {  	[tilespmem:s14+$0x5E50] =	vst v7;
	v7 =	vld [tilespmem:s16+$0x5E70];
	v3 =	vadd.f32 v6, v3  }
0x14e: {  	[tilespmem:s14+$0x5E20] =	vst v54;
	v6 =	vld [tilespmem:s16+$0xA660]  }
0x14f: {  	s3 =	sor.u32 s21, s3;
	[tilespmem:s14+$0x5E70] =	vst v3;
	v3 =	vld [tilespmem:s16+$0xA670]  }
0x150: {  	v8 =	vadd.f32 v57, v15;
	v57 =	vld [tilespmem:s3+$0x5E00]  }
0x151: {  	v58 =	vadd.f32 v59, v58;
	v59 =	vld [tilespmem:s3+$0xA600]  }
0x152: {  	[tilespmem:s15+$0x5E00] =	vst v8;
	v8 =	vadd.f32 v60, v19;
	v60 =	vld [tilespmem:s3+$0x5E10]  }
0x153: {  	v62 =	vld [tilespmem:s3+$0xA610]  }
0x154: {  	v63 =	vld [tilespmem:s3+$0x5E20]  }
0x155: {  	s26 =	simm.s32 $0x200;
	s18 =	simm.s32 $0x0;
	v39 =	vld [tilespmem:s3+$0xA620]  }
0x156: {  	s8 =	sor.u32 s0, s7;
	s0 =	sand.u32 $0x200, s26;
	s14 =	smul.u32 $0xC00, s18;
	v42 =	vld [tilespmem:s3+$0x5E30]  }
0x157: {  	s19 =	sor.u32 $0x180, s0;
	v43 =	vadd.f32 v45, v44;
	v44 =	vld [tilespmem:s3+$0xA630]  }
0x158: {  	v45 =	vld [tilespmem:s3+$0x5E40];
	s18 =	sor.u32 s14, s19  }
0x159: {  	v54 =	vld [tilespmem:s18+$0xA610]  }
0x15a: {  	[tilespmem:s15+$0x5E10] =	vst v58;
	v58 =	vld [tilespmem:s18+$0xA630]  }
0x15b: {  	v32 =	vld [tilespmem:s18+$0x5E60]  }
0x15c: {  	v37 =	vadd.f32 v28, v27;
	v34 =	vld [tilespmem:s18+$0xA660]  }
0x15d: {  	v35 =	vld [tilespmem:s18+$0x5E70]  }
0x15e: {  	s11 =	sor.u32 s20, s7;
	[tilespmem:s15+$0x5E50] =	vst v37;
	s20 =	sor.u32 s0, s14;
	v37 =	vld [tilespmem:s18+$0xA670]  }
0x15f: {  	v17 =	vld [tilespmem:s20+$0x5E00]  }
0x160: {  	v13 =	vld [tilespmem:s20+$0xA600]  }
0x161: {  	v15 =	vld [tilespmem:s20+$0x5E10]  }
0x162: {  	v23 =	vld [tilespmem:s20+$0x5E30]  }
0x163: {  	[tilespmem:s15+$0x5E20] =	vst v8;
	v8 =	vadd.f32 v26, v25;
	v26 =	vld [tilespmem:s20+$0x5E40]  }
0x164: {  	v18 =	vld [tilespmem:s20+$0xA640]  }
0x165: {  	v25 =	vld [tilespmem:s20+$0x5E60]  }
0x166: {  	v27 =	vld [tilespmem:s20+$0xA660]  }
0x167: {  	v3 =	vadd.f32 v3, v7;
	v7 =	vld [tilespmem:s3+$0xA670]  }
0x168: {  	[tilespmem:s15+$0x5E40] =	vst v8;
	v8 =	vadd.f32 v30, v29;
	v30 =	vld [tilespmem:s18+$0xA650]  }
0x169: {  	v12 =	vadd.f32 v59, v57;
	v57 =	vld [tilespmem:s18+$0x5E30]  }
0x16a: {  	v16 =	vadd.f32 v62, v60;
	v60 =	vld [tilespmem:s18+$0x5E40]  }
0x16b: {  	v62 =	vld [tilespmem:s18+$0x5E50]  }
0x16c: {  	v59 =	vadd.f32 v39, v63;
	v39 =	vld [tilespmem:s18+$0xA640]  }
0x16d: {  	v61 =	vadd.f32 v24, v22;
	[tilespmem:s15+$0x5E60] =	vst v8;
	v8 =	vadd.f32 v47, v46;
	v47 =	vld [tilespmem:s3+$0xA640]  }
0x16e: {  	v46 =	vadd.f32 v49, v48;
	v48 =	vld [tilespmem:s3+$0x5E50]  }
0x16f: {  	[tilespmem:s15+$0x5E30] =	vst v61;
	v49 =	vadd.f32 v53, v52;
	v52 =	vld [tilespmem:s3+$0xA660]  }
0x170: {  	[tilespmem:s16+$0x5E70] =	vst v3;
	v3 =	vld [tilespmem:s18+$0x5E00]  }
0x171: {  	[tilespmem:s15+$0x5E70] =	vst v43;
	v53 =	vld [tilespmem:s18+$0x5E10]  }
0x172: {  	s28 =	sor.u32 s21, s7;
	[tilespmem:s3+$0x5E00] =	vst v12;
	v12 =	vld [tilespmem:s20+$0xA610]  }
0x173: {  	s13 =	sor.u32 $0x80, s0;
	s7 =	sadd.s32 $0x800, s14;
	s15 =	sadd.s32 $0x400, s14;
	[tilespmem:s16+$0x5E00] =	vst v8;
	v8 =	vadd.f32 v51, v50;
	v50 =	vld [tilespmem:s3+$0xA650]  }
0x174: {  	s17 =	sor.u32 s19, s7;
	s21 =	sor.u32 s19, s15;
	s19 =	sor.u32 s14, s13;
	v51 =	vld [tilespmem:s3+$0x5E60]  }
0x175: {  	s30 =	sor.u32 $0x100, s0;
	v61 =	vadd.f32 v44, v42;
	v42 =	vadd.f32 v34, v32;
	v32 =	vld [tilespmem:s19+$0x5E10]  }
0x176: {  	s14 =	sor.u32 s14, s30;
	v34 =	vld [tilespmem:s19+$0x5E20]  }
0x177: {  	[tilespmem:s3+$0x5E10] =	vst v16;
	v14 =	vadd.f32 v37, v35;
	v13 =	vadd.f32 v13, v17;
	v17 =	vld [tilespmem:s14+$0x5E30]  }
0x178: {  	[tilespmem:s3+$0x5E20] =	vst v59;
	v24 =	vadd.f32 v18, v26;
	v18 =	vld [tilespmem:s14+$0x5E50]  }
0x179: {  	[tilespmem:s18+$0x5E70] =	vst v14;
	v14 =	vld [tilespmem:s20+$0x5E20]  }
0x17a: {  	[tilespmem:s18+$0x5E60] =	vst v42;
	v42 =	vld [tilespmem:s19+$0x5E60]  }
0x17b: {  	[tilespmem:s20+$0x5E00] =	vst v13;
	v13 =	vld [tilespmem:s14+$0x5E70]  }
0x17c: {  	[tilespmem:s16+$0x5E20] =	vst v8;
	v8 =	vadd.f32 v9, v55;
	v9 =	vadd.f32 v10, v56;
	v10 =	vld [tilespmem:s8+$0xA600]  }
0x17d: {  	[tilespmem:s3+$0x5E30] =	vst v61;
	v55 =	vld [tilespmem:s18+$0x5E20]  }
0x17e: {  	[tilespmem:s16+$0x5E10] =	vst v46;
	v56 =	vld [tilespmem:s18+$0xA620]  }
0x17f: {  	[tilespmem:s16+$0x5E30] =	vst v49;
	v41 =	vadd.f32 v30, v62;
	v30 =	vld [tilespmem:s19+$0x5E00]  }
0x180: {  	v40 =	vadd.f32 v58, v57;
	[tilespmem:s16+$0x5E40] =	vst v8;
	v8 =	vadd.f32 v6, v11;
	v6 =	vld [tilespmem:s3+$0x5E70]  }
0x181: {  	v43 =	vadd.f32 v39, v60;
	[tilespmem:s16+$0x5E50] =	vst v9;
	v11 =	vld [tilespmem:s18+$0xA600]  }
0x182: {  	[tilespmem:s18+$0x5E30] =	vst v40;
	v40 =	vld [tilespmem:s19+$0x5E50]  }
0x183: {  	v63 =	vadd.f32 v47, v45;
	[tilespmem:s18+$0x5E40] =	vst v43;
	v43 =	vld [tilespmem:s19+$0xA660]  }
0x184: {  	[tilespmem:s18+$0x5E50] =	vst v41;
	v12 =	vadd.f32 v12, v15;
	v15 =	vld [tilespmem:s14+$0xA630]  }
0x185: {  	v36 =	vadd.f32 v54, v53;
	[tilespmem:s3+$0x5E40] =	vst v63;
	v63 =	vld [tilespmem:s20+$0xA630]  }
0x186: {  	v31 =	vadd.f32 v50, v48;
	[tilespmem:s16+$0x5E60] =	vst v8;
	v8 =	vld [tilespmem:s8+$0x5E00]  }
0x187: {  	v33 =	vadd.f32 v52, v51;
	[tilespmem:s18+$0x5E10] =	vst v36;
	v9 =	vld [tilespmem:s11+$0x5E00]  }
0x188: {  	[tilespmem:s3+$0x5E50] =	vst v31;
	v38 =	vadd.f32 v56, v55;
	v31 =	vld [tilespmem:s19+$0xA600]  }
0x189: {  	[tilespmem:s3+$0x5E60] =	vst v33;
	v33 =	vld [tilespmem:s19+$0xA610];
	v3 =	vadd.f32 v11, v3  }
0x18a: {  	v11 =	vld [tilespmem:s11+$0xA600];
	[tilespmem:s18+$0x5E20] =	vst v38  }
0x18b: {  	[tilespmem:s18+$0x5E00] =	vst v3;
	v3 =	vld [tilespmem:s28+$0x5E00]  }
0x18c: {  	v16 =	vld [tilespmem:s21+$0x5E00]  }
0x18d: {  	v44 =	vld [tilespmem:s21+$0xA600]  }
0x18e: {  	v45 =	vld [tilespmem:s21+$0x5E10]  }
0x18f: {  	v46 =	vld [tilespmem:s21+$0xA610]  }
0x190: {  	v47 =	vld [tilespmem:s21+$0x5E20]  }
0x191: {  	v22 =	vld [tilespmem:s21+$0xA620]  }
0x192: {  	v48 =	vld [tilespmem:s21+$0x5E30]  }
0x193: {  	v49 =	vld [tilespmem:s21+$0xA630]  }
0x194: {  	v50 =	vld [tilespmem:s21+$0x5E40]  }
0x195: {  	v53 =	vld [tilespmem:s21+$0x5E50]  }
0x196: {  	v54 =	vld [tilespmem:s21+$0xA650]  }
0x197: {  	v55 =	vld [tilespmem:s21+$0x5E60]  }
0x198: {  	v56 =	vld [tilespmem:s21+$0xA660]  }
0x199: {  	v57 =	vld [tilespmem:s21+$0x5E70]  }
0x19a: {  	v58 =	vld [tilespmem:s21+$0xA670]  }
0x19b: {  	v60 =	vld [tilespmem:s21+$0xA640]  }
0x19c: {  	v59 =	vadd.f32 v22, v47;
	v22 =	vld [tilespmem:s20+$0xA620]  }
0x19d: {  	v62 =	vadd.f32 v54, v53;
	v54 =	vld [tilespmem:s20+$0x5E70]  }
0x19e: {  	v51 =	vadd.f32 v56, v55;
	v55 =	vld [tilespmem:s20+$0xA670]  }
0x19f: {  	v56 =	vld [tilespmem:s19+$0xA620]  }
0x1a0: {  	v52 =	vadd.f32 v58, v57;
	v57 =	vld [tilespmem:s19+$0x5E30]  }
0x1a1: {  	v58 =	vld [tilespmem:s19+$0xA630]  }
0x1a2: {  	v53 =	vadd.f32 v60, v50;
	v60 =	vld [tilespmem:s19+$0xA640]  }
0x1a3: {  	v16 =	vadd.f32 v44, v16;
	v44 =	vld [tilespmem:s19+$0x5E70]  }
0x1a4: {  	v19 =	vadd.f32 v46, v45;
	v45 =	vld [tilespmem:s19+$0xA670]  }
0x1a5: {  	v46 =	vld [tilespmem:s14+$0x5E00]  }
0x1a6: {  	v47 =	vld [tilespmem:s14+$0xA600]  }
0x1a7: {  	v61 =	vadd.f32 v49, v48;
	v48 =	vld [tilespmem:s14+$0x5E10]  }
0x1a8: {  	[tilespmem:s20+$0x5E40] =	vst v24;
	v49 =	vld [tilespmem:s14+$0xA610]  }
0x1a9: {  	v50 =	vld [tilespmem:s14+$0x5E20];
	[tilespmem:s21+$0x5E00] =	vst v16  }
0x1aa: {  	[tilespmem:s21+$0x5E10] =	vst v19;
	v19 =	vld [tilespmem:s20+$0x5E50]  }
0x1ab: {  	[tilespmem:s21+$0x5E20] =	vst v59;
	v16 =	vld [tilespmem:s20+$0xA650]  }
0x1ac: {  	[tilespmem:s21+$0x5E30] =	vst v61;
	v59 =	vld [tilespmem:s19+$0x5E40]  }
0x1ad: {  	[tilespmem:s21+$0x5E50] =	vst v62;
	v61 =	vld [tilespmem:s19+$0xA650]  }
0x1ae: {  	[tilespmem:s21+$0x5E60] =	vst v51;
	v51 =	vld [tilespmem:s14+$0xA620]  }
0x1af: {  	v27 =	vadd.f32 v27, v25;
	[tilespmem:s21+$0x5E70] =	vst v52;
	v52 =	vld [tilespmem:s14+$0xA660]  }
0x1b0: {  	[tilespmem:s21+$0x5E40] =	vst v53;
	v53 =	vld [tilespmem:s14+$0xA670]  }
0x1b1: {  	[tilespmem:s20+$0x5E60] =	vst v27;
	v63 =	vadd.f32 v63, v23;
	v20 =	vld [tilespmem:s17+$0x5E00]  }
0x1b2: {  	[tilespmem:s20+$0x5E10] =	vst v12;
	v21 =	vld [tilespmem:s17+$0xA600];
	v62 =	vadd.f32 v22, v14  }
0x1b3: {  	[tilespmem:s20+$0x5E30] =	vst v63;
	v14 =	vld [tilespmem:s14+$0x5E40];
	v29 =	vadd.f32 v55, v54  }
0x1b4: {  	v22 =	vld [tilespmem:s14+$0xA640];
	[tilespmem:s20+$0x5E20] =	vst v62;
	v26 =	vadd.f32 v16, v19  }
0x1b5: {  	v16 =	vld [tilespmem:s14+$0xA650];
	[tilespmem:s20+$0x5E70] =	vst v29  }
0x1b6: {  	v19 =	vld [tilespmem:s14+$0x5E60];
	[tilespmem:s20+$0x5E50] =	vst v26;
	s20 =	sor.u32 s0, s15  }
0x1b7: {  	v24 =	vld [tilespmem:s20+$0x5E00]  }
0x1b8: {  	v54 =	vld [tilespmem:s20+$0xA600]  }
0x1b9: {  	v26 =	vld [tilespmem:s20+$0x5E10]  }
0x1ba: {  	v55 =	vld [tilespmem:s20+$0xA610]  }
0x1bb: {  	v28 =	vld [tilespmem:s20+$0x5E20]  }
0x1bc: {  	v4 =	vsub.f32 v4, v5;
	v29 =	vld [tilespmem:s20+$0xA620]  }
0x1bd: {  	v30 =	vadd.f32 v31, v30;
	v31 =	vld [tilespmem:s20+$0x5E30]  }
0x1be: {  	[tilespmem:s24+$0x5E00] =	vst v4;
	v32 =	vadd.f32 v33, v32;
	v33 =	vld [tilespmem:s20+$0xA630]  }
0x1bf: {  	v63 =	vadd.f32 v43, v42;
	[tilespmem:s19+$0x5E00] =	vst v30;
	v56 =	vadd.f32 v56, v34;
	v34 =	vld [tilespmem:s20+$0x5E40]  }
0x1c0: {  	[tilespmem:s19+$0x5E10] =	vst v32;
	v57 =	vadd.f32 v58, v57;
	v58 =	vld [tilespmem:s20+$0xA640]  }
0x1c1: {  	[tilespmem:s19+$0x5E60] =	vst v63;
	v59 =	vadd.f32 v60, v59;
	v60 =	vld [tilespmem:s20+$0x5E50]  }
0x1c2: {  	v43 =	vadd.f32 v45, v44;
	[tilespmem:s19+$0x5E20] =	vst v56;
	v62 =	vld [tilespmem:s20+$0xA650]  }
0x1c3: {  	[tilespmem:s19+$0x5E30] =	vst v57;
	v42 =	vld [tilespmem:s20+$0x5E60]  }
0x1c4: {  	v61 =	vadd.f32 v61, v40;
	[tilespmem:s19+$0x5E70] =	vst v43;
	v44 =	vld [tilespmem:s20+$0xA660]  }
0x1c5: {  	v6 =	vadd.f32 v7, v6;
	[tilespmem:s19+$0x5E40] =	vst v59;
	v45 =	vld [tilespmem:s20+$0x5E70]  }
0x1c6: {  	v4 =	vsub.f32 v8, v10;
	s21 =	sor.u32 s13, s15;
	[tilespmem:s19+$0x5E50] =	vst v61;
	v5 =	vld [tilespmem:s20+$0xA670]  }
0x1c7: {  	[tilespmem:s3+$0x5E70] =	vst v6;
	v6 =	vsub.f32 v9, v11;
	v7 =	vld [tilespmem:s21+$0x5E00]  }
0x1c8: {  	[tilespmem:s8+$0x5E00] =	vst v4;
	v4 =	vsub.f32 v20, v21;
	v8 =	vld [tilespmem:s21+$0xA600]  }
0x1c9: {  	[tilespmem:s11+$0x5E00] =	vst v6;
	v6 =	vadd.f32 v47, v46;
	v9 =	vld [tilespmem:s21+$0x5E10]  }
0x1ca: {  	v10 =	vld [tilespmem:s21+$0xA610];
	[tilespmem:s17+$0x5E00] =	vst v4;
	v4 =	vadd.f32 v49, v48  }
0x1cb: {  	[tilespmem:s14+$0x5E00] =	vst v6;
	v6 =	vadd.f32 v51, v50;
	v11 =	vld [tilespmem:s21+$0x5E20]  }
0x1cc: {  	v47 =	vld [tilespmem:s21+$0xA620];
	[tilespmem:s14+$0x5E10] =	vst v4;
	v4 =	vadd.f32 v15, v17  }
0x1cd: {  	[tilespmem:s14+$0x5E20] =	vst v6;
	v48 =	vld [tilespmem:s21+$0x5E30];
	v6 =	vadd.f32 v22, v14  }
0x1ce: {  	v49 =	vld [tilespmem:s21+$0xA630];
	[tilespmem:s14+$0x5E30] =	vst v4;
	v4 =	vadd.f32 v16, v18  }
0x1cf: {  	v50 =	vld [tilespmem:s21+$0x5E40];
	[tilespmem:s14+$0x5E40] =	vst v6;
	v6 =	vadd.f32 v52, v19  }
0x1d0: {  	v51 =	vld [tilespmem:s21+$0xA640];
	[tilespmem:s14+$0x5E50] =	vst v4;
	v4 =	vadd.f32 v53, v13  }
0x1d1: {  	v52 =	vld [tilespmem:s21+$0x5E50];
	[tilespmem:s14+$0x5E60] =	vst v6;
	v6 =	vadd.f32 v54, v24  }
0x1d2: {  	s29 =	sor.u32 s30, s15;
	v54 =	vld [tilespmem:s21+$0x5E60];
	[tilespmem:s14+$0x5E70] =	vst v4;
	v4 =	vadd.f32 v55, v26  }
0x1d3: {  	[tilespmem:s20+$0x5E00] =	vst v6;
	v6 =	vadd.f32 v29, v28;
	v56 =	vld [tilespmem:s29+$0x5E00]  }
0x1d4: {  	v57 =	vld [tilespmem:s29+$0xA600];
	[tilespmem:s20+$0x5E10] =	vst v4;
	v4 =	vadd.f32 v33, v31  }
0x1d5: {  	v53 =	vld [tilespmem:s21+$0xA650];
	[tilespmem:s20+$0x5E20] =	vst v6;
	v6 =	vadd.f32 v58, v34  }
0x1d6: {  	v55 =	vld [tilespmem:s21+$0xA660];
	[tilespmem:s20+$0x5E30] =	vst v4;
	v4 =	vadd.f32 v62, v60  }
0x1d7: {  	v58 =	vld [tilespmem:s29+$0x5E10];
	[tilespmem:s20+$0x5E40] =	vst v6;
	v6 =	vadd.f32 v44, v42  }
0x1d8: {  	v59 =	vld [tilespmem:s29+$0xA610];
	[tilespmem:s20+$0x5E50] =	vst v4;
	v4 =	vadd.f32 v5, v45  }
0x1d9: {  	v61 =	vld [tilespmem:s29+$0x5E30];
	[tilespmem:s20+$0x5E60] =	vst v6;
	v6 =	vadd.f32 v57, v56  }
0x1da: {  	v60 =	vld [tilespmem:s29+$0x5E20];
	[tilespmem:s20+$0x5E70] =	vst v4;
	v4 =	vadd.f32 v8, v7  }
0x1db: {  	v5 =	vld [tilespmem:s29+$0xA620];
	v8 =	vadd.f32 v10, v9;
	[tilespmem:s29+$0x5E00] =	vst v6  }
0x1dc: {  	v7 =	vld [tilespmem:s29+$0xA630];
	v6 =	vadd.f32 v47, v11;
	[tilespmem:s21+$0x5E00] =	vst v4  }
0x1dd: {  	v9 =	vld [tilespmem:s21+$0x5E70];
	v4 =	vadd.f32 v59, v58;
	[tilespmem:s21+$0x5E10] =	vst v8  }
0x1de: {  	v10 =	vld [tilespmem:s29+$0x5E40];
	v8 =	vadd.f32 v49, v48;
	[tilespmem:s21+$0x5E20] =	vst v6  }
0x1df: {  	v6 =	vadd.f32 v51, v50;
	[tilespmem:s29+$0x5E10] =	vst v4;
	v4 =	vld [tilespmem:s21+$0xA670]  }
0x1e0: {  	v11 =	vld [tilespmem:s29+$0xA640];
	v5 =	vadd.f32 v5, v60;
	[tilespmem:s21+$0x5E30] =	vst v8  }
0x1e1: {  	v63 =	vld [tilespmem:s29+$0xA650];
	v8 =	vadd.f32 v53, v52;
	[tilespmem:s21+$0x5E40] =	vst v6  }
0x1e2: {  	v62 =	vld [tilespmem:s29+$0x5E50];
	[tilespmem:s29+$0x5E20] =	vst v5;
	v5 =	vadd.f32 v7, v61  }
0x1e3: {  	v6 =	vld [tilespmem:s29+$0x5E60];
	v7 =	vadd.f32 v55, v54;
	[tilespmem:s21+$0x5E50] =	vst v8  }
0x1e4: {  	v8 =	vld [tilespmem:s29+$0xA660];
	[tilespmem:s29+$0x5E30] =	vst v5;
	v4 =	vadd.f32 v4, v9  }
0x1e5: {  	[tilespmem:s21+$0x5E60] =	vst v7;
	v5 =	vld [tilespmem:s29+$0x5E70];
	v9 =	vadd.f32 v11, v10  }
0x1e6: {  	s24 =	sadd.s32 $0x30, s25;
	s0 =	sor.u32 s0, s7;
	v7 =	vld [tilespmem:s29+$0xA670];
	[tilespmem:s21+$0x5E70] =	vst v4  }
0x1e7: {  	s31 =	sor.u32 s30, s7;
	s30 =	simm.s32 $0x4;
	s3 =	sor.u32 s13, s7;
	v4 =	vld [tilespmem:s0+$0x5E00];
	[tilespmem:s29+$0x5E40] =	vst v9;
	v9 =	vadd.f32 v63, v62  }
.LBB2_3:
0x1e8: {  	s30 =	sadd.s32 $0x4, s30;
	v10 =	vld [tilespmem:s0+$0xA600]  }
0x1e9: {  	s26 =	sadd.s32 $0x200, s26;
	s7 =	sshrl.u32 s30, $0x3;
	p0 =	slt.u32 s30, $0x2C;
	v11 =	vld [tilespmem:s3+$0x5E00];
	[tilespmem:s29+$0x5E50] =	vst v9;
	v6 =	vadd.f32 v8, v6  }
0x1ea: {  	s18 =	sand.u32 $0x200, s26;
	s19 =	smul.u32 $0xC00, s7;
	v8 =	vld [tilespmem:s3+$0xA600]  }
0x1eb: {  	s14 =	sor.u32 $0x80, s18;
	s17 =	sor.u32 $0x100, s18;
	s16 =	sor.u32 $0x180, s18;
	[tilespmem:s29+$0x5E60] =	vst v6;
	v5 =	vadd.f32 v7, v5;
	v6 =	vld [tilespmem:s31+$0x5E00]  }
0x1ec: {  	s15 =	sor.u32 s18, s19;
	s7 =	sor.u32 s19, s14;
	s20 =	sor.u32 s19, s16;
	v7 =	vld [tilespmem:s28+$0xA600]  }
0x1ed: {  	s8 =	sor.u32 s19, s17;
	v9 =	vld [tilespmem:s20+$0x5E00];
	v4 =	vsub.f32 v4, v10;
	[tilespmem:s29+$0x5E70] =	vst v5  }
0x1ee: {  	v5 =	vld [tilespmem:s20+$0xA600]  }
0x1ef: {  	v10 =	vld [tilespmem:s20+$0x5E10];
	[tilespmem:s0+$0x5E00] =	vst v4;
	v4 =	vsub.f32 v11, v8  }
0x1f0: {  	v8 =	vld [tilespmem:s20+$0xA610]  }
0x1f1: {  	v11 =	vld [tilespmem:s20+$0x5E20];
	[tilespmem:s3+$0x5E00] =	vst v4;
	v4 =	vsub.f32 v3, v7;
	v3 =	vmov v6  }
0x1f2: {  	v6 =	vld [tilespmem:s20+$0xA620]  }
0x1f3: {  	v7 =	vld [tilespmem:s20+$0x5E30];
	[tilespmem:s28+$0x5E00] =	vst v4;
	s28 =	smov.u32 s31  }
0x1f4: {  	v4 =	vld [tilespmem:s20+$0xA630]  }
0x1f5: {  	v12 =	vld [tilespmem:s20+$0x5E40]  }
0x1f6: {  	v13 =	vld [tilespmem:s20+$0x5E50]  }
0x1f7: {  	v14 =	vld [tilespmem:s20+$0xA650]  }
0x1f8: {  	v15 =	vld [tilespmem:s20+$0x5E60]  }
0x1f9: {  	v16 =	vld [tilespmem:s20+$0xA660]  }
0x1fa: {  	v5 =	vadd.f32 v5, v9;
	v9 =	vld [tilespmem:s20+$0x5E70]  }
0x1fb: {  	v8 =	vadd.f32 v8, v10;
	v10 =	vld [tilespmem:s20+$0xA670]  }
0x1fc: {  	[tilespmem:s20+$0x5E00] =	vst v5;
	v5 =	vadd.f32 v6, v11;
	v6 =	vld [tilespmem:s20+$0xA640]  }
0x1fd: {  	v4 =	vadd.f32 v4, v7;
	v11 =	vld [tilespmem:s15+$0x5E00];
	[tilespmem:s20+$0x5E10] =	vst v8  }
0x1fe: {  	v7 =	vld [tilespmem:s15+$0xA600];
	[tilespmem:s20+$0x5E20] =	vst v5;
	v5 =	vadd.f32 v14, v13  }
0x1ff: {  	v8 =	vld [tilespmem:s15+$0x5E10];
	[tilespmem:s20+$0x5E30] =	vst v4;
	v4 =	vadd.f32 v16, v15  }
0x200: {  	v13 =	vld [tilespmem:s15+$0xA610];
	[tilespmem:s20+$0x5E50] =	vst v5;
	v5 =	vadd.f32 v10, v9  }
0x201: {  	s0 =	sadd.s32 $0x400, s19;
	v9 =	vld [tilespmem:s15+$0x5E20];
	v6 =	vadd.f32 v6, v12;
	[tilespmem:s20+$0x5E60] =	vst v4  }
0x202: {  	s11 =	sor.u32 s18, s0;
	s13 =	sor.u32 s14, s0;
	s21 =	sor.u32 s16, s0;
	v4 =	vld [tilespmem:s15+$0xA620];
	[tilespmem:s20+$0x5E70] =	vst v5  }
0x203: {  	s29 =	sor.u32 s17, s0;
	v5 =	vadd.f32 v7, v11;
	[tilespmem:s20+$0x5E40] =	vst v6;
	v6 =	vld [tilespmem:s21+$0x5E00]  }
0x204: {  	v7 =	vld [tilespmem:s21+$0xA600]  }
0x205: {  	[tilespmem:s15+$0x5E00] =	vst v5;
	v5 =	vadd.f32 v13, v8;
	v8 =	vld [tilespmem:s21+$0x5E10]  }
0x206: {  	v10 =	vld [tilespmem:s21+$0xA610]  }
0x207: {  	[tilespmem:s15+$0x5E10] =	vst v5;
	v4 =	vadd.f32 v4, v9;
	v5 =	vld [tilespmem:s21+$0x5E20]  }
0x208: {  	v9 =	vld [tilespmem:s21+$0xA620]  }
0x209: {  	[tilespmem:s15+$0x5E20] =	vst v4;
	v4 =	vld [tilespmem:s21+$0x5E30]  }
0x20a: {  	v11 =	vld [tilespmem:s21+$0xA630]  }
0x20b: {  	v12 =	vld [tilespmem:s21+$0x5E40]  }
0x20c: {  	v13 =	vld [tilespmem:s21+$0x5E50]  }
0x20d: {  	v14 =	vld [tilespmem:s21+$0xA650]  }
0x20e: {  	v15 =	vld [tilespmem:s21+$0x5E60]  }
0x20f: {  	v16 =	vld [tilespmem:s21+$0xA660]  }
0x210: {  	v6 =	vadd.f32 v7, v6;
	v7 =	vld [tilespmem:s21+$0x5E70]  }
0x211: {  	v8 =	vadd.f32 v10, v8;
	v10 =	vld [tilespmem:s21+$0xA670]  }
0x212: {  	v5 =	vadd.f32 v9, v5;
	[tilespmem:s21+$0x5E00] =	vst v6;
	v6 =	vld [tilespmem:s21+$0xA640]  }
0x213: {  	v4 =	vadd.f32 v11, v4;
	v9 =	vld [tilespmem:s15+$0x5E30];
	[tilespmem:s21+$0x5E10] =	vst v8  }
0x214: {  	v8 =	vld [tilespmem:s15+$0xA630];
	[tilespmem:s21+$0x5E20] =	vst v5;
	v5 =	vadd.f32 v14, v13  }
0x215: {  	v11 =	vld [tilespmem:s15+$0x5E40];
	[tilespmem:s21+$0x5E30] =	vst v4;
	v4 =	vadd.f32 v16, v15  }
0x216: {  	v13 =	vld [tilespmem:s15+$0xA640];
	[tilespmem:s21+$0x5E50] =	vst v5;
	v5 =	vadd.f32 v10, v7  }
0x217: {  	s19 =	sadd.s32 $0x800, s19;
	v7 =	vld [tilespmem:s15+$0x5E50];
	v6 =	vadd.f32 v6, v12;
	[tilespmem:s21+$0x5E60] =	vst v4  }
0x218: {  	s0 =	sor.u32 s18, s19;
	s3 =	sor.u32 s14, s19;
	s14 =	sor.u32 s16, s19;
	v4 =	vld [tilespmem:s15+$0xA650];
	[tilespmem:s21+$0x5E70] =	vst v5  }
0x219: {  	s31 =	sor.u32 s17, s19;
	v5 =	vadd.f32 v8, v9;
	[tilespmem:s21+$0x5E40] =	vst v6;
	v6 =	vld [tilespmem:s14+$0x5E00]  }
0x21a: {  	v8 =	vld [tilespmem:s14+$0xA600]  }
0x21b: {  	[tilespmem:s15+$0x5E30] =	vst v5;
	v5 =	vadd.f32 v13, v11;
	v9 =	vld [tilespmem:s15+$0x5E60]  }
0x21c: {  	v10 =	vld [tilespmem:s15+$0xA660]  }
0x21d: {  	[tilespmem:s15+$0x5E40] =	vst v5;
	v4 =	vadd.f32 v4, v7;
	v5 =	vld [tilespmem:s15+$0x5E70]  }
0x21e: {  	v7 =	vld [tilespmem:s15+$0xA670]  }
0x21f: {  	[tilespmem:s15+$0x5E50] =	vst v4;
	v4 =	vld [tilespmem:s7+$0x5E00];
	v6 =	vsub.f32 v6, v8  }
0x220: {  	v8 =	vld [tilespmem:s7+$0xA600]  }
0x221: {  	v9 =	vadd.f32 v10, v9;
	v10 =	vld [tilespmem:s7+$0x5E10];
	[tilespmem:s14+$0x5E00] =	vst v6  }
0x222: {  	v6 =	vld [tilespmem:s7+$0xA610]  }
0x223: {  	[tilespmem:s15+$0x5E60] =	vst v9;
	v5 =	vadd.f32 v7, v5;
	v7 =	vld [tilespmem:s7+$0x5E20]  }
0x224: {  	v9 =	vld [tilespmem:s7+$0xA620]  }
0x225: {  	[tilespmem:s15+$0x5E70] =	vst v5;
	v4 =	vadd.f32 v8, v4;
	v5 =	vld [tilespmem:s7+$0x5E30]  }
0x226: {  	v8 =	vld [tilespmem:s7+$0xA630]  }
0x227: {  	[tilespmem:s7+$0x5E00] =	vst v4;
	v4 =	vadd.f32 v6, v10;
	v6 =	vld [tilespmem:s7+$0x5E40]  }
0x228: {  	v10 =	vld [tilespmem:s7+$0xA640]  }
0x229: {  	[tilespmem:s7+$0x5E10] =	vst v4;
	v4 =	vadd.f32 v9, v7;
	v7 =	vld [tilespmem:s7+$0x5E50]  }
0x22a: {  	v9 =	vld [tilespmem:s7+$0xA650]  }
0x22b: {  	[tilespmem:s7+$0x5E20] =	vst v4;
	v4 =	vadd.f32 v8, v5;
	v5 =	vld [tilespmem:s7+$0x5E60]  }
0x22c: {  	v8 =	vld [tilespmem:s7+$0xA660]  }
0x22d: {  	[tilespmem:s7+$0x5E30] =	vst v4;
	v4 =	vadd.f32 v10, v6;
	v6 =	vld [tilespmem:s7+$0x5E70]  }
0x22e: {  	v10 =	vld [tilespmem:s7+$0xA670]  }
0x22f: {  	[tilespmem:s7+$0x5E40] =	vst v4;
	v4 =	vadd.f32 v9, v7;
	v7 =	vld [tilespmem:s8+$0x5E00]  }
0x230: {  	v9 =	vld [tilespmem:s8+$0xA600]  }
0x231: {  	[tilespmem:s7+$0x5E50] =	vst v4;
	v4 =	vadd.f32 v8, v5;
	v5 =	vld [tilespmem:s8+$0x5E10]  }
0x232: {  	v8 =	vld [tilespmem:s8+$0xA610]  }
0x233: {  	[tilespmem:s7+$0x5E60] =	vst v4;
	v4 =	vadd.f32 v10, v6;
	v6 =	vld [tilespmem:s8+$0x5E20]  }
0x234: {  	v10 =	vld [tilespmem:s8+$0xA620]  }
0x235: {  	[tilespmem:s7+$0x5E70] =	vst v4;
	v4 =	vadd.f32 v9, v7;
	v7 =	vld [tilespmem:s8+$0x5E30]  }
0x236: {  	v9 =	vld [tilespmem:s8+$0xA630]  }
0x237: {  	[tilespmem:s8+$0x5E00] =	vst v4;
	v4 =	vadd.f32 v8, v5;
	v5 =	vld [tilespmem:s8+$0x5E40]  }
0x238: {  	v8 =	vld [tilespmem:s8+$0xA640]  }
0x239: {  	[tilespmem:s8+$0x5E10] =	vst v4;
	v4 =	vadd.f32 v10, v6;
	v6 =	vld [tilespmem:s8+$0x5E50]  }
0x23a: {  	v10 =	vld [tilespmem:s8+$0xA650]  }
0x23b: {  	[tilespmem:s8+$0x5E20] =	vst v4;
	v4 =	vadd.f32 v9, v7;
	v7 =	vld [tilespmem:s8+$0x5E60]  }
0x23c: {  	v9 =	vld [tilespmem:s8+$0xA660]  }
0x23d: {  	[tilespmem:s8+$0x5E30] =	vst v4;
	v4 =	vadd.f32 v8, v5;
	v5 =	vld [tilespmem:s8+$0x5E70]  }
0x23e: {  	v8 =	vld [tilespmem:s8+$0xA670]  }
0x23f: {  	v11 =	vld [tilespmem:s11+$0x5E00];
	[tilespmem:s8+$0x5E40] =	vst v4;
	v4 =	vadd.f32 v10, v6  }
0x240: {  	v6 =	vld [tilespmem:s11+$0xA600]  }
0x241: {  	v10 =	vld [tilespmem:s11+$0x5E10];
	[tilespmem:s8+$0x5E50] =	vst v4;
	v4 =	vadd.f32 v9, v7  }
0x242: {  	v7 =	vld [tilespmem:s11+$0xA610]  }
0x243: {  	v9 =	vld [tilespmem:s11+$0x5E20];
	[tilespmem:s8+$0x5E60] =	vst v4;
	v4 =	vadd.f32 v8, v5  }
0x244: {  	v5 =	vld [tilespmem:s11+$0xA620]  }
0x245: {  	v6 =	vadd.f32 v6, v11;
	v8 =	vld [tilespmem:s11+$0x5E30];
	[tilespmem:s8+$0x5E70] =	vst v4  }
0x246: {  	v4 =	vld [tilespmem:s11+$0xA630]  }
0x247: {  	[tilespmem:s11+$0x5E00] =	vst v6;
	v6 =	vadd.f32 v7, v10;
	v7 =	vld [tilespmem:s11+$0x5E40]  }
0x248: {  	v10 =	vld [tilespmem:s11+$0xA640]  }
0x249: {  	[tilespmem:s11+$0x5E10] =	vst v6;
	v5 =	vadd.f32 v5, v9;
	v6 =	vld [tilespmem:s11+$0x5E50]  }
0x24a: {  	v9 =	vld [tilespmem:s11+$0xA650]  }
0x24b: {  	[tilespmem:s11+$0x5E20] =	vst v5;
	v4 =	vadd.f32 v4, v8;
	v5 =	vld [tilespmem:s11+$0x5E60]  }
0x24c: {  	v8 =	vld [tilespmem:s11+$0xA660]  }
0x24d: {  	[tilespmem:s11+$0x5E30] =	vst v4;
	v4 =	vadd.f32 v10, v7;
	v7 =	vld [tilespmem:s11+$0x5E70]  }
0x24e: {  	v10 =	vld [tilespmem:s11+$0xA670]  }
0x24f: {  	[tilespmem:s11+$0x5E40] =	vst v4;
	v4 =	vadd.f32 v9, v6;
	v6 =	vld [tilespmem:s13+$0x5E00]  }
0x250: {  	v9 =	vld [tilespmem:s13+$0xA600]  }
0x251: {  	[tilespmem:s11+$0x5E50] =	vst v4;
	v4 =	vadd.f32 v8, v5;
	v5 =	vld [tilespmem:s13+$0x5E10]  }
0x252: {  	v8 =	vld [tilespmem:s13+$0xA610]  }
0x253: {  	[tilespmem:s11+$0x5E60] =	vst v4;
	v4 =	vadd.f32 v10, v7;
	v7 =	vld [tilespmem:s13+$0x5E20]  }
0x254: {  	v10 =	vld [tilespmem:s13+$0xA620]  }
0x255: {  	[tilespmem:s11+$0x5E70] =	vst v4;
	v4 =	vadd.f32 v9, v6;
	v6 =	vld [tilespmem:s13+$0x5E30]  }
0x256: {  	v9 =	vld [tilespmem:s13+$0xA630]  }
0x257: {  	[tilespmem:s13+$0x5E00] =	vst v4;
	v4 =	vadd.f32 v8, v5;
	v5 =	vld [tilespmem:s13+$0x5E40]  }
0x258: {  	v8 =	vld [tilespmem:s13+$0xA640]  }
0x259: {  	[tilespmem:s13+$0x5E10] =	vst v4;
	v4 =	vadd.f32 v10, v7;
	v7 =	vld [tilespmem:s13+$0x5E50]  }
0x25a: {  	v10 =	vld [tilespmem:s13+$0xA650]  }
0x25b: {  	[tilespmem:s13+$0x5E20] =	vst v4;
	v4 =	vadd.f32 v9, v6;
	v6 =	vld [tilespmem:s13+$0x5E60]  }
0x25c: {  	v9 =	vld [tilespmem:s13+$0xA660]  }
0x25d: {  	[tilespmem:s13+$0x5E30] =	vst v4;
	v4 =	vadd.f32 v8, v5;
	v5 =	vld [tilespmem:s13+$0x5E70]  }
0x25e: {  	v8 =	vld [tilespmem:s13+$0xA670]  }
0x25f: {  	[tilespmem:s13+$0x5E40] =	vst v4;
	v4 =	vadd.f32 v10, v7;
	v7 =	vld [tilespmem:s29+$0x5E00]  }
0x260: {  	v10 =	vld [tilespmem:s29+$0xA600]  }
0x261: {  	[tilespmem:s13+$0x5E50] =	vst v4;
	v4 =	vadd.f32 v9, v6;
	v6 =	vld [tilespmem:s29+$0x5E10]  }
0x262: {  	v9 =	vld [tilespmem:s29+$0xA610]  }
0x263: {  	[tilespmem:s13+$0x5E60] =	vst v4;
	v4 =	vadd.f32 v8, v5;
	v5 =	vld [tilespmem:s29+$0x5E20]  }
0x264: {  	v8 =	vld [tilespmem:s29+$0xA620]  }
0x265: {  	[tilespmem:s13+$0x5E70] =	vst v4;
	v4 =	vadd.f32 v10, v7;
	v7 =	vld [tilespmem:s29+$0x5E30]  }
0x266: {  	v10 =	vld [tilespmem:s29+$0xA630]  }
0x267: {  	[tilespmem:s29+$0x5E00] =	vst v4;
	v4 =	vadd.f32 v9, v6;
	v9 =	vld [tilespmem:s29+$0x5E40]  }
0x268: {  	v11 =	vld [tilespmem:s29+$0xA640]  }
0x269: {  	[tilespmem:s29+$0x5E10] =	vst v4;
	v4 =	vadd.f32 v8, v5;
	v12 =	vld [tilespmem:s29+$0x5E50]  }
0x26a: {  	v13 =	vld [tilespmem:s29+$0xA650]  }
.Ltmp0:
0x26b: {  	[tilespmem:s29+$0x5E20] =	vst v4;
	v4 =	vadd.f32 v10, v7;
	v6 =	vld [tilespmem:s29+$0x5E60];
	(pc) =	sbr.rel @p0 .LBB2_3-.Ltmp0, $4  }
0x26c: {  	v8 =	vld [tilespmem:s29+$0xA660]  }
0x26d: {  	[tilespmem:s29+$0x5E30] =	vst v4;
	v9 =	vadd.f32 v11, v9;
	v5 =	vld [tilespmem:s29+$0x5E70]  }
0x26e: {  	v7 =	vld [tilespmem:s29+$0xA670]  }
0x26f: {  	v4 =	vld [tilespmem:s0+$0x5E00];
	[tilespmem:s29+$0x5E40] =	vst v9;
	v9 =	vadd.f32 v13, v12  }
0x270: {  	_ = 	snop  }
0x271: {  	v10 =	vld [tilespmem:s0+$0xA600]  }
0x272: {  	v60 =	vld [tilespmem:s3+$0x5E00];
	v6 =	vadd.f32 v8, v6  }
0x273: {  	v61 =	vld [tilespmem:s3+$0xA600];
	[tilespmem:s29+$0x5E50] =	vst v9;
	v5 =	vadd.f32 v7, v5  }
0x274: {  	v62 =	vld [tilespmem:s28+$0xA600];
	[tilespmem:s29+$0x5E60] =	vst v6  }
0x275: {  	v6 =	vld [tilespmem:s31+$0x5E00];
	[tilespmem:s29+$0x5E70] =	vst v5  }
0x276: {  	v5 =	vld [tilespmem:s31+$0xA600];
	_ =	sdelay $0x1  }
0x277: {  	v4 =	vsub.f32 v4, v10  }
0x278: {  	s7 =	sadd.s32 s5, s25;
	v8 =	vsub.f32 v60, v61  }
0x279: {  	s30 =	sshrl.u32 s7, $0x3;
	v3 =	vsub.f32 v3, v62;
	[tilespmem:s0+$0x5E00] =	vst v4  }
0x27a: {  	[tilespmem:s3+$0x5E00] =	vst v8;
	s0 =	smul.u32 $0x180, s30;
	v63 =	vsub.f32 v6, v5  }
0x27b: {  	p0 =	seq.s32 s23, $0x7C;
	[tilespmem:s28+$0x5E00] =	vst v3  }
.Ltmp1:
0x27c: {  	s0 =	sadd.s32 s6, s0;
	[tilespmem:s31+$0x5E00] =	vst v63;
	s31 =	simm.s32 $0x5E00;
	(pc) =	sbr.rel @p0 .LBB2_6-.Ltmp1, $4  }
0x27d: {  	[hbm4b:s0+s4] =	stream.linear.scatter [tilespmem:s31], [sflag:$0x5], $0x4800, $0x38;
	[tilespmem:$0x17E00] =	vst v63  }
0x27e: {  	_ =	swait.ge [sflag:s12], $0x4800  }
0x27f: {  	[sflag:s12] =	ssyncset.done $0x0  }
0x280: {  	[sflag:s12] =	ssyncadd.s32 $0xFFFFB800  }
0x281: {  	v3 =	vld [tilespmem:s25+$0x60];
	_ =	sdelay $0x4  }
0x282: {  	v4 =	vshrl.u32 v3, $0x3  }
0x283: {  	v4 =	vmul.u32 $0x18, v4  }
0x284: {  	v3 =	vand.u32 $0x7, v3  }
0x285: {  	v3 =	vor.u32 v3, v4  }
0x286: {  	v4 =	vperm.xlane v3, v0;
	_ =	sdelay $0x1  }
0x287: {  	v4 =	vadd.s32 v1, v4;
	_ =	sdelay $0x1  }
0x288: {  	v3 =	vperm.xlane v3, v2;
	_ =	sdelay $0x1  }
0x289: {  	s0 =	simm.s32 $0x5E00;
	v3 =	vadd.s32 v1, v3  }
0x28a: {  	[tilespmem:s0], [sflag:$0x1] =	stream.indirect_vreg.gather [hbm4b:s1+s4], $0x80, v4, vm0, $0xb8;
	[tilespmem:$0x17E00] =	vst v63  }
0x28b: {  	s26 =	simm.s32 $0x6600  }
0x28c: {  	[tilespmem:s26], [sflag:$0x1] =	stream.indirect_vreg.gather [hbm4b:s9+s4], $0x80, v4, vm1, $0xb8;
	[tilespmem:$0x17E00] =	vst v63  }
0x28d: {  	s28 =	simm.s32 $0x6A00  }
0x28e: {  	[tilespmem:s28], [sflag:$0x1] =	stream.indirect_vreg.gather [hbm4b:s1+s4], $0x80, v3, vm0, $0xb8;
	[tilespmem:$0x17E00] =	vst v63  }
0x28f: {  	s29 =	simm.s32 $0x7200  }
0x290: {  	[tilespmem:s29], [sflag:$0x1] =	stream.indirect_vreg.gather [hbm4b:s9+s4], $0x80, v3, vm1, $0xb8;
	[tilespmem:$0x17E00] =	vst v63  }
0x291: {  	v3 =	vld [tilespmem:s25+$0x70];
	_ =	sdelay $0x4  }
0x292: {  	v59 =	vshrl.u32 v3, $0x3  }
0x293: {  	v4 =	vmul.u32 $0x18, v59  }
0x294: {  	v3 =	vand.u32 $0x7, v3  }
0x295: {  	v3 =	vor.u32 v3, v4  }
0x296: {  	v4 =	vperm.xlane v3, v0;
	_ =	sdelay $0x1  }
0x297: {  	v4 =	vadd.s32 v1, v4;
	_ =	sdelay $0x1  }
0x298: {  	v3 =	vperm.xlane v3, v2;
	_ =	sdelay $0x1  }
0x299: {  	s30 =	simm.s32 $0x7600;
	v3 =	vadd.s32 v1, v3  }
0x29a: {  	[tilespmem:s30], [sflag:$0x1] =	stream.indirect_vreg.gather [hbm4b:s1+s4], $0x80, v4, vm0, $0xb8;
	[tilespmem:$0x17E00] =	vst v63  }
0x29b: {  	s31 =	simm.s32 $0x7E00  }
0x29c: {  	[tilespmem:s31], [sflag:$0x1] =	stream.indirect_vreg.gather [hbm4b:s9+s4], $0x80, v4, vm1, $0xb8;
	[tilespmem:$0x17E00] =	vst v63  }
0x29d: {  	s3 =	simm.s32 $0x8200  }
0x29e: {  	[tilespmem:s3], [sflag:$0x1] =	stream.indirect_vreg.gather [hbm4b:s1+s4], $0x80, v3, vm0, $0xb8;
	[tilespmem:$0x17E00] =	vst v63  }
0x29f: {  	s7 =	simm.s32 $0x8A00  }
0x2a0: {  	[tilespmem:s7], [sflag:$0x1] =	stream.indirect_vreg.gather [hbm4b:s9+s4], $0x80, v3, vm1, $0xb8;
	[tilespmem:$0x17E00] =	vst v63  }
0x2a1: {  	v3 =	vld [tilespmem:s25+$0x80];
	_ =	sdelay $0x4  }
0x2a2: {  	v60 =	vshrl.u32 v3, $0x3  }
0x2a3: {  	v4 =	vmul.u32 $0x18, v60  }
0x2a4: {  	v3 =	vand.u32 $0x7, v3  }
0x2a5: {  	v3 =	vor.u32 v3, v4  }
0x2a6: {  	v4 =	vperm.xlane v3, v0;
	_ =	sdelay $0x1  }
0x2a7: {  	v4 =	vadd.s32 v1, v4;
	_ =	sdelay $0x1  }
0x2a8: {  	v3 =	vperm.xlane v3, v2;
	_ =	sdelay $0x1  }
0x2a9: {  	s8 =	simm.s32 $0x8E00;
	v3 =	vadd.s32 v1, v3  }
0x2aa: {  	[tilespmem:s8], [sflag:$0x1] =	stream.indirect_vreg.gather [hbm4b:s1+s4], $0x80, v4, vm0, $0xb8;
	[tilespmem:$0x17E00] =	vst v63  }
0x2ab: {  	s11 =	simm.s32 $0x9600  }
0x2ac: {  	[tilespmem:s11], [sflag:$0x1] =	stream.indirect_vreg.gather [hbm4b:s9+s4], $0x80, v4, vm1, $0xb8;
	[tilespmem:$0x17E00] =	vst v63  }
0x2ad: {  	s13 =	simm.s32 $0x9A00  }
0x2ae: {  	[tilespmem:s13], [sflag:$0x1] =	stream.indirect_vreg.gather [hbm4b:s1+s4], $0x80, v3, vm0, $0xb8;
	[tilespmem:$0x17E00] =	vst v63  }
0x2af: {  	s14 =	simm.s32 $0xA200  }
0x2b0: {  	[tilespmem:s14], [sflag:$0x1] =	stream.indirect_vreg.gather [hbm4b:s9+s4], $0x80, v3, vm1, $0xb8;
	[tilespmem:$0x17E00] =	vst v63  }
0x2b1: {  	v3 =	vld [tilespmem:s25+$0x2F60];
	_ =	sdelay $0x4  }
0x2b2: {  	v61 =	vshrl.u32 v3, $0x3  }
0x2b3: {  	v4 =	vmul.u32 $0x18, v61  }
0x2b4: {  	v3 =	vand.u32 $0x7, v3  }
0x2b5: {  	v3 =	vor.u32 v3, v4  }
0x2b6: {  	v4 =	vperm.xlane v3, v0;
	_ =	sdelay $0x1  }
0x2b7: {  	v4 =	vadd.s32 v1, v4;
	_ =	sdelay $0x1  }
0x2b8: {  	v3 =	vperm.xlane v3, v2;
	_ =	sdelay $0x1  }
0x2b9: {  	s15 =	simm.s32 $0xA600;
	v3 =	vadd.s32 v1, v3  }
0x2ba: {  	[tilespmem:s15], [sflag:$0x2] =	stream.indirect_vreg.gather [hbm4b:s2+s4], $0x80, v4, vm0, $0xb8;
	[tilespmem:$0x17E00] =	vst v63  }
0x2bb: {  	s16 =	simm.s32 $0xAE00  }
0x2bc: {  	[tilespmem:s16], [sflag:$0x2] =	stream.indirect_vreg.gather [hbm4b:s10+s4], $0x80, v4, vm1, $0xb8;
	[tilespmem:$0x17E00] =	vst v63  }
0x2bd: {  	s17 =	simm.s32 $0xB200  }
0x2be: {  	[tilespmem:s17], [sflag:$0x2] =	stream.indirect_vreg.gather [hbm4b:s2+s4], $0x80, v3, vm0, $0xb8;
	[tilespmem:$0x17E00] =	vst v63  }
0x2bf: {  	s18 =	simm.s32 $0xBA00  }
0x2c0: {  	[tilespmem:s18], [sflag:$0x2] =	stream.indirect_vreg.gather [hbm4b:s10+s4], $0x80, v3, vm1, $0xb8;
	[tilespmem:$0x17E00] =	vst v63  }
0x2c1: {  	v3 =	vld [tilespmem:s25+$0x2F70];
	_ =	sdelay $0x4  }
0x2c2: {  	v62 =	vshrl.u32 v3, $0x3  }
0x2c3: {  	v4 =	vmul.u32 $0x18, v62  }
0x2c4: {  	v3 =	vand.u32 $0x7, v3  }
0x2c5: {  	v3 =	vor.u32 v3, v4  }
0x2c6: {  	v4 =	vperm.xlane v3, v0;
	_ =	sdelay $0x1  }
0x2c7: {  	v4 =	vadd.s32 v1, v4;
	_ =	sdelay $0x1  }
0x2c8: {  	v3 =	vperm.xlane v3, v2;
	_ =	sdelay $0x1  }
0x2c9: {  	s19 =	simm.s32 $0xBE00;
	v3 =	vadd.s32 v1, v3  }
0x2ca: {  	[tilespmem:s19], [sflag:$0x2] =	stream.indirect_vreg.gather [hbm4b:s2+s4], $0x80, v4, vm0, $0xb8;
	[tilespmem:$0x17E00] =	vst v63  }
0x2cb: {  	s20 =	simm.s32 $0xC600  }
0x2cc: {  	[tilespmem:s20], [sflag:$0x2] =	stream.indirect_vreg.gather [hbm4b:s10+s4], $0x80, v4, vm1, $0xb8;
	[tilespmem:$0x17E00] =	vst v63  }
0x2cd: {  	s21 =	simm.s32 $0xCA00  }
0x2ce: {  	[tilespmem:s21], [sflag:$0x2] =	stream.indirect_vreg.gather [hbm4b:s2+s4], $0x80, v3, vm0, $0xb8;
	[tilespmem:$0x17E00] =	vst v63  }
0x2cf: {  	s26 =	simm.s32 $0xD200  }
0x2d0: {  	[tilespmem:s26], [sflag:$0x2] =	stream.indirect_vreg.gather [hbm4b:s10+s4], $0x80, v3, vm1, $0xb8;
	[tilespmem:$0x17E00] =	vst v63  }
0x2d1: {  	v3 =	vld [tilespmem:s25+$0x2F80];
	_ =	sdelay $0x4  }
0x2d2: {  	v63 =	vshrl.u32 v3, $0x3  }
0x2d3: {  	v4 =	vmul.u32 $0x18, v63  }
0x2d4: {  	v3 =	vand.u32 $0x7, v3  }
0x2d5: {  	v3 =	vor.u32 v3, v4  }
0x2d6: {  	v4 =	vperm.xlane v3, v0;
	_ =	sdelay $0x1  }
0x2d7: {  	v4 =	vadd.s32 v1, v4;
	_ =	sdelay $0x1  }
0x2d8: {  	v3 =	vperm.xlane v3, v2;
	_ =	sdelay $0x1  }
0x2d9: {  	s28 =	simm.s32 $0xD600;
	v3 =	vadd.s32 v1, v3  }
0x2da: {  	[tilespmem:s28], [sflag:$0x2] =	stream.indirect_vreg.gather [hbm4b:s2+s4], $0x80, v4, vm0, $0xb8;
	[tilespmem:$0x17E00] =	vst v63  }
0x2db: {  	s29 =	simm.s32 $0xDE00  }
0x2dc: {  	[tilespmem:s29], [sflag:$0x2] =	stream.indirect_vreg.gather [hbm4b:s10+s4], $0x80, v4, vm1, $0xb8;
	[tilespmem:$0x17E00] =	vst v63  }
0x2dd: {  	s30 =	simm.s32 $0xE200  }
0x2de: {  	[tilespmem:s30], [sflag:$0x2] =	stream.indirect_vreg.gather [hbm4b:s2+s4], $0x80, v3, vm0, $0xb8;
	[tilespmem:$0x17E00] =	vst v63  }
0x2df: {  	s31 =	simm.s32 $0xEA00  }
0x2e0: {  	[tilespmem:s31], [sflag:$0x2] =	stream.indirect_vreg.gather [hbm4b:s10+s4], $0x80, v3, vm1, $0xb8;
	[tilespmem:$0x17E00] =	vst v63  }
.LBB2_6:
0x2e1: {  	s0 =	simm.s32 $0x3  }
0x2e2: {  	_ =	swait.ge [sflag:s0], $0x4800  }
0x2e3: {  	[sflag:s0] =	ssyncset.done $0x0  }
0x2e4: {  	s20 =	simm.s32 $0x0;
	s3 =	simm.s32 $0x0;
	[sflag:s0] =	ssyncadd.s32 $0xFFFFB800  }
0x2e5: {  	s14 =	smul.u32 $0xC00, s3;
	s0 =	sand.u32 $0x200, s20;
	_ =	swait.ge [sflag:s22], $0x4800  }
0x2e6: {  	s11 =	sor.u32 $0x180, s0;
	[sflag:s22] =	ssyncset.done $0x0  }
0x2e7: {  	s7 =	sor.u32 s14, s11;
	[sflag:s22] =	ssyncadd.s32 $0xFFFFB800  }
0x2e8: {  	v3 =	vld [tilespmem:s7+$0xEE00]  }
0x2e9: {  	v4 =	vld [tilespmem:s7+$0x13600]  }
0x2ea: {  	v5 =	vld [tilespmem:s7+$0xEE10]  }
0x2eb: {  	v6 =	vld [tilespmem:s7+$0x13610]  }
0x2ec: {  	v7 =	vld [tilespmem:s7+$0xEE20]  }
0x2ed: {  	v8 =	vld [tilespmem:s7+$0x13620]  }
0x2ee: {  	v9 =	vld [tilespmem:s7+$0xEE30]  }
0x2ef: {  	v10 =	vld [tilespmem:s7+$0x13630]  }
0x2f0: {  	v11 =	vld [tilespmem:s7+$0xEE40]  }
0x2f1: {  	v12 =	vld [tilespmem:s7+$0xEE50]  }
0x2f2: {  	v13 =	vld [tilespmem:s7+$0x13650]  }
0x2f3: {  	v14 =	vld [tilespmem:s7+$0xEE60]  }
0x2f4: {  	s8 =	sor.u32 s0, s14;
	v15 =	vld [tilespmem:s7+$0x13660]  }
0x2f5: {  	v47 =	vld [tilespmem:s8+$0x13620]  }
0x2f6: {  	v48 =	vld [tilespmem:s8+$0xEE30]  }
0x2f7: {  	v49 =	vld [tilespmem:s8+$0x13630]  }
0x2f8: {  	v50 =	vld [tilespmem:s8+$0xEE40]  }
0x2f9: {  	v51 =	vld [tilespmem:s8+$0x13650]  }
0x2fa: {  	v52 =	vld [tilespmem:s8+$0xEE60]  }
0x2fb: {  	v53 =	vld [tilespmem:s8+$0x13660]  }
0x2fc: {  	s21 =	sor.u32 $0x80, s0;
	v54 =	vld [tilespmem:s8+$0xEE70]  }
0x2fd: {  	s17 =	sor.u32 s14, s21;
	v55 =	vld [tilespmem:s8+$0x13670]  }
0x2fe: {  	v21 =	vld [tilespmem:s17+$0xEE00]  }
0x2ff: {  	v22 =	vld [tilespmem:s17+$0x13600]  }
0x300: {  	v23 =	vld [tilespmem:s17+$0xEE10]  }
0x301: {  	v24 =	vld [tilespmem:s17+$0x13610]  }
0x302: {  	v25 =	vld [tilespmem:s17+$0xEE20]  }
0x303: {  	v26 =	vld [tilespmem:s17+$0x13620]  }
0x304: {  	v27 =	vld [tilespmem:s17+$0xEE30]  }
0x305: {  	v28 =	vld [tilespmem:s17+$0x13630]  }
0x306: {  	v29 =	vld [tilespmem:s17+$0xEE40]  }
0x307: {  	v30 =	vld [tilespmem:s17+$0x13640]  }
0x308: {  	v31 =	vld [tilespmem:s17+$0xEE50]  }
0x309: {  	v32 =	vld [tilespmem:s17+$0x13650]  }
0x30a: {  	v33 =	vld [tilespmem:s17+$0xEE60]  }
0x30b: {  	v34 =	vld [tilespmem:s17+$0x13660]  }
0x30c: {  	v3 =	vadd.f32 v4, v3;
	v4 =	vld [tilespmem:s7+$0xEE70]  }
0x30d: {  	v5 =	vadd.f32 v6, v5;
	v6 =	vld [tilespmem:s7+$0x13670]  }
0x30e: {  	[tilespmem:s7+$0xEE00] =	vst v3;
	v3 =	vadd.f32 v8, v7;
	v7 =	vld [tilespmem:s7+$0x13640]  }
0x30f: {  	v35 =	vld [tilespmem:s17+$0xEE70];
	[tilespmem:s7+$0xEE10] =	vst v5;
	v5 =	vadd.f32 v10, v9  }
0x310: {  	v36 =	vld [tilespmem:s17+$0x13670];
	[tilespmem:s7+$0xEE20] =	vst v3;
	v3 =	vadd.f32 v13, v12  }
0x311: {  	v8 =	vld [tilespmem:s8+$0xEE00];
	[tilespmem:s7+$0xEE30] =	vst v5;
	v5 =	vadd.f32 v15, v14  }
0x312: {  	v9 =	vld [tilespmem:s8+$0x13600];
	[tilespmem:s7+$0xEE50] =	vst v3;
	v3 =	vadd.f32 v6, v4  }
0x313: {  	v6 =	vld [tilespmem:s8+$0xEE10];
	[tilespmem:s7+$0xEE60] =	vst v5;
	v4 =	vadd.f32 v7, v11  }
0x314: {  	s3 =	sadd.s32 $0x400, s14;
	v7 =	vld [tilespmem:s8+$0x13610];
	[tilespmem:s7+$0xEE70] =	vst v3  }
0x315: {  	s13 =	sor.u32 s11, s3;
	v3 =	vld [tilespmem:s8+$0xEE20];
	[tilespmem:s7+$0xEE40] =	vst v4  }
0x316: {  	v4 =	vld [tilespmem:s13+$0xEE00]  }
0x317: {  	v5 =	vld [tilespmem:s13+$0x13600]  }
0x318: {  	v10 =	vld [tilespmem:s13+$0xEE10]  }
0x319: {  	v11 =	vld [tilespmem:s13+$0x13610]  }
0x31a: {  	v42 =	vld [tilespmem:s13+$0xEE20]  }
0x31b: {  	v43 =	vld [tilespmem:s13+$0x13620]  }
0x31c: {  	v44 =	vld [tilespmem:s13+$0xEE30]  }
0x31d: {  	v45 =	vld [tilespmem:s13+$0x13630]  }
0x31e: {  	v16 =	vld [tilespmem:s13+$0xEE40]  }
0x31f: {  	v17 =	vld [tilespmem:s13+$0xEE50]  }
0x320: {  	v18 =	vld [tilespmem:s13+$0x13650]  }
0x321: {  	v19 =	vld [tilespmem:s13+$0xEE60]  }
0x322: {  	s26 =	sor.u32 $0x100, s0;
	v20 =	vld [tilespmem:s13+$0x13660]  }
0x323: {  	s7 =	sadd.s32 $0x800, s14;
	s14 =	sor.u32 s14, s26;
	v46 =	vld [tilespmem:s13+$0x13640]  }
0x324: {  	v37 =	vld [tilespmem:s14+$0xEE00]  }
0x325: {  	v38 =	vld [tilespmem:s14+$0x13600]  }
0x326: {  	v21 =	vadd.f32 v22, v21;
	v39 =	vld [tilespmem:s14+$0xEE10]  }
0x327: {  	v23 =	vadd.f32 v24, v23;
	v40 =	vld [tilespmem:s14+$0x13610]  }
0x328: {  	[tilespmem:s17+$0xEE00] =	vst v21;
	v8 =	vadd.f32 v9, v8;
	v41 =	vld [tilespmem:s14+$0xEE20]  }
0x329: {  	v61 =	vadd.f32 v26, v25;
	[tilespmem:s17+$0xEE10] =	vst v23;
	v9 =	vld [tilespmem:s14+$0xEE30]  }
0x32a: {  	v62 =	vadd.f32 v28, v27;
	[tilespmem:s8+$0xEE00] =	vst v8;
	v8 =	vld [tilespmem:s14+$0xEE40]  }
0x32b: {  	v63 =	vadd.f32 v30, v29;
	[tilespmem:s17+$0xEE20] =	vst v61;
	v56 =	vld [tilespmem:s14+$0x13640]  }
0x32c: {  	v32 =	vadd.f32 v32, v31;
	[tilespmem:s17+$0xEE30] =	vst v62;
	v12 =	vld [tilespmem:s14+$0xEE60]  }
0x32d: {  	[tilespmem:s17+$0xEE40] =	vst v63;
	v14 =	vld [tilespmem:s14+$0x13660];
	v4 =	vadd.f32 v5, v4  }
0x32e: {  	v34 =	vadd.f32 v34, v33;
	[tilespmem:s17+$0xEE50] =	vst v32;
	v6 =	vadd.f32 v7, v6;
	v7 =	vld [tilespmem:s14+$0x13630]  }
0x32f: {  	v5 =	vld [tilespmem:s13+$0xEE70];
	[tilespmem:s13+$0xEE00] =	vst v4;
	v4 =	vadd.f32 v43, v42;
	v43 =	vadd.f32 v36, v35  }
0x330: {  	[tilespmem:s17+$0xEE60] =	vst v34;
	v10 =	vadd.f32 v11, v10;
	v11 =	vld [tilespmem:s13+$0x13670]  }
0x331: {  	s16 =	sor.u32 s21, s3;
	v42 =	vld [tilespmem:s14+$0x13620];
	[tilespmem:s17+$0xEE70] =	vst v43  }
0x332: {  	v3 =	vadd.f32 v47, v3;
	[tilespmem:s8+$0xEE10] =	vst v6;
	v47 =	vld [tilespmem:s16+$0x13600]  }
0x333: {  	v6 =	vadd.f32 v49, v48;
	[tilespmem:s13+$0xEE10] =	vst v10;
	v10 =	vadd.f32 v45, v44;
	v48 =	vld [tilespmem:s16+$0xEE10]  }
0x334: {  	[tilespmem:s13+$0xEE20] =	vst v4;
	v4 =	vadd.f32 v18, v17;
	v49 =	vld [tilespmem:s16+$0x13610]  }
0x335: {  	v7 =	vadd.f32 v7, v9;
	[tilespmem:s13+$0xEE30] =	vst v10;
	v10 =	vadd.f32 v20, v19;
	v9 =	vld [tilespmem:s16+$0x13640]  }
0x336: {  	v8 =	vadd.f32 v56, v8;
	v56 =	vld [tilespmem:s16+$0xEE50];
	[tilespmem:s13+$0xEE50] =	vst v4;
	v4 =	vadd.f32 v11, v5  }
0x337: {  	v11 =	vld [tilespmem:s8+$0x13640];
	v5 =	vadd.f32 v46, v16;
	[tilespmem:s13+$0xEE60] =	vst v10  }
0x338: {  	v10 =	vld [tilespmem:s8+$0xEE50];
	[tilespmem:s13+$0xEE70] =	vst v4  }
0x339: {  	s28 =	sor.u32 s11, s7;
	v46 =	vld [tilespmem:s16+$0xEE00];
	[tilespmem:s13+$0xEE40] =	vst v5  }
0x33a: {  	v4 =	vld [tilespmem:s28+$0xEE00]  }
0x33b: {  	v5 =	vld [tilespmem:s28+$0x13600]  }
0x33c: {  	[tilespmem:s8+$0xEE20] =	vst v3;
	v3 =	vadd.f32 v11, v50;
	v11 =	vld [tilespmem:s14+$0xEE50]  }
0x33d: {  	[tilespmem:s8+$0xEE30] =	vst v6;
	v6 =	vadd.f32 v51, v10;
	v10 =	vld [tilespmem:s14+$0x13650]  }
0x33e: {  	v50 =	vld [tilespmem:s16+$0xEE20]  }
0x33f: {  	v51 =	vld [tilespmem:s16+$0x13620]  }
0x340: {  	[tilespmem:s8+$0xEE40] =	vst v3;
	v3 =	vadd.f32 v53, v52;
	v52 =	vld [tilespmem:s16+$0xEE30]  }
0x341: {  	v53 =	vld [tilespmem:s16+$0x13630]  }
0x342: {  	[tilespmem:s8+$0xEE50] =	vst v6;
	v6 =	vadd.f32 v55, v54;
	v55 =	vld [tilespmem:s16+$0xEE40]  }
0x343: {  	[tilespmem:s8+$0xEE60] =	vst v3;
	v3 =	vld [tilespmem:s14+$0xEE70]  }
0x344: {  	s15 =	sor.u32 s0, s3;
	[tilespmem:s8+$0xEE70] =	vst v6;
	v6 =	vld [tilespmem:s14+$0x13670]  }
0x345: {  	v15 =	vld [tilespmem:s15+$0xEE00]  }
0x346: {  	v57 =	vld [tilespmem:s15+$0x13600]  }
0x347: {  	v58 =	vld [tilespmem:s15+$0xEE10]  }
0x348: {  	v59 =	vld [tilespmem:s15+$0x13610]  }
0x349: {  	v19 =	vld [tilespmem:s15+$0xEE20]  }
0x34a: {  	v60 =	vld [tilespmem:s15+$0x13620]  }
0x34b: {  	v22 =	vld [tilespmem:s15+$0xEE30]  }
0x34c: {  	v24 =	vld [tilespmem:s15+$0x13630]  }
0x34d: {  	v25 =	vld [tilespmem:s15+$0xEE40]  }
0x34e: {  	v26 =	vld [tilespmem:s15+$0x13640]  }
0x34f: {  	v27 =	vld [tilespmem:s15+$0xEE50]  }
0x350: {  	v37 =	vadd.f32 v38, v37;
	v28 =	vld [tilespmem:s15+$0x13650]  }
0x351: {  	v39 =	vadd.f32 v40, v39;
	v29 =	vld [tilespmem:s15+$0xEE60]  }
0x352: {  	[tilespmem:s14+$0xEE00] =	vst v37;
	v30 =	vld [tilespmem:s15+$0x13660]  }
0x353: {  	[tilespmem:s14+$0xEE10] =	vst v39;
	v44 =	vld [tilespmem:s15+$0xEE70]  }
0x354: {  	[tilespmem:s14+$0xEE40] =	vst v8;
	v8 =	vadd.f32 v14, v12;
	v45 =	vld [tilespmem:s15+$0x13670]  }
0x355: {  	[tilespmem:s14+$0xEE30] =	vst v7;
	v7 =	vadd.f32 v10, v11;
	v10 =	vld [tilespmem:s16+$0x13650]  }
0x356: {  	[tilespmem:s14+$0xEE60] =	vst v8;
	v54 =	vadd.f32 v42, v41;
	v11 =	vld [tilespmem:s16+$0xEE60]  }
0x357: {  	[tilespmem:s14+$0xEE50] =	vst v7;
	v7 =	vld [tilespmem:s16+$0xEE70];
	v3 =	vadd.f32 v6, v3  }
0x358: {  	[tilespmem:s14+$0xEE20] =	vst v54;
	v6 =	vld [tilespmem:s16+$0x13660]  }
0x359: {  	s3 =	sor.u32 s26, s3;
	[tilespmem:s14+$0xEE70] =	vst v3;
	v3 =	vld [tilespmem:s16+$0x13670]  }
0x35a: {  	v8 =	vadd.f32 v57, v15;
	v57 =	vld [tilespmem:s3+$0xEE00]  }
0x35b: {  	v58 =	vadd.f32 v59, v58;
	v59 =	vld [tilespmem:s3+$0x13600]  }
0x35c: {  	[tilespmem:s15+$0xEE00] =	vst v8;
	v8 =	vadd.f32 v60, v19;
	v60 =	vld [tilespmem:s3+$0xEE10]  }
0x35d: {  	v62 =	vld [tilespmem:s3+$0x13610]  }
0x35e: {  	v63 =	vld [tilespmem:s3+$0xEE20]  }
0x35f: {  	s19 =	simm.s32 $0x0;
	s25 =	simm.s32 $0x200;
	v39 =	vld [tilespmem:s3+$0x13620]  }
0x360: {  	s8 =	sor.u32 s0, s7;
	s0 =	sand.u32 $0x200, s25;
	s14 =	smul.u32 $0xC00, s19;
	v42 =	vld [tilespmem:s3+$0xEE30]  }
0x361: {  	s20 =	sor.u32 $0x180, s0;
	v43 =	vadd.f32 v45, v44;
	v44 =	vld [tilespmem:s3+$0x13630]  }
0x362: {  	v45 =	vld [tilespmem:s3+$0xEE40];
	s18 =	sor.u32 s14, s20  }
0x363: {  	v54 =	vld [tilespmem:s18+$0x13610]  }
0x364: {  	[tilespmem:s15+$0xEE10] =	vst v58;
	v58 =	vld [tilespmem:s18+$0x13630]  }
0x365: {  	v32 =	vld [tilespmem:s18+$0xEE60]  }
0x366: {  	v37 =	vadd.f32 v28, v27;
	v34 =	vld [tilespmem:s18+$0x13660]  }
0x367: {  	v35 =	vld [tilespmem:s18+$0xEE70]  }
0x368: {  	s11 =	sor.u32 s21, s7;
	[tilespmem:s15+$0xEE50] =	vst v37;
	s21 =	sor.u32 s0, s14;
	v37 =	vld [tilespmem:s18+$0x13670]  }
0x369: {  	v17 =	vld [tilespmem:s21+$0xEE00]  }
0x36a: {  	v13 =	vld [tilespmem:s21+$0x13600]  }
0x36b: {  	v15 =	vld [tilespmem:s21+$0xEE10]  }
0x36c: {  	v23 =	vld [tilespmem:s21+$0xEE30]  }
0x36d: {  	[tilespmem:s15+$0xEE20] =	vst v8;
	v8 =	vadd.f32 v26, v25;
	v26 =	vld [tilespmem:s21+$0xEE40]  }
0x36e: {  	v18 =	vld [tilespmem:s21+$0x13640]  }
0x36f: {  	v25 =	vld [tilespmem:s21+$0xEE60]  }
0x370: {  	v27 =	vld [tilespmem:s21+$0x13660]  }
0x371: {  	v61 =	vadd.f32 v24, v22;
	v3 =	vadd.f32 v3, v7;
	v7 =	vld [tilespmem:s3+$0x13670]  }
0x372: {  	[tilespmem:s15+$0xEE40] =	vst v8;
	v8 =	vadd.f32 v30, v29;
	v30 =	vld [tilespmem:s18+$0x13650]  }
0x373: {  	[tilespmem:s15+$0xEE30] =	vst v61;
	v12 =	vadd.f32 v59, v57;
	v57 =	vld [tilespmem:s18+$0xEE30]  }
0x374: {  	[tilespmem:s15+$0xEE70] =	vst v43;
	v16 =	vadd.f32 v62, v60;
	v60 =	vld [tilespmem:s18+$0xEE40]  }
0x375: {  	v62 =	vld [tilespmem:s18+$0xEE50];
	[tilespmem:s15+$0xEE60] =	vst v8  }
0x376: {  	v59 =	vadd.f32 v39, v63;
	v39 =	vld [tilespmem:s18+$0x13640];
	v8 =	vadd.f32 v47, v46;
	[tilespmem:s16+$0xEE70] =	vst v3  }
0x377: {  	v46 =	vadd.f32 v49, v48;
	v47 =	vld [tilespmem:s3+$0x13640];
	[tilespmem:s3+$0xEE00] =	vst v12  }
0x378: {  	v48 =	vld [tilespmem:s3+$0xEE50];
	v49 =	vadd.f32 v53, v52;
	[tilespmem:s16+$0xEE00] =	vst v8  }
0x379: {  	v61 =	vadd.f32 v44, v42;
	v52 =	vld [tilespmem:s3+$0x13660];
	v42 =	vadd.f32 v34, v32;
	[tilespmem:s16+$0xEE10] =	vst v46  }
0x37a: {  	v3 =	vld [tilespmem:s18+$0xEE00];
	v8 =	vadd.f32 v51, v50;
	[tilespmem:s16+$0xEE30] =	vst v49  }
0x37b: {  	v53 =	vld [tilespmem:s18+$0xEE10];
	v14 =	vadd.f32 v37, v35;
	[tilespmem:s18+$0xEE60] =	vst v42  }
0x37c: {  	v12 =	vld [tilespmem:s21+$0x13610];
	[tilespmem:s16+$0xEE20] =	vst v8;
	v8 =	vadd.f32 v9, v55  }
0x37d: {  	v50 =	vld [tilespmem:s3+$0x13650];
	[tilespmem:s18+$0xEE70] =	vst v14;
	v9 =	vadd.f32 v10, v56  }
0x37e: {  	v55 =	vld [tilespmem:s18+$0xEE20];
	v40 =	vadd.f32 v58, v57;
	[tilespmem:s16+$0xEE40] =	vst v8  }
0x37f: {  	v56 =	vld [tilespmem:s18+$0x13620];
	v41 =	vadd.f32 v30, v62;
	[tilespmem:s16+$0xEE50] =	vst v9  }
0x380: {  	v43 =	vadd.f32 v39, v60;
	v8 =	vadd.f32 v6, v11;
	v11 =	vld [tilespmem:s18+$0x13600];
	[tilespmem:s18+$0xEE30] =	vst v40  }
0x381: {  	v51 =	vld [tilespmem:s3+$0xEE60];
	v63 =	vadd.f32 v47, v45;
	[tilespmem:s18+$0xEE50] =	vst v41  }
0x382: {  	v14 =	vld [tilespmem:s21+$0xEE20];
	v36 =	vadd.f32 v54, v53;
	[tilespmem:s18+$0xEE40] =	vst v43  }
0x383: {  	v10 =	vld [tilespmem:s8+$0x13600];
	[tilespmem:s3+$0xEE40] =	vst v63  }
0x384: {  	v6 =	vld [tilespmem:s3+$0xEE70];
	[tilespmem:s18+$0xEE10] =	vst v36;
	v38 =	vadd.f32 v56, v55  }
0x385: {  	v63 =	vld [tilespmem:s21+$0x13630];
	[tilespmem:s16+$0xEE60] =	vst v8;
	v3 =	vadd.f32 v11, v3  }
0x386: {  	s15 =	sadd.s32 $0x400, s14;
	v8 =	vld [tilespmem:s8+$0xEE00];
	[tilespmem:s18+$0xEE20] =	vst v38  }
0x387: {  	s19 =	sor.u32 s20, s15;
	v9 =	vld [tilespmem:s11+$0xEE00];
	[tilespmem:s18+$0xEE00] =	vst v3  }
0x388: {  	[tilespmem:s3+$0xEE10] =	vst v16;
	v16 =	vld [tilespmem:s19+$0xEE00]  }
0x389: {  	v44 =	vld [tilespmem:s19+$0x13600]  }
0x38a: {  	v45 =	vld [tilespmem:s19+$0xEE10]  }
0x38b: {  	v46 =	vld [tilespmem:s19+$0x13610]  }
0x38c: {  	v47 =	vld [tilespmem:s19+$0xEE20]  }
0x38d: {  	v22 =	vld [tilespmem:s19+$0x13620]  }
0x38e: {  	v31 =	vadd.f32 v50, v48;
	v48 =	vld [tilespmem:s19+$0xEE30]  }
0x38f: {  	v49 =	vld [tilespmem:s19+$0x13630]  }
0x390: {  	v50 =	vld [tilespmem:s19+$0xEE40]  }
0x391: {  	v53 =	vld [tilespmem:s19+$0xEE50]  }
0x392: {  	v54 =	vld [tilespmem:s19+$0x13650]  }
0x393: {  	[tilespmem:s3+$0xEE20] =	vst v59;
	v55 =	vld [tilespmem:s19+$0xEE60]  }
0x394: {  	[tilespmem:s3+$0xEE30] =	vst v61;
	v33 =	vadd.f32 v52, v51;
	v56 =	vld [tilespmem:s19+$0x13660]  }
0x395: {  	[tilespmem:s3+$0xEE50] =	vst v31;
	v57 =	vld [tilespmem:s19+$0xEE70];
	v16 =	vadd.f32 v44, v16  }
0x396: {  	[tilespmem:s3+$0xEE60] =	vst v33;
	v58 =	vld [tilespmem:s19+$0x13670];
	v19 =	vadd.f32 v46, v45  }
0x397: {  	v60 =	vld [tilespmem:s19+$0x13640];
	v59 =	vadd.f32 v22, v47;
	[tilespmem:s19+$0xEE00] =	vst v16  }
0x398: {  	s26 =	sor.u32 s26, s7;
	v11 =	vld [tilespmem:s11+$0x13600];
	v61 =	vadd.f32 v49, v48;
	[tilespmem:s19+$0xEE10] =	vst v19  }
0x399: {  	v3 =	vld [tilespmem:s26+$0xEE00];
	v62 =	vadd.f32 v54, v53;
	[tilespmem:s19+$0xEE20] =	vst v59  }
0x39a: {  	v22 =	vld [tilespmem:s21+$0x13620];
	v51 =	vadd.f32 v56, v55;
	[tilespmem:s19+$0xEE30] =	vst v61  }
0x39b: {  	v52 =	vadd.f32 v58, v57;
	v54 =	vld [tilespmem:s21+$0xEE70];
	[tilespmem:s19+$0xEE50] =	vst v62  }
0x39c: {  	v53 =	vadd.f32 v60, v50;
	v55 =	vld [tilespmem:s21+$0x13670];
	[tilespmem:s19+$0xEE60] =	vst v51  }
0x39d: {  	s7 =	sadd.s32 $0x800, s14;
	v19 =	vld [tilespmem:s21+$0xEE50];
	[tilespmem:s19+$0xEE70] =	vst v52  }
0x39e: {  	s17 =	sor.u32 s20, s7;
	v16 =	vld [tilespmem:s21+$0x13650];
	[tilespmem:s19+$0xEE40] =	vst v53  }
0x39f: {  	s13 =	sor.u32 $0x80, s0;
	v20 =	vld [tilespmem:s17+$0xEE00]  }
0x3a0: {  	s19 =	sor.u32 s14, s13;
	v21 =	vld [tilespmem:s17+$0x13600]  }
0x3a1: {  	v30 =	vld [tilespmem:s19+$0xEE00]  }
0x3a2: {  	v31 =	vld [tilespmem:s19+$0x13600]  }
0x3a3: {  	v32 =	vld [tilespmem:s19+$0xEE10]  }
0x3a4: {  	v33 =	vld [tilespmem:s19+$0x13610]  }
0x3a5: {  	v34 =	vld [tilespmem:s19+$0xEE20]  }
0x3a6: {  	v56 =	vld [tilespmem:s19+$0x13620]  }
0x3a7: {  	v57 =	vld [tilespmem:s19+$0xEE30]  }
0x3a8: {  	v58 =	vld [tilespmem:s19+$0x13630]  }
0x3a9: {  	v59 =	vld [tilespmem:s19+$0xEE40]  }
0x3aa: {  	v60 =	vld [tilespmem:s19+$0x13640]  }
0x3ab: {  	v40 =	vld [tilespmem:s19+$0xEE50]  }
0x3ac: {  	v61 =	vld [tilespmem:s19+$0x13650]  }
0x3ad: {  	v42 =	vld [tilespmem:s19+$0xEE60]  }
0x3ae: {  	v43 =	vld [tilespmem:s19+$0x13660]  }
0x3af: {  	s30 =	sor.u32 $0x100, s0;
	v44 =	vld [tilespmem:s19+$0xEE70]  }
0x3b0: {  	s14 =	sor.u32 s14, s30;
	v45 =	vld [tilespmem:s19+$0x13670]  }
0x3b1: {  	v46 =	vld [tilespmem:s14+$0xEE00]  }
0x3b2: {  	v47 =	vld [tilespmem:s14+$0x13600]  }
0x3b3: {  	v48 =	vld [tilespmem:s14+$0xEE10]  }
0x3b4: {  	v49 =	vld [tilespmem:s14+$0x13610]  }
0x3b5: {  	v50 =	vld [tilespmem:s14+$0xEE20]  }
0x3b6: {  	v51 =	vld [tilespmem:s14+$0x13620]  }
0x3b7: {  	v13 =	vadd.f32 v13, v17;
	v17 =	vld [tilespmem:s14+$0xEE30]  }
0x3b8: {  	v24 =	vadd.f32 v18, v26;
	v12 =	vadd.f32 v12, v15;
	v15 =	vld [tilespmem:s14+$0x13630]  }
0x3b9: {  	v27 =	vadd.f32 v27, v25;
	[tilespmem:s21+$0xEE00] =	vst v13;
	v18 =	vld [tilespmem:s14+$0xEE50]  }
0x3ba: {  	[tilespmem:s21+$0xEE40] =	vst v24;
	v52 =	vld [tilespmem:s14+$0x13660]  }
0x3bb: {  	[tilespmem:s21+$0xEE60] =	vst v27;
	v63 =	vadd.f32 v63, v23;
	v13 =	vld [tilespmem:s14+$0xEE70]  }
0x3bc: {  	[tilespmem:s21+$0xEE10] =	vst v12;
	v53 =	vld [tilespmem:s14+$0x13670];
	v62 =	vadd.f32 v22, v14  }
0x3bd: {  	[tilespmem:s21+$0xEE30] =	vst v63;
	v14 =	vld [tilespmem:s14+$0xEE40];
	v29 =	vadd.f32 v55, v54  }
0x3be: {  	v22 =	vld [tilespmem:s14+$0x13640];
	[tilespmem:s21+$0xEE20] =	vst v62;
	v26 =	vadd.f32 v16, v19  }
0x3bf: {  	v16 =	vld [tilespmem:s14+$0x13650];
	[tilespmem:s21+$0xEE70] =	vst v29  }
0x3c0: {  	s20 =	sor.u32 s0, s15;
	v19 =	vld [tilespmem:s14+$0xEE60];
	[tilespmem:s21+$0xEE50] =	vst v26  }
0x3c1: {  	v24 =	vld [tilespmem:s20+$0xEE00]  }
0x3c2: {  	v54 =	vld [tilespmem:s20+$0x13600]  }
0x3c3: {  	v26 =	vld [tilespmem:s20+$0xEE10]  }
0x3c4: {  	v55 =	vld [tilespmem:s20+$0x13610]  }
0x3c5: {  	v28 =	vld [tilespmem:s20+$0xEE20]  }
0x3c6: {  	v4 =	vsub.f32 v4, v5;
	v29 =	vld [tilespmem:s20+$0x13620]  }
0x3c7: {  	v30 =	vadd.f32 v31, v30;
	v31 =	vld [tilespmem:s20+$0xEE30]  }
0x3c8: {  	[tilespmem:s28+$0xEE00] =	vst v4;
	v32 =	vadd.f32 v33, v32;
	v33 =	vld [tilespmem:s20+$0x13630]  }
0x3c9: {  	v56 =	vadd.f32 v56, v34;
	[tilespmem:s19+$0xEE00] =	vst v30;
	v34 =	vld [tilespmem:s20+$0xEE40]  }
0x3ca: {  	v57 =	vadd.f32 v58, v57;
	[tilespmem:s19+$0xEE10] =	vst v32;
	v58 =	vld [tilespmem:s20+$0x13640]  }
0x3cb: {  	v59 =	vadd.f32 v60, v59;
	[tilespmem:s19+$0xEE20] =	vst v56;
	v60 =	vld [tilespmem:s20+$0xEE50]  }
0x3cc: {  	v61 =	vadd.f32 v61, v40;
	[tilespmem:s19+$0xEE30] =	vst v57;
	v62 =	vld [tilespmem:s20+$0x13650]  }
0x3cd: {  	v63 =	vadd.f32 v43, v42;
	[tilespmem:s19+$0xEE40] =	vst v59;
	v42 =	vld [tilespmem:s20+$0xEE60]  }
0x3ce: {  	v43 =	vadd.f32 v45, v44;
	[tilespmem:s19+$0xEE50] =	vst v61;
	v44 =	vld [tilespmem:s20+$0x13660]  }
0x3cf: {  	v6 =	vadd.f32 v7, v6;
	[tilespmem:s19+$0xEE60] =	vst v63;
	v45 =	vld [tilespmem:s20+$0xEE70]  }
0x3d0: {  	v4 =	vsub.f32 v8, v10;
	s21 =	sor.u32 s13, s15;
	[tilespmem:s19+$0xEE70] =	vst v43;
	v5 =	vld [tilespmem:s20+$0x13670]  }
0x3d1: {  	[tilespmem:s3+$0xEE70] =	vst v6;
	v6 =	vsub.f32 v9, v11;
	v7 =	vld [tilespmem:s21+$0xEE00]  }
0x3d2: {  	[tilespmem:s8+$0xEE00] =	vst v4;
	v4 =	vsub.f32 v20, v21;
	v8 =	vld [tilespmem:s21+$0x13600]  }
0x3d3: {  	[tilespmem:s11+$0xEE00] =	vst v6;
	v6 =	vadd.f32 v47, v46;
	v9 =	vld [tilespmem:s21+$0xEE10]  }
0x3d4: {  	[tilespmem:s17+$0xEE00] =	vst v4;
	v4 =	vadd.f32 v49, v48;
	v10 =	vld [tilespmem:s21+$0x13610]  }
0x3d5: {  	[tilespmem:s14+$0xEE00] =	vst v6;
	v6 =	vadd.f32 v51, v50;
	v11 =	vld [tilespmem:s21+$0xEE20]  }
0x3d6: {  	v47 =	vld [tilespmem:s21+$0x13620];
	[tilespmem:s14+$0xEE10] =	vst v4;
	v4 =	vadd.f32 v15, v17  }
0x3d7: {  	v48 =	vld [tilespmem:s21+$0xEE30];
	[tilespmem:s14+$0xEE20] =	vst v6;
	v6 =	vadd.f32 v22, v14  }
0x3d8: {  	v49 =	vld [tilespmem:s21+$0x13630];
	[tilespmem:s14+$0xEE30] =	vst v4;
	v4 =	vadd.f32 v16, v18  }
0x3d9: {  	v50 =	vld [tilespmem:s21+$0xEE40];
	[tilespmem:s14+$0xEE40] =	vst v6;
	v6 =	vadd.f32 v52, v19  }
0x3da: {  	v51 =	vld [tilespmem:s21+$0x13640];
	[tilespmem:s14+$0xEE50] =	vst v4;
	v4 =	vadd.f32 v53, v13  }
0x3db: {  	v52 =	vld [tilespmem:s21+$0xEE50];
	[tilespmem:s14+$0xEE60] =	vst v6;
	v6 =	vadd.f32 v54, v24  }
0x3dc: {  	s28 =	sor.u32 s30, s15;
	v53 =	vld [tilespmem:s21+$0x13650];
	[tilespmem:s14+$0xEE70] =	vst v4;
	v4 =	vadd.f32 v55, v26  }
0x3dd: {  	[tilespmem:s20+$0xEE00] =	vst v6;
	v6 =	vadd.f32 v29, v28;
	v56 =	vld [tilespmem:s28+$0xEE00]  }
0x3de: {  	v57 =	vld [tilespmem:s28+$0x13600];
	[tilespmem:s20+$0xEE10] =	vst v4;
	v4 =	vadd.f32 v33, v31  }
0x3df: {  	v54 =	vld [tilespmem:s21+$0xEE60];
	[tilespmem:s20+$0xEE20] =	vst v6;
	v6 =	vadd.f32 v58, v34  }
0x3e0: {  	v55 =	vld [tilespmem:s21+$0x13660];
	[tilespmem:s20+$0xEE30] =	vst v4;
	v4 =	vadd.f32 v62, v60  }
0x3e1: {  	v59 =	vld [tilespmem:s28+$0x13610];
	[tilespmem:s20+$0xEE40] =	vst v6;
	v6 =	vadd.f32 v44, v42  }
0x3e2: {  	v58 =	vld [tilespmem:s28+$0xEE10];
	[tilespmem:s20+$0xEE50] =	vst v4;
	v4 =	vadd.f32 v5, v45  }
0x3e3: {  	v61 =	vld [tilespmem:s28+$0xEE30];
	[tilespmem:s20+$0xEE60] =	vst v6;
	v6 =	vadd.f32 v57, v56  }
0x3e4: {  	v60 =	vld [tilespmem:s28+$0xEE20];
	[tilespmem:s20+$0xEE70] =	vst v4;
	v4 =	vadd.f32 v8, v7  }
0x3e5: {  	v5 =	vld [tilespmem:s28+$0x13620];
	v8 =	vadd.f32 v10, v9;
	[tilespmem:s28+$0xEE00] =	vst v6  }
0x3e6: {  	v7 =	vld [tilespmem:s28+$0x13630];
	v6 =	vadd.f32 v47, v11;
	[tilespmem:s21+$0xEE00] =	vst v4  }
0x3e7: {  	v9 =	vld [tilespmem:s21+$0xEE70];
	v4 =	vadd.f32 v59, v58;
	[tilespmem:s21+$0xEE10] =	vst v8  }
0x3e8: {  	v10 =	vld [tilespmem:s28+$0xEE40];
	v8 =	vadd.f32 v49, v48;
	[tilespmem:s21+$0xEE20] =	vst v6  }
0x3e9: {  	v6 =	vadd.f32 v51, v50;
	[tilespmem:s28+$0xEE10] =	vst v4;
	v4 =	vld [tilespmem:s21+$0x13670]  }
0x3ea: {  	v11 =	vld [tilespmem:s28+$0x13640];
	v5 =	vadd.f32 v5, v60;
	[tilespmem:s21+$0xEE30] =	vst v8  }
0x3eb: {  	v63 =	vld [tilespmem:s28+$0x13650];
	v8 =	vadd.f32 v53, v52;
	[tilespmem:s21+$0xEE40] =	vst v6  }
0x3ec: {  	v62 =	vld [tilespmem:s28+$0xEE50];
	[tilespmem:s28+$0xEE20] =	vst v5;
	v5 =	vadd.f32 v7, v61  }
0x3ed: {  	v6 =	vld [tilespmem:s28+$0xEE60];
	v7 =	vadd.f32 v55, v54;
	[tilespmem:s21+$0xEE50] =	vst v8  }
0x3ee: {  	v8 =	vld [tilespmem:s28+$0x13660];
	[tilespmem:s28+$0xEE30] =	vst v5;
	v4 =	vadd.f32 v4, v9  }
0x3ef: {  	[tilespmem:s21+$0xEE60] =	vst v7;
	v5 =	vld [tilespmem:s28+$0xEE70];
	v9 =	vadd.f32 v11, v10  }
0x3f0: {  	s31 =	sor.u32 s0, s7;
	v7 =	vld [tilespmem:s28+$0x13670];
	[tilespmem:s21+$0xEE70] =	vst v4  }
0x3f1: {  	s29 =	simm.s32 $0x4;
	s3 =	sor.u32 s13, s7;
	s30 =	sor.u32 s30, s7;
	v4 =	vld [tilespmem:s31+$0xEE00];
	[tilespmem:s28+$0xEE40] =	vst v9;
	v9 =	vadd.f32 v63, v62  }
.LBB2_7:
0x3f2: {  	s29 =	sadd.s32 $0x4, s29;
	v10 =	vld [tilespmem:s31+$0x13600]  }
0x3f3: {  	s25 =	sadd.s32 $0x200, s25;
	s0 =	sshrl.u32 s29, $0x3;
	p0 =	slt.u32 s29, $0x2C;
	v11 =	vld [tilespmem:s3+$0xEE00];
	[tilespmem:s28+$0xEE50] =	vst v9;
	v6 =	vadd.f32 v8, v6  }
0x3f4: {  	s17 =	sand.u32 $0x200, s25;
	s18 =	smul.u32 $0xC00, s0;
	v8 =	vld [tilespmem:s3+$0x13600]  }
0x3f5: {  	s14 =	sor.u32 $0x80, s17;
	s15 =	sor.u32 $0x100, s17;
	s16 =	sor.u32 $0x180, s17;
	[tilespmem:s28+$0xEE60] =	vst v6;
	v5 =	vadd.f32 v7, v5;
	v6 =	vld [tilespmem:s30+$0xEE00]  }
0x3f6: {  	s13 =	sor.u32 s17, s18;
	s7 =	sor.u32 s18, s14;
	s19 =	sor.u32 s18, s16;
	v7 =	vld [tilespmem:s26+$0x13600]  }
0x3f7: {  	s8 =	sor.u32 s18, s15;
	v9 =	vld [tilespmem:s19+$0xEE00];
	v4 =	vsub.f32 v4, v10;
	[tilespmem:s28+$0xEE70] =	vst v5  }
0x3f8: {  	v5 =	vld [tilespmem:s19+$0x13600]  }
0x3f9: {  	v10 =	vld [tilespmem:s19+$0xEE10];
	[tilespmem:s31+$0xEE00] =	vst v4;
	v4 =	vsub.f32 v11, v8  }
0x3fa: {  	v8 =	vld [tilespmem:s19+$0x13610]  }
0x3fb: {  	v11 =	vld [tilespmem:s19+$0xEE20];
	[tilespmem:s3+$0xEE00] =	vst v4;
	v4 =	vsub.f32 v3, v7;
	v3 =	vmov v6  }
0x3fc: {  	v6 =	vld [tilespmem:s19+$0x13620]  }
0x3fd: {  	v7 =	vld [tilespmem:s19+$0xEE30];
	[tilespmem:s26+$0xEE00] =	vst v4;
	s26 =	smov.u32 s30  }
0x3fe: {  	v4 =	vld [tilespmem:s19+$0x13630]  }
0x3ff: {  	v12 =	vld [tilespmem:s19+$0xEE40]  }
0x400: {  	v13 =	vld [tilespmem:s19+$0xEE50]  }
0x401: {  	v14 =	vld [tilespmem:s19+$0x13650]  }
0x402: {  	v15 =	vld [tilespmem:s19+$0xEE60]  }
0x403: {  	v16 =	vld [tilespmem:s19+$0x13660]  }
0x404: {  	v5 =	vadd.f32 v5, v9;
	v9 =	vld [tilespmem:s19+$0xEE70]  }
0x405: {  	v8 =	vadd.f32 v8, v10;
	v10 =	vld [tilespmem:s19+$0x13670]  }
0x406: {  	[tilespmem:s19+$0xEE00] =	vst v5;
	v5 =	vadd.f32 v6, v11;
	v6 =	vld [tilespmem:s19+$0x13640]  }
0x407: {  	v4 =	vadd.f32 v4, v7;
	v11 =	vld [tilespmem:s13+$0xEE00];
	[tilespmem:s19+$0xEE10] =	vst v8  }
0x408: {  	v7 =	vld [tilespmem:s13+$0x13600];
	[tilespmem:s19+$0xEE20] =	vst v5;
	v5 =	vadd.f32 v14, v13  }
0x409: {  	v8 =	vld [tilespmem:s13+$0xEE10];
	[tilespmem:s19+$0xEE30] =	vst v4;
	v4 =	vadd.f32 v16, v15  }
0x40a: {  	v13 =	vld [tilespmem:s13+$0x13610];
	[tilespmem:s19+$0xEE50] =	vst v5;
	v5 =	vadd.f32 v10, v9  }
0x40b: {  	s3 =	sadd.s32 $0x400, s18;
	v9 =	vld [tilespmem:s13+$0xEE20];
	v6 =	vadd.f32 v6, v12;
	[tilespmem:s19+$0xEE60] =	vst v4  }
0x40c: {  	s11 =	sor.u32 s17, s3;
	s0 =	sor.u32 s14, s3;
	s20 =	sor.u32 s16, s3;
	v4 =	vld [tilespmem:s13+$0x13620];
	[tilespmem:s19+$0xEE70] =	vst v5  }
0x40d: {  	s28 =	sor.u32 s15, s3;
	v5 =	vadd.f32 v7, v11;
	[tilespmem:s19+$0xEE40] =	vst v6;
	v6 =	vld [tilespmem:s20+$0xEE00]  }
0x40e: {  	v7 =	vld [tilespmem:s20+$0x13600]  }
0x40f: {  	[tilespmem:s13+$0xEE00] =	vst v5;
	v5 =	vadd.f32 v13, v8;
	v8 =	vld [tilespmem:s20+$0xEE10]  }
0x410: {  	v10 =	vld [tilespmem:s20+$0x13610]  }
0x411: {  	[tilespmem:s13+$0xEE10] =	vst v5;
	v4 =	vadd.f32 v4, v9;
	v5 =	vld [tilespmem:s20+$0xEE20]  }
0x412: {  	v9 =	vld [tilespmem:s20+$0x13620]  }
0x413: {  	[tilespmem:s13+$0xEE20] =	vst v4;
	v4 =	vld [tilespmem:s20+$0xEE30]  }
0x414: {  	v11 =	vld [tilespmem:s20+$0x13630]  }
0x415: {  	v12 =	vld [tilespmem:s20+$0xEE40]  }
0x416: {  	v13 =	vld [tilespmem:s20+$0xEE50]  }
0x417: {  	v14 =	vld [tilespmem:s20+$0x13650]  }
0x418: {  	v15 =	vld [tilespmem:s20+$0xEE60]  }
0x419: {  	v16 =	vld [tilespmem:s20+$0x13660]  }
0x41a: {  	v6 =	vadd.f32 v7, v6;
	v7 =	vld [tilespmem:s20+$0xEE70]  }
0x41b: {  	v8 =	vadd.f32 v10, v8;
	v10 =	vld [tilespmem:s20+$0x13670]  }
0x41c: {  	v5 =	vadd.f32 v9, v5;
	[tilespmem:s20+$0xEE00] =	vst v6;
	v6 =	vld [tilespmem:s20+$0x13640]  }
0x41d: {  	v4 =	vadd.f32 v11, v4;
	v9 =	vld [tilespmem:s13+$0xEE30];
	[tilespmem:s20+$0xEE10] =	vst v8  }
0x41e: {  	v8 =	vld [tilespmem:s13+$0x13630];
	[tilespmem:s20+$0xEE20] =	vst v5;
	v5 =	vadd.f32 v14, v13  }
0x41f: {  	v11 =	vld [tilespmem:s13+$0xEE40];
	[tilespmem:s20+$0xEE30] =	vst v4;
	v4 =	vadd.f32 v16, v15  }
0x420: {  	v13 =	vld [tilespmem:s13+$0x13640];
	[tilespmem:s20+$0xEE50] =	vst v5;
	v5 =	vadd.f32 v10, v7  }
0x421: {  	s18 =	sadd.s32 $0x800, s18;
	v7 =	vld [tilespmem:s13+$0xEE50];
	v6 =	vadd.f32 v6, v12;
	[tilespmem:s20+$0xEE60] =	vst v4  }
0x422: {  	s31 =	sor.u32 s17, s18;
	s3 =	sor.u32 s14, s18;
	s14 =	sor.u32 s16, s18;
	v4 =	vld [tilespmem:s13+$0x13650];
	[tilespmem:s20+$0xEE70] =	vst v5  }
0x423: {  	s30 =	sor.u32 s15, s18;
	v5 =	vadd.f32 v8, v9;
	[tilespmem:s20+$0xEE40] =	vst v6;
	v6 =	vld [tilespmem:s14+$0xEE00]  }
0x424: {  	v8 =	vld [tilespmem:s14+$0x13600]  }
0x425: {  	[tilespmem:s13+$0xEE30] =	vst v5;
	v5 =	vadd.f32 v13, v11;
	v9 =	vld [tilespmem:s13+$0xEE60]  }
0x426: {  	v10 =	vld [tilespmem:s13+$0x13660]  }
0x427: {  	[tilespmem:s13+$0xEE40] =	vst v5;
	v4 =	vadd.f32 v4, v7;
	v5 =	vld [tilespmem:s13+$0xEE70]  }
0x428: {  	v7 =	vld [tilespmem:s13+$0x13670]  }
0x429: {  	[tilespmem:s13+$0xEE50] =	vst v4;
	v4 =	vld [tilespmem:s7+$0xEE00];
	v6 =	vsub.f32 v6, v8  }
0x42a: {  	v8 =	vld [tilespmem:s7+$0x13600]  }
0x42b: {  	v9 =	vadd.f32 v10, v9;
	v10 =	vld [tilespmem:s7+$0xEE10];
	[tilespmem:s14+$0xEE00] =	vst v6  }
0x42c: {  	v6 =	vld [tilespmem:s7+$0x13610]  }
0x42d: {  	[tilespmem:s13+$0xEE60] =	vst v9;
	v5 =	vadd.f32 v7, v5;
	v7 =	vld [tilespmem:s7+$0xEE20]  }
0x42e: {  	v9 =	vld [tilespmem:s7+$0x13620]  }
0x42f: {  	[tilespmem:s13+$0xEE70] =	vst v5;
	v4 =	vadd.f32 v8, v4;
	v5 =	vld [tilespmem:s7+$0xEE30]  }
0x430: {  	v8 =	vld [tilespmem:s7+$0x13630]  }
0x431: {  	[tilespmem:s7+$0xEE00] =	vst v4;
	v4 =	vadd.f32 v6, v10;
	v6 =	vld [tilespmem:s7+$0xEE40]  }
0x432: {  	v10 =	vld [tilespmem:s7+$0x13640]  }
0x433: {  	[tilespmem:s7+$0xEE10] =	vst v4;
	v4 =	vadd.f32 v9, v7;
	v7 =	vld [tilespmem:s7+$0xEE50]  }
0x434: {  	v9 =	vld [tilespmem:s7+$0x13650]  }
0x435: {  	[tilespmem:s7+$0xEE20] =	vst v4;
	v4 =	vadd.f32 v8, v5;
	v5 =	vld [tilespmem:s7+$0xEE60]  }
0x436: {  	v8 =	vld [tilespmem:s7+$0x13660]  }
0x437: {  	[tilespmem:s7+$0xEE30] =	vst v4;
	v4 =	vadd.f32 v10, v6;
	v6 =	vld [tilespmem:s7+$0xEE70]  }
0x438: {  	v10 =	vld [tilespmem:s7+$0x13670]  }
0x439: {  	[tilespmem:s7+$0xEE40] =	vst v4;
	v4 =	vadd.f32 v9, v7;
	v7 =	vld [tilespmem:s8+$0xEE00]  }
0x43a: {  	v9 =	vld [tilespmem:s8+$0x13600]  }
0x43b: {  	[tilespmem:s7+$0xEE50] =	vst v4;
	v4 =	vadd.f32 v8, v5;
	v5 =	vld [tilespmem:s8+$0xEE10]  }
0x43c: {  	v8 =	vld [tilespmem:s8+$0x13610]  }
0x43d: {  	[tilespmem:s7+$0xEE60] =	vst v4;
	v4 =	vadd.f32 v10, v6;
	v6 =	vld [tilespmem:s8+$0xEE20]  }
0x43e: {  	v10 =	vld [tilespmem:s8+$0x13620]  }
0x43f: {  	[tilespmem:s7+$0xEE70] =	vst v4;
	v4 =	vadd.f32 v9, v7;
	v7 =	vld [tilespmem:s8+$0xEE30]  }
0x440: {  	v9 =	vld [tilespmem:s8+$0x13630]  }
0x441: {  	[tilespmem:s8+$0xEE00] =	vst v4;
	v4 =	vadd.f32 v8, v5;
	v5 =	vld [tilespmem:s8+$0xEE40]  }
0x442: {  	v8 =	vld [tilespmem:s8+$0x13640]  }
0x443: {  	[tilespmem:s8+$0xEE10] =	vst v4;
	v4 =	vadd.f32 v10, v6;
	v6 =	vld [tilespmem:s8+$0xEE50]  }
0x444: {  	v10 =	vld [tilespmem:s8+$0x13650]  }
0x445: {  	[tilespmem:s8+$0xEE20] =	vst v4;
	v4 =	vadd.f32 v9, v7;
	v7 =	vld [tilespmem:s8+$0xEE60]  }
0x446: {  	v9 =	vld [tilespmem:s8+$0x13660]  }
0x447: {  	[tilespmem:s8+$0xEE30] =	vst v4;
	v4 =	vadd.f32 v8, v5;
	v5 =	vld [tilespmem:s8+$0xEE70]  }
0x448: {  	v8 =	vld [tilespmem:s8+$0x13670]  }
0x449: {  	v11 =	vld [tilespmem:s11+$0xEE00];
	[tilespmem:s8+$0xEE40] =	vst v4;
	v4 =	vadd.f32 v10, v6  }
0x44a: {  	v6 =	vld [tilespmem:s11+$0x13600]  }
0x44b: {  	v10 =	vld [tilespmem:s11+$0xEE10];
	[tilespmem:s8+$0xEE50] =	vst v4;
	v4 =	vadd.f32 v9, v7  }
0x44c: {  	v7 =	vld [tilespmem:s11+$0x13610]  }
0x44d: {  	v9 =	vld [tilespmem:s11+$0xEE20];
	[tilespmem:s8+$0xEE60] =	vst v4;
	v4 =	vadd.f32 v8, v5  }
0x44e: {  	v5 =	vld [tilespmem:s11+$0x13620]  }
0x44f: {  	v6 =	vadd.f32 v6, v11;
	v8 =	vld [tilespmem:s11+$0xEE30];
	[tilespmem:s8+$0xEE70] =	vst v4  }
0x450: {  	v4 =	vld [tilespmem:s11+$0x13630]  }
0x451: {  	[tilespmem:s11+$0xEE00] =	vst v6;
	v6 =	vadd.f32 v7, v10;
	v7 =	vld [tilespmem:s11+$0xEE40]  }
0x452: {  	v10 =	vld [tilespmem:s11+$0x13640]  }
0x453: {  	[tilespmem:s11+$0xEE10] =	vst v6;
	v5 =	vadd.f32 v5, v9;
	v6 =	vld [tilespmem:s11+$0xEE50]  }
0x454: {  	v9 =	vld [tilespmem:s11+$0x13650]  }
0x455: {  	[tilespmem:s11+$0xEE20] =	vst v5;
	v4 =	vadd.f32 v4, v8;
	v5 =	vld [tilespmem:s11+$0xEE60]  }
0x456: {  	v8 =	vld [tilespmem:s11+$0x13660]  }
0x457: {  	[tilespmem:s11+$0xEE30] =	vst v4;
	v4 =	vadd.f32 v10, v7;
	v7 =	vld [tilespmem:s11+$0xEE70]  }
0x458: {  	v10 =	vld [tilespmem:s11+$0x13670]  }
0x459: {  	[tilespmem:s11+$0xEE40] =	vst v4;
	v4 =	vadd.f32 v9, v6;
	v6 =	vld [tilespmem:s0+$0xEE00]  }
0x45a: {  	v9 =	vld [tilespmem:s0+$0x13600]  }
0x45b: {  	[tilespmem:s11+$0xEE50] =	vst v4;
	v4 =	vadd.f32 v8, v5;
	v5 =	vld [tilespmem:s0+$0xEE10]  }
0x45c: {  	v8 =	vld [tilespmem:s0+$0x13610]  }
0x45d: {  	[tilespmem:s11+$0xEE60] =	vst v4;
	v4 =	vadd.f32 v10, v7;
	v7 =	vld [tilespmem:s0+$0xEE20]  }
0x45e: {  	v10 =	vld [tilespmem:s0+$0x13620]  }
0x45f: {  	[tilespmem:s11+$0xEE70] =	vst v4;
	v4 =	vadd.f32 v9, v6;
	v6 =	vld [tilespmem:s0+$0xEE30]  }
0x460: {  	v9 =	vld [tilespmem:s0+$0x13630]  }
0x461: {  	[tilespmem:s0+$0xEE00] =	vst v4;
	v4 =	vadd.f32 v8, v5;
	v5 =	vld [tilespmem:s0+$0xEE40]  }
0x462: {  	v8 =	vld [tilespmem:s0+$0x13640]  }
0x463: {  	[tilespmem:s0+$0xEE10] =	vst v4;
	v4 =	vadd.f32 v10, v7;
	v7 =	vld [tilespmem:s0+$0xEE50]  }
0x464: {  	v10 =	vld [tilespmem:s0+$0x13650]  }
0x465: {  	[tilespmem:s0+$0xEE20] =	vst v4;
	v4 =	vadd.f32 v9, v6;
	v6 =	vld [tilespmem:s0+$0xEE60]  }
0x466: {  	v9 =	vld [tilespmem:s0+$0x13660]  }
0x467: {  	[tilespmem:s0+$0xEE30] =	vst v4;
	v4 =	vadd.f32 v8, v5;
	v5 =	vld [tilespmem:s0+$0xEE70]  }
0x468: {  	v8 =	vld [tilespmem:s0+$0x13670]  }
0x469: {  	[tilespmem:s0+$0xEE40] =	vst v4;
	v4 =	vadd.f32 v10, v7;
	v7 =	vld [tilespmem:s28+$0xEE00]  }
0x46a: {  	v10 =	vld [tilespmem:s28+$0x13600]  }
0x46b: {  	[tilespmem:s0+$0xEE50] =	vst v4;
	v4 =	vadd.f32 v9, v6;
	v6 =	vld [tilespmem:s28+$0xEE10]  }
0x46c: {  	v9 =	vld [tilespmem:s28+$0x13610]  }
0x46d: {  	[tilespmem:s0+$0xEE60] =	vst v4;
	v4 =	vadd.f32 v8, v5;
	v5 =	vld [tilespmem:s28+$0xEE20]  }
0x46e: {  	v8 =	vld [tilespmem:s28+$0x13620]  }
0x46f: {  	[tilespmem:s0+$0xEE70] =	vst v4;
	v4 =	vadd.f32 v10, v7;
	v7 =	vld [tilespmem:s28+$0xEE30]  }
0x470: {  	v10 =	vld [tilespmem:s28+$0x13630]  }
0x471: {  	[tilespmem:s28+$0xEE00] =	vst v4;
	v4 =	vadd.f32 v9, v6;
	v9 =	vld [tilespmem:s28+$0xEE40]  }
0x472: {  	v11 =	vld [tilespmem:s28+$0x13640]  }
0x473: {  	[tilespmem:s28+$0xEE10] =	vst v4;
	v4 =	vadd.f32 v8, v5;
	v12 =	vld [tilespmem:s28+$0xEE50]  }
0x474: {  	v13 =	vld [tilespmem:s28+$0x13650]  }
.Ltmp2:
0x475: {  	[tilespmem:s28+$0xEE20] =	vst v4;
	v4 =	vadd.f32 v10, v7;
	v6 =	vld [tilespmem:s28+$0xEE60];
	(pc) =	sbr.rel @p0 .LBB2_7-.Ltmp2, $4  }
0x476: {  	v8 =	vld [tilespmem:s28+$0x13660]  }
0x477: {  	[tilespmem:s28+$0xEE30] =	vst v4;
	v9 =	vadd.f32 v11, v9;
	v5 =	vld [tilespmem:s28+$0xEE70]  }
0x478: {  	v7 =	vld [tilespmem:s28+$0x13670]  }
0x479: {  	v4 =	vld [tilespmem:s31+$0xEE00];
	[tilespmem:s28+$0xEE40] =	vst v9;
	v9 =	vadd.f32 v13, v12  }
0x47a: {  	_ = 	snop  }
0x47b: {  	v10 =	vld [tilespmem:s31+$0x13600]  }
0x47c: {  	v60 =	vld [tilespmem:s3+$0xEE00];
	v6 =	vadd.f32 v8, v6  }
0x47d: {  	v61 =	vld [tilespmem:s3+$0x13600];
	[tilespmem:s28+$0xEE50] =	vst v9;
	v5 =	vadd.f32 v7, v5  }
0x47e: {  	v62 =	vld [tilespmem:s26+$0x13600];
	[tilespmem:s28+$0xEE60] =	vst v6  }
0x47f: {  	v6 =	vld [tilespmem:s30+$0xEE00];
	[tilespmem:s28+$0xEE70] =	vst v5  }
0x480: {  	v5 =	vld [tilespmem:s30+$0x13600];
	_ =	sdelay $0x1  }
0x481: {  	v4 =	vsub.f32 v4, v10  }
0x482: {  	s0 =	sadd.s32 s5, s24;
	v8 =	vsub.f32 v60, v61  }
0x483: {  	s0 =	sshrl.u32 s0, $0x3;
	v3 =	vsub.f32 v3, v62;
	[tilespmem:s31+$0xEE00] =	vst v4  }
0x484: {  	s23 =	sadd.s32 $0x1, s23;
	s0 =	smul.u32 $0x180, s0;
	[tilespmem:s3+$0xEE00] =	vst v8;
	v63 =	vsub.f32 v6, v5  }
0x485: {  	p0 =	sne.s32 s23, $0x7D;
	[tilespmem:s26+$0xEE00] =	vst v3  }
.Ltmp3:
0x486: {  	s7 =	simm.s32 $0xEE00;
	s0 =	sadd.s32 s6, s0;
	[tilespmem:s30+$0xEE00] =	vst v63;
	(pc) =	sbr.rel @p0 .LBB2_2-.Ltmp3, $4  }
0x487: {  	[hbm4b:s0+s4] =	stream.linear.scatter [tilespmem:s7], [sflag:$0x5], $0x4800, $0x38;
	[tilespmem:$0x17E00] =	vst v63  }
0x488: {  	_ =	swait.ge [sflag:s12], $0x4800  }
0x489: {  	[sflag:s12] =	ssyncset.done $0x0  }
0x48a: {  	[sflag:s12] =	ssyncadd.s32 $0xFFFFB800  }
0x48b: {  	s3 =	rddreg [dreg:$0x8]  }
0x48c: {  	s0 =	rddreg [dreg:$0x7];
	s3 =	sadd.s32 $0x1, s3  }
0x48d: {  	p0 =	sne.s32 s3, s0  }
.Ltmp4:
0x48e: {  	_ = 	snop;
	(pc) =	sbr.rel @p0 .LBB2_1-.Ltmp4, $1  }
0x48f: {  	_ =	sdelay $0x3  }
0x490: {  	_ =	sfence.sel $0x180000  }
0x491: {  	[bflag:$0x0] =	sbarrier.arrive $0xFFFF  }
0x492: {  	_ =	strace $0x90000047  }
0x493: {  	s0 =	stileid.u32;
	[bflag:$0x2] =	sbarrier.arrive $0xFFFF  }
0x494: {  	p0 =	sne.s32 s0, $0x0;
	s0 =	rddreg [dreg:$0x4]  }
0x495: {  	s0 =	sadd.s32 @!p0 $0x100000, s0  }
0x496: {  	[sflag:s0] =	ssyncadd.tile.s32 @!p0 $0x1;
	_ =	shalt  }
.Lfunc_end2:
_tile_overlayer_lowered:
.L_overlay_start_2:
0x497: {  	(tag) =	ssettag $0x2  }
0x498: {  	s0 =	rddreg [dreg:$0x0];
	s2 =	stileid.u32  }
0x499: {  	s1 =	rddreg [dreg:$0x1];
	p0 =	sne.s32 s2, $0x0  }
0x49a: {  	s3 =	rddreg [dreg:$0x2];
	[bflag:$0x3] =	sbarrier.arrive $0xFFFF;
	s2 =	simm.s32 @!p0 $0x1C05  }
0x49b: {  	[timem:s3], [sflag:s2] =	dma.local @!p0 [hbm:s0], s1  }
0x49c: {  	s0 =	simm.s32 @!p0 $0x5  }
0x49d: {  	_ =	swait.ge @!p0 [sflag:s0], s1  }
0x49e: {  	s1 =	ssub.s32 @!p0 $0x0, s1;
	[sflag:s0] =	ssyncset.done @!p0 $0x0  }
0x49f: {  	[sflag:s0] =	ssyncadd.s32 @!p0 s1  }
0x4a0: {  	[bflag:$0x3] =	sbarrier.arrive $0xFFFF  }
0x4a1: {  	_ =	shalt  }

</sc_bundles>
